<compile_context>
chip_gen: v7x
topology: tpu7x:2x2x1
jax: 0.10.2.dev20260603
libtpu: 0.0.44.dev20260713+nightly
codegen_flags: <defaults>
</compile_context>

<pallas_src>
import functools

import jax
import jax.numpy as jnp
from jax import lax
from jax.experimental import pallas as pl
from jax.experimental.pallas import tpu as pltpu
from jax.experimental.pallas import tpu_sc as plsc

B = 8
P = 4096
N1, N2, N3 = 1024, 256, 64
MIN_ALPHA = 0.01
_HI = jax.lax.Precision.HIGHEST
_INTERPRET = False
_USE_SC = True


def _dot(a, b, prec=jax.lax.Precision.DEFAULT):
    return jax.lax.dot_general(a, b, (((1,), (0,)), ((), ())),
                               precision=prec, preferred_element_type=jnp.float32)


def _iota(shape, dim):
    return jax.lax.broadcasted_iota(jnp.int32, shape, dim)



def _fps_level(x, y, z, n, idx_ref, sx_ref, sy_ref, sz_ref):
    m = x.shape[1]
    lane_m = _iota((1, m), 1)
    x0, y0, z0 = x[:, 0:1], y[:, 0:1], z[:, 0:1]
    dx, dy, dz = x - x0, y - y0, z - z0
    d = dx * dx + dy * dy + dz * dz

    ch = min(n, 128)
    lane_ch = _iota((1, ch), 1)

    def step_fn(c):
        def step(t, carry):
            d, axx, ayy, azz, aidx = carry
            mx = jnp.max(d, axis=1, keepdims=True)
            nxt = jnp.min(jnp.where(d == mx, lane_m, m), axis=1, keepdims=True)
            oneh = lane_m == nxt
            sx = jnp.sum(jnp.where(oneh, x, 0.0), axis=1, keepdims=True)
            sy = jnp.sum(jnp.where(oneh, y, 0.0), axis=1, keepdims=True)
            sz = jnp.sum(jnp.where(oneh, z, 0.0), axis=1, keepdims=True)
            dx, dy, dz = x - sx, y - sy, z - sz
            d = jnp.minimum(d, dx * dx + dy * dy + dz * dz)
            sel = lane_ch == (t - c * ch)
            axx = jnp.where(sel, sx, axx)
            ayy = jnp.where(sel, sy, ayy)
            azz = jnp.where(sel, sz, azz)
            aidx = jnp.where(sel, nxt, aidx)
            return d, axx, ayy, azz, aidx

        return step

    for c in range(n // ch):
        if c == 0:
            axx = jnp.where(lane_ch == 0, x0, 0.0)
            ayy = jnp.where(lane_ch == 0, y0, 0.0)
            azz = jnp.where(lane_ch == 0, z0, 0.0)
            lo = 1
        else:
            axx = jnp.zeros((B, ch), jnp.float32)
            ayy = jnp.zeros((B, ch), jnp.float32)
            azz = jnp.zeros((B, ch), jnp.float32)
            lo = c * ch
        aidx = jnp.zeros((B, ch), jnp.int32)
        d, axx, ayy, azz, aidx = jax.lax.fori_loop(
            lo, (c + 1) * ch, step_fn(c), (d, axx, ayy, azz, aidx))
        sl = slice(c * ch, (c + 1) * ch)
        sx_ref[:, sl] = axx
        sy_ref[:, sl] = ayy
        sz_ref[:, sl] = azz
        if idx_ref is not None:
            idx_ref[:, sl] = aidx


def _fps_body(px, py, pz,
              idx2_ref, idx3_ref,
              l1x_ref, l1y_ref, l1z_ref,
              l2x_ref, l2y_ref, l2z_ref,
              l3x_ref, l3y_ref, l3z_ref):
    x, y, z = px[...], py[...], pz[...]
    _fps_level(x, y, z, N1, None, l1x_ref, l1y_ref, l1z_ref)
    x1, y1, z1 = l1x_ref[...], l1y_ref[...], l1z_ref[...]
    _fps_level(x1, y1, z1, N2, idx2_ref, l2x_ref, l2y_ref, l2z_ref)
    x2, y2, z2 = l2x_ref[...], l2y_ref[...], l2z_ref[...]
    _fps_level(x2, y2, z2, N3, idx3_ref, l3x_ref, l3y_ref, l3z_ref)


def _fps_call(px, py, pz):
    f32, i32 = jnp.float32, jnp.int32
    outs = [
        jax.ShapeDtypeStruct((B, N2), i32),
        jax.ShapeDtypeStruct((B, N3), i32),
        jax.ShapeDtypeStruct((B, N1), f32), jax.ShapeDtypeStruct((B, N1), f32),
        jax.ShapeDtypeStruct((B, N1), f32),
        jax.ShapeDtypeStruct((B, N2), f32), jax.ShapeDtypeStruct((B, N2), f32),
        jax.ShapeDtypeStruct((B, N2), f32),
        jax.ShapeDtypeStruct((B, N3), f32), jax.ShapeDtypeStruct((B, N3), f32),
        jax.ShapeDtypeStruct((B, N3), f32),
    ]
    return pl.pallas_call(_fps_body, out_shape=outs, interpret=_INTERPRET)(px, py, pz)



def _sa1_body(lx, ly, lz, w0, b0, w1, b1, w2, b2, out):
    h = lx[...] * w0[0:1, :] + ly[...] * w0[1:2, :] + lz[...] * w0[2:3, :] + b0[...]
    h = jnp.maximum(h, 0.0)
    h = jnp.maximum(_dot(h, w1[...]) + b1[...], 0.0)
    out[...] = jnp.maximum(_dot(h, w2[...]) + b2[...], 0.0)


def _sa1_call(lx, ly, lz, w0, b0, w1, b1, w2, b2):
    n = lx.shape[0]
    return pl.pallas_call(
        _sa1_body,
        out_shape=jax.ShapeDtypeStruct((n, 128), jnp.float32),
        interpret=_INTERPRET,
    )(lx, ly, lz, w0, b0, w1, b1, w2, b2)



def _sa_gather_body(idx, feat, qx, qy, qz,
                    w0f, w0p, b0, w1, b1, w2, b2, out, *, nsrc):
    nq = idx.shape[1]
    oneh = (_iota((1, nsrc), 1) == idx[0]).astype(jnp.float32)
    g = _dot(oneh, feat[0], _HI)
    posw = (qx[0] * w0p[0:1, :] + qy[0] * w0p[1:2, :] + qz[0] * w0p[2:3, :])
    h = jnp.maximum(_dot(g, w0f[...]) + posw + b0[...], 0.0)
    h = jnp.maximum(_dot(h, w1[...]) + b1[...], 0.0)
    out[0] = jnp.maximum(_dot(h, w2[...]) + b2[...], 0.0)


def _sa_gather_call(idx, feat, qx, qy, qz, w0f, w0p, b0, w1, b1, w2, b2):
    nq = idx.shape[1]
    nsrc, cin = feat.shape[1], feat.shape[2]
    cout = w2.shape[1]
    cmid1, cmid2 = w0f.shape[1], w1.shape[1]
    spec_w = lambda s: pl.BlockSpec(s, lambda b: (0,) * len(s))
    return pl.pallas_call(
        functools.partial(_sa_gather_body, nsrc=nsrc),
        grid=(B,),
        in_specs=[
            pl.BlockSpec((1, nq, 1), lambda b: (b, 0, 0)),
            pl.BlockSpec((1, nsrc, cin), lambda b: (b, 0, 0)),
            pl.BlockSpec((1, nq, 1), lambda b: (b, 0, 0)),
            pl.BlockSpec((1, nq, 1), lambda b: (b, 0, 0)),
            pl.BlockSpec((1, nq, 1), lambda b: (b, 0, 0)),
            spec_w((cin, cmid1)), spec_w((3, cmid1)), spec_w((1, cmid1)),
            spec_w((cmid1, cmid2)), spec_w((1, cmid2)),
            spec_w((cmid2, cout)), spec_w((1, cout)),
        ],
        out_specs=pl.BlockSpec((1, nq, cout), lambda b: (b, 0, 0)),
        out_shape=jax.ShapeDtypeStruct((B, nq, cout), jnp.float32),
        interpret=_INTERPRET,
    )(idx, feat, qx, qy, qz, w0f, w0p, b0, w1, b1, w2, b2)



def _knn_weights(qx, qy, qz, sx, sy, sz):
    dx, dy, dz = qx - sx, qy - sy, qz - sz
    d = dx * dx + dy * dy + dz * dz
    nq, ns = d.shape
    lane = _iota((1, ns), 1)
    mat = jnp.zeros((nq, ns), jnp.float32)
    wt = jnp.zeros((nq, 1), jnp.float32)
    for k in range(3):
        m = jnp.min(d, axis=1, keepdims=True)
        j = jnp.min(jnp.where(d == m, lane, ns), axis=1, keepdims=True)
        oneh = lane == j
        w = 1.0 / jnp.maximum(m, 1e-16)
        mat = jnp.where(oneh, w, mat)
        wt = wt + w
        if k < 2:
            d = jnp.where(oneh, jnp.inf, d)
    return mat, wt



def _fp_body(qx, qy, qz, sx, sy, sz, srcf, skipf,
             w0a, w0b, b0, w1, b1, out):
    mat, wt = _knn_weights(qx[0], qy[0], qz[0], sx[0], sy[0], sz[0])
    interp = _dot(mat, srcf[0]) / wt
    h = jnp.maximum(_dot(interp, w0a[...]) + _dot(skipf[0], w0b[...]) + b0[...], 0.0)
    out[0] = jnp.maximum(_dot(h, w1[...]) + b1[...], 0.0)


def _fp_call(qpos, spos, srcf, skipf, w0a, w0b, b0, w1, b1):
    qx, qy, qz = qpos
    sx, sy, sz = spos
    nq, ns = qx.shape[1], sx.shape[2]
    cin, cskip = srcf.shape[2], skipf.shape[2]
    cmid, cout = w0a.shape[1], w1.shape[1]
    spec_w = lambda s: pl.BlockSpec(s, lambda b: (0,) * len(s))
    return pl.pallas_call(
        _fp_body,
        grid=(B,),
        in_specs=[
            pl.BlockSpec((1, nq, 1), lambda b: (b, 0, 0)),
            pl.BlockSpec((1, nq, 1), lambda b: (b, 0, 0)),
            pl.BlockSpec((1, nq, 1), lambda b: (b, 0, 0)),
            pl.BlockSpec((1, 1, ns), lambda b: (b, 0, 0)),
            pl.BlockSpec((1, 1, ns), lambda b: (b, 0, 0)),
            pl.BlockSpec((1, 1, ns), lambda b: (b, 0, 0)),
            pl.BlockSpec((1, ns, cin), lambda b: (b, 0, 0)),
            pl.BlockSpec((1, nq, cskip), lambda b: (b, 0, 0)),
            spec_w((cin, cmid)), spec_w((cskip, cmid)), spec_w((1, cmid)),
            spec_w((cmid, cout)), spec_w((1, cout)),
        ],
        out_specs=pl.BlockSpec((1, nq, cout), lambda b: (b, 0, 0)),
        out_shape=jax.ShapeDtypeStruct((B, nq, cout), jnp.float32),
        interpret=_INTERPRET,
    )(qx, qy, qz, sx, sy, sz, srcf, skipf, w0a, w0b, b0, w1, b1)



def _knn1_body(qx, qy, qz, sx, sy, sz, idx_ref, w_ref):
    b = pl.program_id(0)
    dx = qx[0] - sx[0]
    dy = qy[0] - sy[0]
    dz = qz[0] - sz[0]
    d = dx * dx + dy * dy + dz * dz
    nq, ns = d.shape
    lane = _iota((1, ns), 1)
    wt = jnp.zeros((nq, 1), jnp.float32)
    js, ws = [], []
    for k in range(3):
        m = jnp.min(d, axis=1, keepdims=True)
        j = jnp.min(jnp.where(d == m, lane, ns), axis=1, keepdims=True)
        w = 1.0 / jnp.maximum(m, 1e-16)
        js.append(j)
        ws.append(w)
        wt = wt + w
        if k < 2:
            d = jnp.where(lane == j, jnp.inf, d)
    for k in range(3):
        idx_ref[0, :, k:k + 1] = js[k] + b * ns
        w_ref[0, :, k:k + 1] = ws[k] / wt


def _knn1_call(qpos, spos):
    qx, qy, qz = qpos
    sx, sy, sz = spos
    qt = 1024
    nblk = P // qt
    outs = [
        jax.ShapeDtypeStruct((B, P, 3), jnp.int32),
        jax.ShapeDtypeStruct((B, P, 3), jnp.float32),
    ]
    return pl.pallas_call(
        _knn1_body,
        grid=(B, nblk),
        in_specs=[
            pl.BlockSpec((1, qt, 1), lambda b, j: (b, j, 0)),
            pl.BlockSpec((1, qt, 1), lambda b, j: (b, j, 0)),
            pl.BlockSpec((1, qt, 1), lambda b, j: (b, j, 0)),
            pl.BlockSpec((1, 1, N1), lambda b, j: (b, 0, 0)),
            pl.BlockSpec((1, 1, N1), lambda b, j: (b, 0, 0)),
            pl.BlockSpec((1, 1, N1), lambda b, j: (b, 0, 0)),
        ],
        out_specs=[
            pl.BlockSpec((1, qt, 3), lambda b, j: (b, j, 0)),
            pl.BlockSpec((1, qt, 3), lambda b, j: (b, j, 0)),
        ],
        out_shape=outs,
        interpret=_INTERPRET,
    )(qx, qy, qz, sx, sy, sz)


_NW = 32
_QC = 128


def _interp_sc_call(table, idxg, wts):
    nq = idxg.shape[0] // 3
    qpw = nq // _NW
    nch = qpw // _QC
    mesh = plsc.VectorSubcoreMesh(core_axis_name="c", subcore_axis_name="s")

    @functools.partial(
        pl.kernel, mesh=mesh,
        out_type=jax.ShapeDtypeStruct((nq, 128), jnp.float32),
        scratch_types=[
            pltpu.VMEM((_QC * 3,), jnp.int32),
            pltpu.VMEM((_QC * 3 + 16,), jnp.float32),
            pltpu.VMEM((_QC * 3, 128), jnp.float32),
            pltpu.VMEM((_QC, 128), jnp.float32),
            pltpu.SemaphoreType.DMA,
        ],
    )
    def k(table_h, idx_h, w_h, out_h, idx_v, w_v, rows_v, out_v, sem):
        wid = lax.axis_index("s") * 2 + lax.axis_index("c")

        def chunk(c, carry):
            qbase = wid * qpw + c * _QC
            ibase = qbase * 3
            pltpu.sync_copy(idx_h.at[pl.ds(ibase, _QC * 3)], idx_v)
            pltpu.sync_copy(w_h.at[pl.ds(ibase, _QC * 3)], w_v.at[pl.ds(0, _QC * 3)])
            pltpu.async_copy(table_h.at[idx_v], rows_v, sem).wait()

            def q_loop(q, carry2):
                wv = w_v[pl.ds(3 * q, 16)]
                w0 = wv[0]
                w1 = wv[1]
                w2 = wv[2]
                for s in range(8):
                    sl = pl.ds(s * 16, 16)
                    acc = (rows_v[3 * q, sl] * w0
                           + rows_v[3 * q + 1, sl] * w1
                           + rows_v[3 * q + 2, sl] * w2)
                    out_v[q, sl] = acc
                return carry2

            lax.fori_loop(0, _QC, q_loop, 0)
            pltpu.sync_copy(out_v, out_h.at[pl.ds(qbase, _QC)])
            return carry

        lax.fori_loop(0, nch, chunk, 0)

    return k(table, idxg, wts)


def _fp1mlp_body(interp, qx, qy, qz,
                 w0f, w0p, b0, w1, b1, w2, b2, wh0, bh0, wh1, bh1, out):
    posw = (qx[0] * w0p[0:1, :] + qy[0] * w0p[1:2, :] + qz[0] * w0p[2:3, :])
    h = jnp.maximum(_dot(interp[0], w0f[...]) + posw + b0[...], 0.0)
    h = jnp.maximum(_dot(h, w1[...]) + b1[...], 0.0)
    h = jnp.maximum(_dot(h, w2[...]) + b2[...], 0.0)
    a = jnp.maximum(_dot(h, wh0[...]) + bh0[...], 0.0)
    v = _dot(a, wh1[...]) + bh1[...]
    sp = jnp.maximum(v, 0.0) + jnp.log(1.0 + jnp.exp(-jnp.abs(v)))
    out[0] = sp + MIN_ALPHA


def _fp1mlp_call(interp, qpos, wf, hd):
    qx, qy, qz = qpos
    qt = 1024
    nblk = P // qt
    spec_w = lambda s: pl.BlockSpec(s, lambda b, j: (0,) * len(s))
    w0f, w0p, b0, w1, b1, w2, b2 = wf
    wh0, bh0, wh1, bh1 = hd
    return pl.pallas_call(
        _fp1mlp_body,
        grid=(B, nblk),
        in_specs=[
            pl.BlockSpec((1, qt, 128), lambda b, j: (b, j, 0)),
            pl.BlockSpec((1, qt, 1), lambda b, j: (b, j, 0)),
            pl.BlockSpec((1, qt, 1), lambda b, j: (b, j, 0)),
            pl.BlockSpec((1, qt, 1), lambda b, j: (b, j, 0)),
            spec_w((128, 128)), spec_w((3, 128)), spec_w((1, 128)),
            spec_w((128, 128)), spec_w((1, 128)),
            spec_w((128, 128)), spec_w((1, 128)),
            spec_w((128, 64)), spec_w((1, 64)),
            spec_w((64, 1)), spec_w((1, 1)),
        ],
        out_specs=pl.BlockSpec((1, qt, 1), lambda b, j: (b, j, 0)),
        out_shape=jax.ShapeDtypeStruct((B, P, 1), jnp.float32),
        interpret=_INTERPRET,
    )(interp, qx, qy, qz,
      w0f, w0p, b0, w1, b1, w2, b2, wh0, bh0, wh1, bh1)



def _fp1_body(qx, qy, qz, sx, sy, sz, srcf,
              w0f, w0p, b0, w1, b1, w2, b2, wh0, bh0, wh1, bh1, out):
    mat, wt = _knn_weights(qx[0], qy[0], qz[0], sx[0], sy[0], sz[0])
    interp = _dot(mat, srcf[0]) / wt
    posw = (qx[0] * w0p[0:1, :] + qy[0] * w0p[1:2, :] + qz[0] * w0p[2:3, :])
    h = jnp.maximum(_dot(interp, w0f[...]) + posw + b0[...], 0.0)
    h = jnp.maximum(_dot(h, w1[...]) + b1[...], 0.0)
    h = jnp.maximum(_dot(h, w2[...]) + b2[...], 0.0)
    a = jnp.maximum(_dot(h, wh0[...]) + bh0[...], 0.0)
    v = _dot(a, wh1[...]) + bh1[...]
    sp = jnp.maximum(v, 0.0) + jnp.log(1.0 + jnp.exp(-jnp.abs(v)))
    out[0] = sp + MIN_ALPHA


def _fp1_call(qpos, spos, srcf, wf, hd):
    qx, qy, qz = qpos
    sx, sy, sz = spos
    qt = 1024
    nblk = P // qt
    spec_w = lambda s: pl.BlockSpec(s, lambda b, j: (0,) * len(s))
    w0f, w0p, b0, w1, b1, w2, b2 = wf
    wh0, bh0, wh1, bh1 = hd
    return pl.pallas_call(
        _fp1_body,
        grid=(B, nblk),
        in_specs=[
            pl.BlockSpec((1, qt, 1), lambda b, j: (b, j, 0)),
            pl.BlockSpec((1, qt, 1), lambda b, j: (b, j, 0)),
            pl.BlockSpec((1, qt, 1), lambda b, j: (b, j, 0)),
            pl.BlockSpec((1, 1, N1), lambda b, j: (b, 0, 0)),
            pl.BlockSpec((1, 1, N1), lambda b, j: (b, 0, 0)),
            pl.BlockSpec((1, 1, N1), lambda b, j: (b, 0, 0)),
            pl.BlockSpec((1, N1, 128), lambda b, j: (b, 0, 0)),
            spec_w((128, 128)), spec_w((3, 128)), spec_w((1, 128)),
            spec_w((128, 128)), spec_w((1, 128)),
            spec_w((128, 128)), spec_w((1, 128)),
            spec_w((128, 64)), spec_w((1, 64)),
            spec_w((64, 1)), spec_w((1, 1)),
        ],
        out_specs=pl.BlockSpec((1, qt, 1), lambda b, j: (b, j, 0)),
        out_shape=jax.ShapeDtypeStruct((B, P, 1), jnp.float32),
        interpret=_INTERPRET,
    )(qx, qy, qz, sx, sy, sz, srcf,
      w0f, w0p, b0, w1, b1, w2, b2, wh0, bh0, wh1, bh1)



def kernel(pos, batch, params):
    del batch
    f32 = jnp.float32
    pos_b = pos.reshape(B, P, 3)
    px = pos_b[..., 0]
    py = pos_b[..., 1]
    pz = pos_b[..., 2]

    (idx2, idx3, l1x, l1y, l1z, l2x, l2y, l2z, l3x, l3y, l3z) = _fps_call(px, py, pz)

    rb = lambda b_: b_.reshape(1, -1).astype(f32)
    sa1 = params["sa1"]
    l1feat = _sa1_call(
        l1x.reshape(-1, 1), l1y.reshape(-1, 1), l1z.reshape(-1, 1),
        sa1["W"][0], rb(sa1["b"][0]), sa1["W"][1], rb(sa1["b"][1]),
        sa1["W"][2], rb(sa1["b"][2]),
    ).reshape(B, N1, 128)

    sa2 = params["sa2"]
    l2feat = _sa_gather_call(
        idx2.reshape(B, N2, 1), l1feat,
        l2x.reshape(B, N2, 1), l2y.reshape(B, N2, 1), l2z.reshape(B, N2, 1),
        sa2["W"][0][:128], sa2["W"][0][128:], rb(sa2["b"][0]),
        sa2["W"][1], rb(sa2["b"][1]), sa2["W"][2], rb(sa2["b"][2]),
    )

    sa3 = params["sa3"]
    l3feat = _sa_gather_call(
        idx3.reshape(B, N3, 1), l2feat,
        l3x.reshape(B, N3, 1), l3y.reshape(B, N3, 1), l3z.reshape(B, N3, 1),
        sa3["W"][0][:256], sa3["W"][0][256:], rb(sa3["b"][0]),
        sa3["W"][1], rb(sa3["b"][1]), sa3["W"][2], rb(sa3["b"][2]),
    )

    fp3 = params["fp3"]
    l2fp = _fp_call(
        (l2x.reshape(B, N2, 1), l2y.reshape(B, N2, 1), l2z.reshape(B, N2, 1)),
        (l3x.reshape(B, 1, N3), l3y.reshape(B, 1, N3), l3z.reshape(B, 1, N3)),
        l3feat, l2feat,
        fp3["W"][0][:1024], fp3["W"][0][1024:], rb(fp3["b"][0]),
        fp3["W"][1], rb(fp3["b"][1]),
    )

    fp2 = params["fp2"]
    l1fp = _fp_call(
        (l1x.reshape(B, N1, 1), l1y.reshape(B, N1, 1), l1z.reshape(B, N1, 1)),
        (l2x.reshape(B, 1, N2), l2y.reshape(B, 1, N2), l2z.reshape(B, 1, N2)),
        l2fp, l1feat,
        fp2["W"][0][:256], fp2["W"][0][256:], rb(fp2["b"][0]),
        fp2["W"][1], rb(fp2["b"][1]),
    )

    fp1 = params["fp1"]
    hd = params["head"]
    fp1_w = (fp1["W"][0][:128], fp1["W"][0][128:], rb(fp1["b"][0]),
             fp1["W"][1], rb(fp1["b"][1]), fp1["W"][2], rb(fp1["b"][2]))
    hd_w = (hd["W"][0], rb(hd["b"][0]), hd["W"][1], rb(hd["b"][1]))
    qpos0 = (pos_b[..., 0:1], pos_b[..., 1:2], pos_b[..., 2:3])
    spos1 = (l1x.reshape(B, 1, N1), l1y.reshape(B, 1, N1), l1z.reshape(B, 1, N1))
    if _USE_SC:
        idxg, wts = _knn1_call(qpos0, spos1)
        interp = _interp_sc_call(
            l1fp.reshape(B * N1, 128), idxg.reshape(-1), wts.reshape(-1))
        alpha = _fp1mlp_call(interp.reshape(B, P, 128), qpos0, fp1_w, hd_w)
    else:
        alpha = _fp1_call(qpos0, spos1, l1fp, fp1_w, hd_w)

    alpha_mean_act = alpha.reshape(B, 1, P)
    alpha_std = jnp.full_like(alpha_mean_act, 0.01)
    return alpha_mean_act, alpha_std

# --- scband reference (transcript-rebuilt; emitter-appended) ---
"""Pipeline reference for scband-py-g-point-net2-alpha-predictor-11467562680982 (READ-ONLY COPY).

The authoritative reference and input builder live on the scoring server;
editing this copy changes nothing except your own understanding.
"""

import jax, jax.numpy as jnp
import numpy as np

B = 8
P = 4096
K = 3
MIN_ALPHA = 0.01

def _mlp_params(key, dims):
    Ws, bs = [], []
    for i in range(len(dims) - 1):
        key, k1 = jax.random.split(key)
        Ws.append(jax.random.normal(k1, (dims[i], dims[i + 1]), dtype=jnp.float32) * np.sqrt(2.0 / dims[i]))
        bs.append(jnp.zeros((dims[i + 1],), dtype=jnp.float32))
    return {"W": Ws, "b": bs}, key

def setup_inputs(seed: int = 0):
    key = jax.random.key(seed)
    key, kp = jax.random.split(key)
    pos = jax.random.normal(kp, (B * P, 3), dtype=jnp.float32)
    batch = jnp.repeat(jnp.arange(B), P)
    params = {}
    for name, dims in [("sa1", [3, 64, 64, 128]), ("sa2", [131, 128, 128, 256]), ("sa3", [259, 256, 512, 1024]), ("fp3", [1280, 256, 256]), ("fp2", [384, 256, 128]), ("fp1", [131, 128, 128, 128]), ("head", [128, 64, 1])]:
        params[name], key = _mlp_params(key, dims)
    return {"pos": pos, "batch": batch, "params": params}

def _mlp(x, p):
    n = len(p["W"])
    for i in range(n):
        x = x @ p["W"][i] + p["b"][i]
        if i < n - 1:
            x = jax.nn.relu(x)
    return x

def _fps_single(pos, n_samples):
    pos = jax.lax.stop_gradient(pos)
    d0 = jnp.sum((pos - pos[0]) ** 2, axis=1)
    def step(dists, _):
        nxt = jnp.argmax(dists)
        d = jnp.sum((pos - pos[nxt]) ** 2, axis=1)
        return jnp.minimum(dists, d), nxt
    _, idx_rest = jax.lax.scan(step, d0, None, length=n_samples - 1)
    return jnp.concatenate([jnp.zeros((1,), dtype=idx_rest.dtype), idx_rest])

def _knn_interp_single(x_src, pos_src, pos_dst):
    d = jnp.sum((pos_dst[:, None, :] - pos_src[None, :, :]) ** 2, axis=-1)
    neg_d, idx = jax.lax.top_k(-d, K)
    w = 1.0 / jnp.clip(-neg_d, 1e-16)
    w = w / jnp.sum(w, axis=1, keepdims=True)
    return jnp.sum(x_src[idx] * w[..., None], axis=1)

_knn_interp = jax.vmap(_knn_interp_single)

def _gather(x, idx):
    return jnp.take_along_axis(x, idx[..., None], axis=1)

def _forward(pos, batch, params):
    pos_b = pos.reshape(B, P, 3)
    n1, n2, n3 = P // 4, P // 16, P // 64
    idx1 = jax.vmap(lambda p: _fps_single(p, n1))(pos_b)
    l1_pos = _gather(pos_b, idx1)
    l1_feat = jax.nn.relu(_mlp(l1_pos, params["sa1"]))
    idx2 = jax.vmap(lambda p: _fps_single(p, n2))(l1_pos)
    l2_pos = _gather(l1_pos, idx2)
    l2_feat = jax.nn.relu(_mlp(jnp.concatenate([_gather(l1_feat, idx2), l2_pos], axis=-1), params["sa2"]))
    idx3 = jax.vmap(lambda p: _fps_single(p, n3))(l2_pos)
    l3_pos = _gather(l2_pos, idx3)
    l3_feat = jax.nn.relu(_mlp(jnp.concatenate([_gather(l2_feat, idx3), l3_pos], axis=-1), params["sa3"]))
    l2_interp = _knn_interp(l3_feat, l3_pos, l2_pos)
    l2_fp = jax.nn.relu(_mlp(jnp.concatenate([l2_interp, l2_feat], axis=-1), params["fp3"]))
    l1_interp = _knn_interp(l2_fp, l2_pos, l1_pos)
    l1_fp = jax.nn.relu(_mlp(jnp.concatenate([l1_interp, l1_feat], axis=-1), params["fp2"]))
    l0_interp = _knn_interp(l1_fp, l1_pos, pos_b)
    l0_fp = jax.nn.relu(_mlp(jnp.concatenate([l0_interp, pos_b], axis=-1), params["fp1"]))
    alpha_mean = _mlp(l0_fp, params["head"])
    alpha_mean_dense = jnp.transpose(alpha_mean, (0, 2, 1))
    alpha_mean_act = jax.nn.softplus(alpha_mean_dense) + MIN_ALPHA
    alpha_std = jnp.ones_like(alpha_mean_act) * 0.01
    return alpha_mean_act, alpha_std

def reference(pos, batch, params):
    return _forward(pos, batch, params)

if __name__ == "__main__":
    import jax
    _d = setup_inputs()
    print(jax.jit(kernel)(*tuple(_d.values())))

</pallas_src>

<mosaic_0001>
#map = affine_map<(d0, d1) -> (0, 0)>
#map1 = affine_map<(d0, d1) -> (0)>
module attributes {stable_mosaic.version = 14 : i64} {
  func.func @k(%arg0: i32, %arg1: i32, %arg2: memref<8192x128xf32, #tpu.memory_space<hbm>>, %arg3: memref<98304xi32, #tpu.memory_space<hbm>>, %arg4: memref<98304xf32, #tpu.memory_space<hbm>>, %arg5: memref<32768x128xf32, #tpu.memory_space<hbm>>, %arg6: memref<384xi32, #tpu.memory_space<vmem>>, %arg7: memref<400xf32, #tpu.memory_space<vmem>>, %arg8: memref<384x128xf32, #tpu.memory_space<vmem>>, %arg9: memref<128x128xf32, #tpu.memory_space<vmem>>, %arg10: memref<!tpu.dma_semaphore, #tpu.memory_space<semaphore_mem>>) attributes {dimension_semantics = [#tpu.dimension_semantics<core_parallel>, #tpu.dimension_semantics<subcore_parallel>], iteration_bounds = array<i64: 2, 16>, scalar_prefetch = 0 : i64, scratch_operands = 5 : i64, tpu.core_type = #tpu.core_type<sc_vector_subcore>, window_params = [{transform_indices = #map}, {transform_indices = #map1}, {transform_indices = #map1}, {transform_indices = #map}]} {
    %mul3A = arith.constant 2 : i32
    %mul3A_0 = arith.muli %arg1, %mul3A : i32
    %add3A = arith.addi %mul3A_0, %arg0 : i32
    %scan3A = arith.constant 0 : i32
    %scan3A_1 = arith.constant 0 : i32
    %scan3A_2 = arith.constant 8 : i32
    %scan3A_3 = arith.addi %scan3A_1, %scan3A_2 : i32
    %scan3A_4 = arith.constant 1 : i32
    scf.for %scan3A_6 = %scan3A_1 to %scan3A_3 step %scan3A_4  : i32 {
      %mul3A_7 = arith.constant 1024 : i32
      %mul3A_8 = arith.muli %add3A, %mul3A_7 : i32
      %mul3A_9 = arith.constant 128 : i32
      %mul3A_10 = arith.muli %scan3A_6, %mul3A_9 : i32
      %add3A_11 = arith.addi %mul3A_8, %mul3A_10 : i32
      %mul3A_12 = arith.constant 3 : i32
      %mul3A_13 = arith.muli %add3A_11, %mul3A_12 : i32
      "tpu.region"() ({
        %run_scoped3A = tpu.sem_alloc : memref<!tpu.dma_semaphore, #tpu.memory_space<semaphore_mem>>
        %dma_start3A_24 = tpu.memref_slice %arg3[%mul3A_13] : memref<98304xi32, #tpu.memory_space<hbm>> -> memref<384xi32, #tpu.memory_space<hbm>>
        %dma_start3A_25 = tpu.memref_slice %arg3[%mul3A_13] : memref<98304xi32, #tpu.memory_space<hbm>> -> memref<384xi32, #tpu.memory_space<hbm>>
        tpu.enqueue_dma source(%dma_start3A_25 : memref<384xi32, #tpu.memory_space<hbm>>) target(%arg6 : memref<384xi32, #tpu.memory_space<vmem>>) target_semaphore(%run_scoped3A : memref<!tpu.dma_semaphore, #tpu.memory_space<semaphore_mem>>)
        %dma_wait3A_26 = tpu.memref_slice %arg3[%mul3A_13] : memref<98304xi32, #tpu.memory_space<hbm>> -> memref<384xi32, #tpu.memory_space<hbm>>
        %dma_wait3A_27 = tpu.memref_slice %arg3[%mul3A_13] : memref<98304xi32, #tpu.memory_space<hbm>> -> memref<384xi32, #tpu.memory_space<hbm>>
        tpu.wait_dma2 semaphore(%run_scoped3A : memref<!tpu.dma_semaphore, #tpu.memory_space<semaphore_mem>>) src(%dma_wait3A_27 : memref<384xi32, #tpu.memory_space<hbm>>) dst(%arg6 : memref<384xi32, #tpu.memory_space<vmem>>)
        tpu.yield
      }) : () -> ()
      "tpu.region"() ({
        %run_scoped3A = tpu.sem_alloc : memref<!tpu.dma_semaphore, #tpu.memory_space<semaphore_mem>>
        %dma_start3A_24 = arith.constant 0 : i32
        %dma_start3A_25 = tpu.memref_slice %arg7[%dma_start3A_24] : memref<400xf32, #tpu.memory_space<vmem>> -> memref<384xf32, #tpu.memory_space<vmem>>
        %dma_start3A_26 = tpu.memref_slice %arg4[%mul3A_13] : memref<98304xf32, #tpu.memory_space<hbm>> -> memref<384xf32, #tpu.memory_space<hbm>>
        %dma_start3A_27 = arith.constant 0 : i32
        %dma_start3A_28 = tpu.memref_slice %arg7[%dma_start3A_27] : memref<400xf32, #tpu.memory_space<vmem>> -> memref<384xf32, #tpu.memory_space<vmem>>
        %dma_start3A_29 = tpu.memref_slice %arg4[%mul3A_13] : memref<98304xf32, #tpu.memory_space<hbm>> -> memref<384xf32, #tpu.memory_space<hbm>>
        tpu.enqueue_dma source(%dma_start3A_29 : memref<384xf32, #tpu.memory_space<hbm>>) target(%dma_start3A_28 : memref<384xf32, #tpu.memory_space<vmem>>) target_semaphore(%run_scoped3A : memref<!tpu.dma_semaphore, #tpu.memory_space<semaphore_mem>>)
        %dma_wait3A_30 = arith.constant 0 : i32
        %dma_wait3A_31 = tpu.memref_slice %arg7[%dma_wait3A_30] : memref<400xf32, #tpu.memory_space<vmem>> -> memref<384xf32, #tpu.memory_space<vmem>>
        %dma_wait3A_32 = tpu.memref_slice %arg4[%mul3A_13] : memref<98304xf32, #tpu.memory_space<hbm>> -> memref<384xf32, #tpu.memory_space<hbm>>
        %dma_wait3A_33 = arith.constant 0 : i32
        %dma_wait3A_34 = tpu.memref_slice %arg7[%dma_wait3A_33] : memref<400xf32, #tpu.memory_space<vmem>> -> memref<384xf32, #tpu.memory_space<vmem>>
        %dma_wait3A_35 = tpu.memref_slice %arg4[%mul3A_13] : memref<98304xf32, #tpu.memory_space<hbm>> -> memref<384xf32, #tpu.memory_space<hbm>>
        tpu.wait_dma2 semaphore(%run_scoped3A : memref<!tpu.dma_semaphore, #tpu.memory_space<semaphore_mem>>) src(%dma_wait3A_35 : memref<384xf32, #tpu.memory_space<hbm>>) dst(%dma_wait3A_34 : memref<384xf32, #tpu.memory_space<vmem>>)
        tpu.yield
      }) : () -> ()
      %dma_start3A = arith.constant 0 : i32
      %dma_start3A_14 = arith.constant 0 : i32
      %dma_start3A_15 = tpu.memref_slice %arg2[%dma_start3A, %dma_start3A_14] : memref<8192x128xf32, #tpu.memory_space<hbm>> -> memref<8192x128xf32, #tpu.memory_space<hbm>>
      tpu.enqueue_indirect_dma source(%dma_start3A_15 : memref<8192x128xf32, #tpu.memory_space<hbm>>) target(%arg8 : memref<384x128xf32, #tpu.memory_space<vmem>>) offsets(%arg6 : memref<384xi32, #tpu.memory_space<vmem>>) semaphore(%arg10 : memref<!tpu.dma_semaphore, #tpu.memory_space<semaphore_mem>>)
      %dma_wait3A = arith.constant 0 : i32
      %dma_wait3A_16 = arith.constant 0 : i32
      %dma_wait3A_17 = tpu.memref_slice %arg2[%dma_wait3A, %dma_wait3A_16] : memref<8192x128xf32, #tpu.memory_space<hbm>> -> memref<8192x128xf32, #tpu.memory_space<hbm>>
      tpu.wait_indirect_dma semaphore(%arg10 : memref<!tpu.dma_semaphore, #tpu.memory_space<semaphore_mem>>) src(%dma_wait3A_17 : memref<8192x128xf32, #tpu.memory_space<hbm>>) dst(%arg8 : memref<384x128xf32, #tpu.memory_space<vmem>>)
      %scan3A_18 = arith.constant 0 : i32
      %scan3A_19 = arith.constant 0 : i32
      %scan3A_20 = arith.constant 128 : i32
      %scan3A_21 = arith.addi %scan3A_19, %scan3A_20 : i32
      %scan3A_22 = arith.constant 1 : i32
      scf.for %scan3A_24 = %scan3A_19 to %scan3A_21 step %scan3A_22  : i32 {
        %mul3A_25 = arith.constant 3 : i32
        %mul3A_26 = arith.muli %mul3A_25, %scan3A_24 : i32
        %get3A = arith.index_cast %mul3A_26 : i32 to index
        %get3A_27 = tpu.vector_load %arg7[%get3A] {strides = array<i32>} : memref<400xf32, #tpu.memory_space<vmem>>, vector<16xf32>,
        %get3A_28 = vector.shape_cast %get3A_27 : vector<16xf32> to vector<16xf32>
        %slice3A = vector.extract_strided_slice %get3A_28 {offsets = [0], sizes = [1], strides = [1]} : vector<16xf32> to vector<1xf32>
        %squeeze3A = vector.extract %slice3A[0] : f32 from vector<1xf32>
        %slice3A_29 = vector.extract_strided_slice %get3A_28 {offsets = [1], sizes = [1], strides = [1]} : vector<16xf32> to vector<1xf32>
        %squeeze3A_30 = vector.extract %slice3A_29[0] : f32 from vector<1xf32>
        %slice3A_31 = vector.extract_strided_slice %get3A_28 {offsets = [2], sizes = [1], strides = [1]} : vector<16xf32> to vector<1xf32>
        %squeeze3A_32 = vector.extract %slice3A_31[0] : f32 from vector<1xf32>
        %mul3A_33 = arith.constant 3 : i32
        %mul3A_34 = arith.muli %mul3A_33, %scan3A_24 : i32
        %get3A_35 = arith.index_cast %mul3A_34 : i32 to index
        %get3A_36 = arith.constant 0 : index
        %get3A_37 = tpu.vector_load %arg8[%get3A_35, %get3A_36] {strides = array<i32>} : memref<384x128xf32, #tpu.memory_space<vmem>>, vector<1x16xf32>,
        %get3A_38 = vector.shape_cast %get3A_37 : vector<1x16xf32> to vector<16xf32>
        %mul3A_39 = vector.broadcast %squeeze3A : f32 to vector<16xf32>
        %mul3A_40 = arith.mulf %get3A_38, %mul3A_39 : vector<16xf32>
        %mul3A_41 = arith.constant 3 : i32
        %mul3A_42 = arith.muli %mul3A_41, %scan3A_24 : i32
        %add3A_43 = arith.constant 1 : i32
        %add3A_44 = arith.addi %mul3A_42, %add3A_43 : i32
        %get3A_45 = arith.index_cast %add3A_44 : i32 to index
        %get3A_46 = arith.constant 0 : index
        %get3A_47 = tpu.vector_load %arg8[%get3A_45, %get3A_46] {strides = array<i32>} : memref<384x128xf32, #tpu.memory_space<vmem>>, vector<1x16xf32>,
        %get3A_48 = vector.shape_cast %get3A_47 : vector<1x16xf32> to vector<16xf32>
        %mul3A_49 = vector.broadcast %squeeze3A_30 : f32 to vector<16xf32>
        %mul3A_50 = arith.mulf %get3A_48, %mul3A_49 : vector<16xf32>
        %add3A_51 = arith.addf %mul3A_40, %mul3A_50 : vector<16xf32>
        %mul3A_52 = arith.constant 3 : i32
        %mul3A_53 = arith.muli %mul3A_52, %scan3A_24 : i32
        %add3A_54 = arith.constant 2 : i32
        %add3A_55 = arith.addi %mul3A_53, %add3A_54 : i32
        %get3A_56 = arith.index_cast %add3A_55 : i32 to index
        %get3A_57 = arith.constant 0 : index
        %get3A_58 = tpu.vector_load %arg8[%get3A_56, %get3A_57] {strides = array<i32>} : memref<384x128xf32, #tpu.memory_space<vmem>>, vector<1x16xf32>,
        %get3A_59 = vector.shape_cast %get3A_58 : vector<1x16xf32> to vector<16xf32>
        %mul3A_60 = vector.broadcast %squeeze3A_32 : f32 to vector<16xf32>
        %mul3A_61 = arith.mulf %get3A_59, %mul3A_60 : vector<16xf32>
        %add3A_62 = arith.addf %add3A_51, %mul3A_61 : vector<16xf32>
        %swap3A = arith.index_cast %scan3A_24 : i32 to index
        %swap3A_63 = arith.constant 0 : index
        %swap3A_64 = tpu.vector_load %arg9[%swap3A, %swap3A_63] {strides = array<i32>} : memref<128x128xf32, #tpu.memory_space<vmem>>, vector<1x16xf32>,
        %swap3A_65 = vector.shape_cast %swap3A_64 : vector<1x16xf32> to vector<16xf32>
        %swap3A_66 = vector.shape_cast %add3A_62 : vector<16xf32> to vector<1x16xf32>
        tpu.vector_store %arg9[%swap3A, %swap3A_63], %swap3A_66 {strides = array<i32>} : memref<128x128xf32, #tpu.memory_space<vmem>>, vector<1x16xf32>,
        %mul3A_67 = arith.constant 3 : i32
        %mul3A_68 = arith.muli %mul3A_67, %scan3A_24 : i32
        %get3A_69 = arith.index_cast %mul3A_68 : i32 to index
        %get3A_70 = arith.constant 16 : index
        %get3A_71 = tpu.vector_load %arg8[%get3A_69, %get3A_70] {strides = array<i32>} : memref<384x128xf32, #tpu.memory_space<vmem>>, vector<1x16xf32>,
        %get3A_72 = vector.shape_cast %get3A_71 : vector<1x16xf32> to vector<16xf32>
        %mul3A_73 = vector.broadcast %squeeze3A : f32 to vector<16xf32>
        %mul3A_74 = arith.mulf %get3A_72, %mul3A_73 : vector<16xf32>
        %mul3A_75 = arith.constant 3 : i32
        %mul3A_76 = arith.muli %mul3A_75, %scan3A_24 : i32
        %add3A_77 = arith.constant 1 : i32
        %add3A_78 = arith.addi %mul3A_76, %add3A_77 : i32
        %get3A_79 = arith.index_cast %add3A_78 : i32 to index
        %get3A_80 = arith.constant 16 : index
        %get3A_81 = tpu.vector_load %arg8[%get3A_79, %get3A_80] {strides = array<i32>} : memref<384x128xf32, #tpu.memory_space<vmem>>, vector<1x16xf32>,
        %get3A_82 = vector.shape_cast %get3A_81 : vector<1x16xf32> to vector<16xf32>
        %mul3A_83 = vector.broadcast %squeeze3A_30 : f32 to vector<16xf32>
        %mul3A_84 = arith.mulf %get3A_82, %mul3A_83 : vector<16xf32>
        %add3A_85 = arith.addf %mul3A_74, %mul3A_84 : vector<16xf32>
        %mul3A_86 = arith.constant 3 : i32
        %mul3A_87 = arith.muli %mul3A_86, %scan3A_24 : i32
        %add3A_88 = arith.constant 2 : i32
        %add3A_89 = arith.addi %mul3A_87, %add3A_88 : i32
        %get3A_90 = arith.index_cast %add3A_89 : i32 to index
        %get3A_91 = arith.constant 16 : index
        %get3A_92 = tpu.vector_load %arg8[%get3A_90, %get3A_91] {strides = array<i32>} : memref<384x128xf32, #tpu.memory_space<vmem>>, vector<1x16xf32>,
        %get3A_93 = vector.shape_cast %get3A_92 : vector<1x16xf32> to vector<16xf32>
        %mul3A_94 = vector.broadcast %squeeze3A_32 : f32 to vector<16xf32>
        %mul3A_95 = arith.mulf %get3A_93, %mul3A_94 : vector<16xf32>
        %add3A_96 = arith.addf %add3A_85, %mul3A_95 : vector<16xf32>
        %swap3A_97 = arith.index_cast %scan3A_24 : i32 to index
        %swap3A_98 = arith.constant 16 : index
        %swap3A_99 = tpu.vector_load %arg9[%swap3A_97, %swap3A_98] {strides = array<i32>} : memref<128x128xf32, #tpu.memory_space<vmem>>, vector<1x16xf32>,
        %swap3A_100 = vector.shape_cast %swap3A_99 : vector<1x16xf32> to vector<16xf32>
        %swap3A_101 = vector.shape_cast %add3A_96 : vector<16xf32> to vector<1x16xf32>
        tpu.vector_store %arg9[%swap3A_97, %swap3A_98], %swap3A_101 {strides = array<i32>} : memref<128x128xf32, #tpu.memory_space<vmem>>, vector<1x16xf32>,
        %mul3A_102 = arith.constant 3 : i32
        %mul3A_103 = arith.muli %mul3A_102, %scan3A_24 : i32
        %get3A_104 = arith.index_cast %mul3A_103 : i32 to index
        %get3A_105 = arith.constant 32 : index
        %get3A_106 = tpu.vector_load %arg8[%get3A_104, %get3A_105] {strides = array<i32>} : memref<384x128xf32, #tpu.memory_space<vmem>>, vector<1x16xf32>,
        %get3A_107 = vector.shape_cast %get3A_106 : vector<1x16xf32> to vector<16xf32>
        %mul3A_108 = vector.broadcast %squeeze3A : f32 to vector<16xf32>
        %mul3A_109 = arith.mulf %get3A_107, %mul3A_108 : vector<16xf32>
        %mul3A_110 = arith.constant 3 : i32
        %mul3A_111 = arith.muli %mul3A_110, %scan3A_24 : i32
        %add3A_112 = arith.constant 1 : i32
        %add3A_113 = arith.addi %mul3A_111, %add3A_112 : i32
        %get3A_114 = arith.index_cast %add3A_113 : i32 to index
        %get3A_115 = arith.constant 32 : index
        %get3A_116 = tpu.vector_load %arg8[%get3A_114, %get3A_115] {strides = array<i32>} : memref<384x128xf32, #tpu.memory_space<vmem>>, vector<1x16xf32>,
        %get3A_117 = vector.shape_cast %get3A_116 : vector<1x16xf32> to vector<16xf32>
        %mul3A_118 = vector.broadcast %squeeze3A_30 : f32 to vector<16xf32>
        %mul3A_119 = arith.mulf %get3A_117, %mul3A_118 : vector<16xf32>
        %add3A_120 = arith.addf %mul3A_109, %mul3A_119 : vector<16xf32>
        %mul3A_121 = arith.constant 3 : i32
        %mul3A_122 = arith.muli %mul3A_121, %scan3A_24 : i32
        %add3A_123 = arith.constant 2 : i32
        %add3A_124 = arith.addi %mul3A_122, %add3A_123 : i32
        %get3A_125 = arith.index_cast %add3A_124 : i32 to index
        %get3A_126 = arith.constant 32 : index
        %get3A_127 = tpu.vector_load %arg8[%get3A_125, %get3A_126] {strides = array<i32>} : memref<384x128xf32, #tpu.memory_space<vmem>>, vector<1x16xf32>,
        %get3A_128 = vector.shape_cast %get3A_127 : vector<1x16xf32> to vector<16xf32>
        %mul3A_129 = vector.broadcast %squeeze3A_32 : f32 to vector<16xf32>
        %mul3A_130 = arith.mulf %get3A_128, %mul3A_129 : vector<16xf32>
        %add3A_131 = arith.addf %add3A_120, %mul3A_130 : vector<16xf32>
        %swap3A_132 = arith.index_cast %scan3A_24 : i32 to index
        %swap3A_133 = arith.constant 32 : index
        %swap3A_134 = tpu.vector_load %arg9[%swap3A_132, %swap3A_133] {strides = array<i32>} : memref<128x128xf32, #tpu.memory_space<vmem>>, vector<1x16xf32>,
        %swap3A_135 = vector.shape_cast %swap3A_134 : vector<1x16xf32> to vector<16xf32>
        %swap3A_136 = vector.shape_cast %add3A_131 : vector<16xf32> to vector<1x16xf32>
        tpu.vector_store %arg9[%swap3A_132, %swap3A_133], %swap3A_136 {strides = array<i32>} : memref<128x128xf32, #tpu.memory_space<vmem>>, vector<1x16xf32>,
        %mul3A_137 = arith.constant 3 : i32
        %mul3A_138 = arith.muli %mul3A_137, %scan3A_24 : i32
        %get3A_139 = arith.index_cast %mul3A_138 : i32 to index
        %get3A_140 = arith.constant 48 : index
        %get3A_141 = tpu.vector_load %arg8[%get3A_139, %get3A_140] {strides = array<i32>} : memref<384x128xf32, #tpu.memory_space<vmem>>, vector<1x16xf32>,
        %get3A_142 = vector.shape_cast %get3A_141 : vector<1x16xf32> to vector<16xf32>
        %mul3A_143 = vector.broadcast %squeeze3A : f32 to vector<16xf32>
        %mul3A_144 = arith.mulf %get3A_142, %mul3A_143 : vector<16xf32>
        %mul3A_145 = arith.constant 3 : i32
        %mul3A_146 = arith.muli %mul3A_145, %scan3A_24 : i32
        %add3A_147 = arith.constant 1 : i32
        %add3A_148 = arith.addi %mul3A_146, %add3A_147 : i32
        %get3A_149 = arith.index_cast %add3A_148 : i32 to index
        %get3A_150 = arith.constant 48 : index
        %get3A_151 = tpu.vector_load %arg8[%get3A_149, %get3A_150] {strides = array<i32>} : memref<384x128xf32, #tpu.memory_space<vmem>>, vector<1x16xf32>,
        %get3A_152 = vector.shape_cast %get3A_151 : vector<1x16xf32> to vector<16xf32>
        %mul3A_153 = vector.broadcast %squeeze3A_30 : f32 to vector<16xf32>
        %mul3A_154 = arith.mulf %get3A_152, %mul3A_153 : vector<16xf32>
        %add3A_155 = arith.addf %mul3A_144, %mul3A_154 : vector<16xf32>
        %mul3A_156 = arith.constant 3 : i32
        %mul3A_157 = arith.muli %mul3A_156, %scan3A_24 : i32
        %add3A_158 = arith.constant 2 : i32
        %add3A_159 = arith.addi %mul3A_157, %add3A_158 : i32
        %get3A_160 = arith.index_cast %add3A_159 : i32 to index
        %get3A_161 = arith.constant 48 : index
        %get3A_162 = tpu.vector_load %arg8[%get3A_160, %get3A_161] {strides = array<i32>} : memref<384x128xf32, #tpu.memory_space<vmem>>, vector<1x16xf32>,
        %get3A_163 = vector.shape_cast %get3A_162 : vector<1x16xf32> to vector<16xf32>
        %mul3A_164 = vector.broadcast %squeeze3A_32 : f32 to vector<16xf32>
        %mul3A_165 = arith.mulf %get3A_163, %mul3A_164 : vector<16xf32>
        %add3A_166 = arith.addf %add3A_155, %mul3A_165 : vector<16xf32>
        %swap3A_167 = arith.index_cast %scan3A_24 : i32 to index
        %swap3A_168 = arith.constant 48 : index
        %swap3A_169 = tpu.vector_load %arg9[%swap3A_167, %swap3A_168] {strides = array<i32>} : memref<128x128xf32, #tpu.memory_space<vmem>>, vector<1x16xf32>,
        %swap3A_170 = vector.shape_cast %swap3A_169 : vector<1x16xf32> to vector<16xf32>
        %swap3A_171 = vector.shape_cast %add3A_166 : vector<16xf32> to vector<1x16xf32>
        tpu.vector_store %arg9[%swap3A_167, %swap3A_168], %swap3A_171 {strides = array<i32>} : memref<128x128xf32, #tpu.memory_space<vmem>>, vector<1x16xf32>,
        %mul3A_172 = arith.constant 3 : i32
        %mul3A_173 = arith.muli %mul3A_172, %scan3A_24 : i32
        %get3A_174 = arith.index_cast %mul3A_173 : i32 to index
        %get3A_175 = arith.constant 64 : index
        %get3A_176 = tpu.vector_load %arg8[%get3A_174, %get3A_175] {strides = array<i32>} : memref<384x128xf32, #tpu.memory_space<vmem>>, vector<1x16xf32>,
        %get3A_177 = vector.shape_cast %get3A_176 : vector<1x16xf32> to vector<16xf32>
        %mul3A_178 = vector.broadcast %squeeze3A : f32 to vector<16xf32>
        %mul3A_179 = arith.mulf %get3A_177, %mul3A_178 : vector<16xf32>
        %mul3A_180 = arith.constant 3 : i32
        %mul3A_181 = arith.muli %mul3A_180, %scan3A_24 : i32
        %add3A_182 = arith.constant 1 : i32
        %add3A_183 = arith.addi %mul3A_181, %add3A_182 : i32
        %get3A_184 = arith.index_cast %add3A_183 : i32 to index
        %get3A_185 = arith.constant 64 : index
        %get3A_186 = tpu.vector_load %arg8[%get3A_184, %get3A_185] {strides = array<i32>} : memref<384x128xf32, #tpu.memory_space<vmem>>, vector<1x16xf32>,
        %get3A_187 = vector.shape_cast %get3A_186 : vector<1x16xf32> to vector<16xf32>
        %mul3A_188 = vector.broadcast %squeeze3A_30 : f32 to vector<16xf32>
        %mul3A_189 = arith.mulf %get3A_187, %mul3A_188 : vector<16xf32>
        %add3A_190 = arith.addf %mul3A_179, %mul3A_189 : vector<16xf32>
        %mul3A_191 = arith.constant 3 : i32
        %mul3A_192 = arith.muli %mul3A_191, %scan3A_24 : i32
        %add3A_193 = arith.constant 2 : i32
        %add3A_194 = arith.addi %mul3A_192, %add3A_193 : i32
        %get3A_195 = arith.index_cast %add3A_194 : i32 to index
        %get3A_196 = arith.constant 64 : index
        %get3A_197 = tpu.vector_load %arg8[%get3A_195, %get3A_196] {strides = array<i32>} : memref<384x128xf32, #tpu.memory_space<vmem>>, vector<1x16xf32>,
        %get3A_198 = vector.shape_cast %get3A_197 : vector<1x16xf32> to vector<16xf32>
        %mul3A_199 = vector.broadcast %squeeze3A_32 : f32 to vector<16xf32>
        %mul3A_200 = arith.mulf %get3A_198, %mul3A_199 : vector<16xf32>
        %add3A_201 = arith.addf %add3A_190, %mul3A_200 : vector<16xf32>
        %swap3A_202 = arith.index_cast %scan3A_24 : i32 to index
        %swap3A_203 = arith.constant 64 : index
        %swap3A_204 = tpu.vector_load %arg9[%swap3A_202, %swap3A_203] {strides = array<i32>} : memref<128x128xf32, #tpu.memory_space<vmem>>, vector<1x16xf32>,
        %swap3A_205 = vector.shape_cast %swap3A_204 : vector<1x16xf32> to vector<16xf32>
        %swap3A_206 = vector.shape_cast %add3A_201 : vector<16xf32> to vector<1x16xf32>
        tpu.vector_store %arg9[%swap3A_202, %swap3A_203], %swap3A_206 {strides = array<i32>} : memref<128x128xf32, #tpu.memory_space<vmem>>, vector<1x16xf32>,
        %mul3A_207 = arith.constant 3 : i32
        %mul3A_208 = arith.muli %mul3A_207, %scan3A_24 : i32
        %get3A_209 = arith.index_cast %mul3A_208 : i32 to index
        %get3A_210 = arith.constant 80 : index
        %get3A_211 = tpu.vector_load %arg8[%get3A_209, %get3A_210] {strides = array<i32>} : memref<384x128xf32, #tpu.memory_space<vmem>>, vector<1x16xf32>,
        %get3A_212 = vector.shape_cast %get3A_211 : vector<1x16xf32> to vector<16xf32>
        %mul3A_213 = vector.broadcast %squeeze3A : f32 to vector<16xf32>
        %mul3A_214 = arith.mulf %get3A_212, %mul3A_213 : vector<16xf32>
        %mul3A_215 = arith.constant 3 : i32
        %mul3A_216 = arith.muli %mul3A_215, %scan3A_24 : i32
        %add3A_217 = arith.constant 1 : i32
        %add3A_218 = arith.addi %mul3A_216, %add3A_217 : i32
        %get3A_219 = arith.index_cast %add3A_218 : i32 to index
        %get3A_220 = arith.constant 80 : index
        %get3A_221 = tpu.vector_load %arg8[%get3A_219, %get3A_220] {strides = array<i32>} : memref<384x128xf32, #tpu.memory_space<vmem>>, vector<1x16xf32>,
        %get3A_222 = vector.shape_cast %get3A_221 : vector<1x16xf32> to vector<16xf32>
        %mul3A_223 = vector.broadcast %squeeze3A_30 : f32 to vector<16xf32>
        %mul3A_224 = arith.mulf %get3A_222, %mul3A_223 : vector<16xf32>
        %add3A_225 = arith.addf %mul3A_214, %mul3A_224 : vector<16xf32>
        %mul3A_226 = arith.constant 3 : i32
        %mul3A_227 = arith.muli %mul3A_226, %scan3A_24 : i32
        %add3A_228 = arith.constant 2 : i32
        %add3A_229 = arith.addi %mul3A_227, %add3A_228 : i32
        %get3A_230 = arith.index_cast %add3A_229 : i32 to index
        %get3A_231 = arith.constant 80 : index
        %get3A_232 = tpu.vector_load %arg8[%get3A_230, %get3A_231] {strides = array<i32>} : memref<384x128xf32, #tpu.memory_space<vmem>>, vector<1x16xf32>,
        %get3A_233 = vector.shape_cast %get3A_232 : vector<1x16xf32> to vector<16xf32>
        %mul3A_234 = vector.broadcast %squeeze3A_32 : f32 to vector<16xf32>
        %mul3A_235 = arith.mulf %get3A_233, %mul3A_234 : vector<16xf32>
        %add3A_236 = arith.addf %add3A_225, %mul3A_235 : vector<16xf32>
        %swap3A_237 = arith.index_cast %scan3A_24 : i32 to index
        %swap3A_238 = arith.constant 80 : index
        %swap3A_239 = tpu.vector_load %arg9[%swap3A_237, %swap3A_238] {strides = array<i32>} : memref<128x128xf32, #tpu.memory_space<vmem>>, vector<1x16xf32>,
        %swap3A_240 = vector.shape_cast %swap3A_239 : vector<1x16xf32> to vector<16xf32>
        %swap3A_241 = vector.shape_cast %add3A_236 : vector<16xf32> to vector<1x16xf32>
        tpu.vector_store %arg9[%swap3A_237, %swap3A_238], %swap3A_241 {strides = array<i32>} : memref<128x128xf32, #tpu.memory_space<vmem>>, vector<1x16xf32>,
        %mul3A_242 = arith.constant 3 : i32
        %mul3A_243 = arith.muli %mul3A_242, %scan3A_24 : i32
        %get3A_244 = arith.index_cast %mul3A_243 : i32 to index
        %get3A_245 = arith.constant 96 : index
        %get3A_246 = tpu.vector_load %arg8[%get3A_244, %get3A_245] {strides = array<i32>} : memref<384x128xf32, #tpu.memory_space<vmem>>, vector<1x16xf32>,
        %get3A_247 = vector.shape_cast %get3A_246 : vector<1x16xf32> to vector<16xf32>
        %mul3A_248 = vector.broadcast %squeeze3A : f32 to vector<16xf32>
        %mul3A_249 = arith.mulf %get3A_247, %mul3A_248 : vector<16xf32>
        %mul3A_250 = arith.constant 3 : i32
        %mul3A_251 = arith.muli %mul3A_250, %scan3A_24 : i32
        %add3A_252 = arith.constant 1 : i32
        %add3A_253 = arith.addi %mul3A_251, %add3A_252 : i32
        %get3A_254 = arith.index_cast %add3A_253 : i32 to index
        %get3A_255 = arith.constant 96 : index
        %get3A_256 = tpu.vector_load %arg8[%get3A_254, %get3A_255] {strides = array<i32>} : memref<384x128xf32, #tpu.memory_space<vmem>>, vector<1x16xf32>,
        %get3A_257 = vector.shape_cast %get3A_256 : vector<1x16xf32> to vector<16xf32>
        %mul3A_258 = vector.broadcast %squeeze3A_30 : f32 to vector<16xf32>
        %mul3A_259 = arith.mulf %get3A_257, %mul3A_258 : vector<16xf32>
        %add3A_260 = arith.addf %mul3A_249, %mul3A_259 : vector<16xf32>
        %mul3A_261 = arith.constant 3 : i32
        %mul3A_262 = arith.muli %mul3A_261, %scan3A_24 : i32
        %add3A_263 = arith.constant 2 : i32
        %add3A_264 = arith.addi %mul3A_262, %add3A_263 : i32
        %get3A_265 = arith.index_cast %add3A_264 : i32 to index
        %get3A_266 = arith.constant 96 : index
        %get3A_267 = tpu.vector_load %arg8[%get3A_265, %get3A_266] {strides = array<i32>} : memref<384x128xf32, #tpu.memory_space<vmem>>, vector<1x16xf32>,
        %get3A_268 = vector.shape_cast %get3A_267 : vector<1x16xf32> to vector<16xf32>
        %mul3A_269 = vector.broadcast %squeeze3A_32 : f32 to vector<16xf32>
        %mul3A_270 = arith.mulf %get3A_268, %mul3A_269 : vector<16xf32>
        %add3A_271 = arith.addf %add3A_260, %mul3A_270 : vector<16xf32>
        %swap3A_272 = arith.index_cast %scan3A_24 : i32 to index
        %swap3A_273 = arith.constant 96 : index
        %swap3A_274 = tpu.vector_load %arg9[%swap3A_272, %swap3A_273] {strides = array<i32>} : memref<128x128xf32, #tpu.memory_space<vmem>>, vector<1x16xf32>,
        %swap3A_275 = vector.shape_cast %swap3A_274 : vector<1x16xf32> to vector<16xf32>
        %swap3A_276 = vector.shape_cast %add3A_271 : vector<16xf32> to vector<1x16xf32>
        tpu.vector_store %arg9[%swap3A_272, %swap3A_273], %swap3A_276 {strides = array<i32>} : memref<128x128xf32, #tpu.memory_space<vmem>>, vector<1x16xf32>,
        %mul3A_277 = arith.constant 3 : i32
        %mul3A_278 = arith.muli %mul3A_277, %scan3A_24 : i32
        %get3A_279 = arith.index_cast %mul3A_278 : i32 to index
        %get3A_280 = arith.constant 112 : index
        %get3A_281 = tpu.vector_load %arg8[%get3A_279, %get3A_280] {strides = array<i32>} : memref<384x128xf32, #tpu.memory_space<vmem>>, vector<1x16xf32>,
        %get3A_282 = vector.shape_cast %get3A_281 : vector<1x16xf32> to vector<16xf32>
        %mul3A_283 = vector.broadcast %squeeze3A : f32 to vector<16xf32>
        %mul3A_284 = arith.mulf %get3A_282, %mul3A_283 : vector<16xf32>
        %mul3A_285 = arith.constant 3 : i32
        %mul3A_286 = arith.muli %mul3A_285, %scan3A_24 : i32
        %add3A_287 = arith.constant 1 : i32
        %add3A_288 = arith.addi %mul3A_286, %add3A_287 : i32
        %get3A_289 = arith.index_cast %add3A_288 : i32 to index
        %get3A_290 = arith.constant 112 : index
        %get3A_291 = tpu.vector_load %arg8[%get3A_289, %get3A_290] {strides = array<i32>} : memref<384x128xf32, #tpu.memory_space<vmem>>, vector<1x16xf32>,
        %get3A_292 = vector.shape_cast %get3A_291 : vector<1x16xf32> to vector<16xf32>
        %mul3A_293 = vector.broadcast %squeeze3A_30 : f32 to vector<16xf32>
        %mul3A_294 = arith.mulf %get3A_292, %mul3A_293 : vector<16xf32>
        %add3A_295 = arith.addf %mul3A_284, %mul3A_294 : vector<16xf32>
        %mul3A_296 = arith.constant 3 : i32
        %mul3A_297 = arith.muli %mul3A_296, %scan3A_24 : i32
        %add3A_298 = arith.constant 2 : i32
        %add3A_299 = arith.addi %mul3A_297, %add3A_298 : i32
        %get3A_300 = arith.index_cast %add3A_299 : i32 to index
        %get3A_301 = arith.constant 112 : index
        %get3A_302 = tpu.vector_load %arg8[%get3A_300, %get3A_301] {strides = array<i32>} : memref<384x128xf32, #tpu.memory_space<vmem>>, vector<1x16xf32>,
        %get3A_303 = vector.shape_cast %get3A_302 : vector<1x16xf32> to vector<16xf32>
        %mul3A_304 = vector.broadcast %squeeze3A_32 : f32 to vector<16xf32>
        %mul3A_305 = arith.mulf %get3A_303, %mul3A_304 : vector<16xf32>
        %add3A_306 = arith.addf %add3A_295, %mul3A_305 : vector<16xf32>
        %swap3A_307 = arith.index_cast %scan3A_24 : i32 to index
        %swap3A_308 = arith.constant 112 : index
        %swap3A_309 = tpu.vector_load %arg9[%swap3A_307, %swap3A_308] {strides = array<i32>} : memref<128x128xf32, #tpu.memory_space<vmem>>, vector<1x16xf32>,
        %swap3A_310 = vector.shape_cast %swap3A_309 : vector<1x16xf32> to vector<16xf32>
        %swap3A_311 = vector.shape_cast %add3A_306 : vector<16xf32> to vector<1x16xf32>
        tpu.vector_store %arg9[%swap3A_307, %swap3A_308], %swap3A_311 {strides = array<i32>} : memref<128x128xf32, #tpu.memory_space<vmem>>, vector<1x16xf32>,
      }
      %scan3A_23 = arith.constant 128 : i32
      "tpu.region"() ({
        %run_scoped3A = tpu.sem_alloc : memref<!tpu.dma_semaphore, #tpu.memory_space<semaphore_mem>>
        %dma_start3A_24 = arith.constant 0 : i32
        %dma_start3A_25 = tpu.memref_slice %arg5[%add3A_11, %dma_start3A_24] : memref<32768x128xf32, #tpu.memory_space<hbm>> -> memref<128x128xf32, #tpu.memory_space<hbm>>
        %dma_start3A_26 = arith.constant 0 : i32
        %dma_start3A_27 = tpu.memref_slice %arg5[%add3A_11, %dma_start3A_26] : memref<32768x128xf32, #tpu.memory_space<hbm>> -> memref<128x128xf32, #tpu.memory_space<hbm>>
        tpu.enqueue_dma source(%arg9 : memref<128x128xf32, #tpu.memory_space<vmem>>) target(%dma_start3A_27 : memref<128x128xf32, #tpu.memory_space<hbm>>) target_semaphore(%run_scoped3A : memref<!tpu.dma_semaphore, #tpu.memory_space<semaphore_mem>>)
        %dma_wait3A_28 = arith.constant 0 : i32
        %dma_wait3A_29 = tpu.memref_slice %arg5[%add3A_11, %dma_wait3A_28] : memref<32768x128xf32, #tpu.memory_space<hbm>> -> memref<128x128xf32, #tpu.memory_space<hbm>>
        %dma_wait3A_30 = arith.constant 0 : i32
        %dma_wait3A_31 = tpu.memref_slice %arg5[%add3A_11, %dma_wait3A_30] : memref<32768x128xf32, #tpu.memory_space<hbm>> -> memref<128x128xf32, #tpu.memory_space<hbm>>
        tpu.wait_dma2 semaphore(%run_scoped3A : memref<!tpu.dma_semaphore, #tpu.memory_space<semaphore_mem>>) src(%arg9 : memref<128x128xf32, #tpu.memory_space<vmem>>) dst(%dma_wait3A_31 : memref<128x128xf32, #tpu.memory_space<hbm>>)
        tpu.yield
      }) : () -> ()
    }
    %scan3A_5 = arith.constant 8 : i32
    return
  }
}

module attributes {stable_mosaic.version = 14 : i64} {
  func.func @_fps_body(%arg0: memref<8x4096xf32, #tpu.memory_space<vmem>>, %arg1: memref<8x4096xf32, #tpu.memory_space<vmem>>, %arg2: memref<8x4096xf32, #tpu.memory_space<vmem>>, %arg3: memref<8x256xi32, #tpu.memory_space<vmem>>, %arg4: memref<8x64xi32, #tpu.memory_space<vmem>>, %arg5: memref<8x1024xf32, #tpu.memory_space<vmem>>, %arg6: memref<8x1024xf32, #tpu.memory_space<vmem>>, %arg7: memref<8x1024xf32, #tpu.memory_space<vmem>>, %arg8: memref<8x256xf32, #tpu.memory_space<vmem>>, %arg9: memref<8x256xf32, #tpu.memory_space<vmem>>, %arg10: memref<8x256xf32, #tpu.memory_space<vmem>>, %arg11: memref<8x64xf32, #tpu.memory_space<vmem>>, %arg12: memref<8x64xf32, #tpu.memory_space<vmem>>, %arg13: memref<8x64xf32, #tpu.memory_space<vmem>>) attributes {dimension_semantics = [], scalar_prefetch = 0 : i64, scratch_operands = 0 : i64, tpu.core_type = #tpu.core_type<tc>} {
    %get3A = arith.constant 0 : index
    %get3A_0 = arith.constant 0 : index
    %get3A_1 = vector.load %arg0[%get3A, %get3A_0] : memref<8x4096xf32, #tpu.memory_space<vmem>>, vector<8x4096xf32>
    %get3A_2 = arith.constant 0 : index
    %get3A_3 = arith.constant 0 : index
    %get3A_4 = vector.load %arg1[%get3A_2, %get3A_3] : memref<8x4096xf32, #tpu.memory_space<vmem>>, vector<8x4096xf32>
    %get3A_5 = arith.constant 0 : index
    %get3A_6 = arith.constant 0 : index
    %get3A_7 = vector.load %arg2[%get3A_5, %get3A_6] : memref<8x4096xf32, #tpu.memory_space<vmem>>, vector<8x4096xf32>
    %iota3A = tpu.iota {dimensions = array<i32: 1>} : vector<1x4096xi32>
    %slice3A = vector.extract_strided_slice %get3A_1 {offsets = [0, 0], sizes = [8, 1], strides = [1, 1]} : vector<8x4096xf32> to vector<8x1xf32>
    %slice3A_8 = vector.extract_strided_slice %get3A_4 {offsets = [0, 0], sizes = [8, 1], strides = [1, 1]} : vector<8x4096xf32> to vector<8x1xf32>
    %slice3A_9 = vector.extract_strided_slice %get3A_7 {offsets = [0, 0], sizes = [8, 1], strides = [1, 1]} : vector<8x4096xf32> to vector<8x1xf32>
    %sub3A = vector.broadcast %slice3A : vector<8x1xf32> to vector<8x4096xf32>
    %sub3A_10 = arith.subf %get3A_1, %sub3A : vector<8x4096xf32>
    %sub3A_11 = vector.broadcast %slice3A_8 : vector<8x1xf32> to vector<8x4096xf32>
    %sub3A_12 = arith.subf %get3A_4, %sub3A_11 : vector<8x4096xf32>
    %sub3A_13 = vector.broadcast %slice3A_9 : vector<8x1xf32> to vector<8x4096xf32>
    %sub3A_14 = arith.subf %get3A_7, %sub3A_13 : vector<8x4096xf32>
    %mul3A = arith.mulf %sub3A_10, %sub3A_10 : vector<8x4096xf32>
    %mul3A_15 = arith.mulf %sub3A_12, %sub3A_12 : vector<8x4096xf32>
    %add3A = arith.addf %mul3A, %mul3A_15 : vector<8x4096xf32>
    %mul3A_16 = arith.mulf %sub3A_14, %sub3A_14 : vector<8x4096xf32>
    %add3A_17 = arith.addf %add3A, %mul3A_16 : vector<8x4096xf32>
    %iota3A_18 = tpu.iota {dimensions = array<i32: 1>} : vector<1x128xi32>
    %eq3A = arith.constant 0 : i32
    %eq3A_19 = vector.broadcast %eq3A : i32 to vector<1x128xi32>
    %eq3A_20 = arith.cmpi eq, %iota3A_18, %eq3A_19 : vector<1x128xi32>
    %jit3A = arith.constant 0.000000e+00 : f32
    %broadcast_in_dim3A = vector.shape_cast %eq3A_20 : vector<1x128xi1> to vector<1x128xi1>
    %broadcast_in_dim3A_21 = vector.broadcast %broadcast_in_dim3A : vector<1x128xi1> to vector<8x128xi1>
    %broadcast_in_dim3A_22 = vector.shape_cast %slice3A : vector<8x1xf32> to vector<8x1xf32>
    %broadcast_in_dim3A_23 = vector.broadcast %broadcast_in_dim3A_22 : vector<8x1xf32> to vector<8x128xf32>
    %broadcast_in_dim3A_24 = vector.broadcast %jit3A : f32 to vector<8x128xf32>
    %select_n3A = arith.select %broadcast_in_dim3A_21, %broadcast_in_dim3A_23, %broadcast_in_dim3A_24 : vector<8x128xi1>, vector<8x128xf32>
    %eq3A_25 = arith.constant 0 : i32
    %eq3A_26 = vector.broadcast %eq3A_25 : i32 to vector<1x128xi32>
    %eq3A_27 = arith.cmpi eq, %iota3A_18, %eq3A_26 : vector<1x128xi32>
    %jit3A_28 = arith.constant 0.000000e+00 : f32
    %broadcast_in_dim3A_29 = vector.shape_cast %eq3A_27 : vector<1x128xi1> to vector<1x128xi1>
    %broadcast_in_dim3A_30 = vector.broadcast %broadcast_in_dim3A_29 : vector<1x128xi1> to vector<8x128xi1>
    %broadcast_in_dim3A_31 = vector.shape_cast %slice3A_8 : vector<8x1xf32> to vector<8x1xf32>
    %broadcast_in_dim3A_32 = vector.broadcast %broadcast_in_dim3A_31 : vector<8x1xf32> to vector<8x128xf32>
    %broadcast_in_dim3A_33 = vector.broadcast %jit3A_28 : f32 to vector<8x128xf32>
    %select_n3A_34 = arith.select %broadcast_in_dim3A_30, %broadcast_in_dim3A_32, %broadcast_in_dim3A_33 : vector<8x128xi1>, vector<8x128xf32>
    %eq3A_35 = arith.constant 0 : i32
    %eq3A_36 = vector.broadcast %eq3A_35 : i32 to vector<1x128xi32>
    %eq3A_37 = arith.cmpi eq, %iota3A_18, %eq3A_36 : vector<1x128xi32>
    %jit3A_38 = arith.constant 0.000000e+00 : f32
    %broadcast_in_dim3A_39 = vector.shape_cast %eq3A_37 : vector<1x128xi1> to vector<1x128xi1>
    %broadcast_in_dim3A_40 = vector.broadcast %broadcast_in_dim3A_39 : vector<1x128xi1> to vector<8x128xi1>
    %broadcast_in_dim3A_41 = vector.shape_cast %slice3A_9 : vector<8x1xf32> to vector<8x1xf32>
    %broadcast_in_dim3A_42 = vector.broadcast %broadcast_in_dim3A_41 : vector<8x1xf32> to vector<8x128xf32>
    %broadcast_in_dim3A_43 = vector.broadcast %jit3A_38 : f32 to vector<8x128xf32>
    %select_n3A_44 = arith.select %broadcast_in_dim3A_40, %broadcast_in_dim3A_42, %broadcast_in_dim3A_43 : vector<8x128xi1>, vector<8x128xf32>
    %scan3A = arith.constant 1 : i32
    %scan3A_45 = arith.constant 127 : i32
    %scan3A_46 = arith.addi %scan3A, %scan3A_45 : i32
    %scan3A_47 = arith.constant 1 : i32
    %scan3A_48:4 = scf.for %scan3A_381 = %scan3A to %scan3A_46 step %scan3A_47 iter_args(%scan3A_382 = %add3A_17, %scan3A_383 = %select_n3A, %scan3A_384 = %select_n3A_34, %scan3A_385 = %select_n3A_44) -> (vector<8x4096xf32>, vector<8x128xf32>, vector<8x128xf32>, vector<8x128xf32>)  : i32 {
      %reduce_max3A = arith.constant dense<0xFF800000> : vector<8xf32>
      %reduce_max3A_386 = vector.multi_reduction <maximumf>, %scan3A_382, %reduce_max3A [1] : vector<8x4096xf32> to vector<8xf32>
      %broadcast_in_dim3A_387 = vector.shape_cast %reduce_max3A_386 : vector<8xf32> to vector<8x1xf32>
      %eq3A_388 = vector.broadcast %broadcast_in_dim3A_387 : vector<8x1xf32> to vector<8x4096xf32>
      %eq3A_389 = arith.cmpf oeq, %scan3A_382, %eq3A_388 : vector<8x4096xf32>
      %jit3A_390 = arith.constant 4096 : i32
      %broadcast_in_dim3A_391 = vector.shape_cast %iota3A : vector<1x4096xi32> to vector<1x4096xi32>
      %broadcast_in_dim3A_392 = vector.broadcast %broadcast_in_dim3A_391 : vector<1x4096xi32> to vector<8x4096xi32>
      %broadcast_in_dim3A_393 = vector.broadcast %jit3A_390 : i32 to vector<8x4096xi32>
      %select_n3A_394 = arith.select %eq3A_389, %broadcast_in_dim3A_392, %broadcast_in_dim3A_393 : vector<8x4096xi1>, vector<8x4096xi32>
      %reduce_min3A = arith.constant dense<2147483647> : vector<8xi32>
      %reduce_min3A_395 = vector.multi_reduction <minsi>, %select_n3A_394, %reduce_min3A [1] : vector<8x4096xi32> to vector<8xi32>
      %broadcast_in_dim3A_396 = vector.shape_cast %reduce_min3A_395 : vector<8xi32> to vector<8x1xi32>
      %eq3A_397 = vector.broadcast %iota3A : vector<1x4096xi32> to vector<8x4096xi32>
      %eq3A_398 = vector.broadcast %broadcast_in_dim3A_396 : vector<8x1xi32> to vector<8x4096xi32>
      %eq3A_399 = arith.cmpi eq, %eq3A_397, %eq3A_398 : vector<8x4096xi32>
      %jit3A_400 = arith.constant 0.000000e+00 : f32
      %broadcast_in_dim3A_401 = vector.broadcast %jit3A_400 : f32 to vector<8x4096xf32>
      %select_n3A_402 = arith.select %eq3A_399, %get3A_1, %broadcast_in_dim3A_401 : vector<8x4096xi1>, vector<8x4096xf32>
      %reduce_sum3A = arith.constant dense<0.000000e+00> : vector<8xf32>
      %reduce_sum3A_403 = vector.multi_reduction <add>, %select_n3A_402, %reduce_sum3A [1] : vector<8x4096xf32> to vector<8xf32>
      %broadcast_in_dim3A_404 = vector.shape_cast %reduce_sum3A_403 : vector<8xf32> to vector<8x1xf32>
      %jit3A_405 = arith.constant 0.000000e+00 : f32
      %broadcast_in_dim3A_406 = vector.broadcast %jit3A_405 : f32 to vector<8x4096xf32>
      %select_n3A_407 = arith.select %eq3A_399, %get3A_4, %broadcast_in_dim3A_406 : vector<8x4096xi1>, vector<8x4096xf32>
      %reduce_sum3A_408 = arith.constant dense<0.000000e+00> : vector<8xf32>
      %reduce_sum3A_409 = vector.multi_reduction <add>, %select_n3A_407, %reduce_sum3A_408 [1] : vector<8x4096xf32> to vector<8xf32>
      %broadcast_in_dim3A_410 = vector.shape_cast %reduce_sum3A_409 : vector<8xf32> to vector<8x1xf32>
      %jit3A_411 = arith.constant 0.000000e+00 : f32
      %broadcast_in_dim3A_412 = vector.broadcast %jit3A_411 : f32 to vector<8x4096xf32>
      %select_n3A_413 = arith.select %eq3A_399, %get3A_7, %broadcast_in_dim3A_412 : vector<8x4096xi1>, vector<8x4096xf32>
      %reduce_sum3A_414 = arith.constant dense<0.000000e+00> : vector<8xf32>
      %reduce_sum3A_415 = vector.multi_reduction <add>, %select_n3A_413, %reduce_sum3A_414 [1] : vector<8x4096xf32> to vector<8xf32>
      %broadcast_in_dim3A_416 = vector.shape_cast %reduce_sum3A_415 : vector<8xf32> to vector<8x1xf32>
      %sub3A_417 = vector.broadcast %broadcast_in_dim3A_404 : vector<8x1xf32> to vector<8x4096xf32>
      %sub3A_418 = arith.subf %get3A_1, %sub3A_417 : vector<8x4096xf32>
      %sub3A_419 = vector.broadcast %broadcast_in_dim3A_410 : vector<8x1xf32> to vector<8x4096xf32>
      %sub3A_420 = arith.subf %get3A_4, %sub3A_419 : vector<8x4096xf32>
      %sub3A_421 = vector.broadcast %broadcast_in_dim3A_416 : vector<8x1xf32> to vector<8x4096xf32>
      %sub3A_422 = arith.subf %get3A_7, %sub3A_421 : vector<8x4096xf32>
      %mul3A_423 = arith.mulf %sub3A_418, %sub3A_418 : vector<8x4096xf32>
      %mul3A_424 = arith.mulf %sub3A_420, %sub3A_420 : vector<8x4096xf32>
      %add3A_425 = arith.addf %mul3A_423, %mul3A_424 : vector<8x4096xf32>
      %mul3A_426 = arith.mulf %sub3A_422, %sub3A_422 : vector<8x4096xf32>
      %add3A_427 = arith.addf %add3A_425, %mul3A_426 : vector<8x4096xf32>
      %min3A = arith.minimumf %scan3A_382, %add3A_427 : vector<8x4096xf32>
      %sub3A_428 = arith.constant 0 : i32
      %sub3A_429 = arith.subi %scan3A_381, %sub3A_428 : i32
      %eq3A_430 = vector.broadcast %sub3A_429 : i32 to vector<1x128xi32>
      %eq3A_431 = arith.cmpi eq, %iota3A_18, %eq3A_430 : vector<1x128xi32>
      %broadcast_in_dim3A_432 = vector.shape_cast %eq3A_431 : vector<1x128xi1> to vector<1x128xi1>
      %broadcast_in_dim3A_433 = vector.broadcast %broadcast_in_dim3A_432 : vector<1x128xi1> to vector<8x128xi1>
      %broadcast_in_dim3A_434 = vector.shape_cast %broadcast_in_dim3A_404 : vector<8x1xf32> to vector<8x1xf32>
      %broadcast_in_dim3A_435 = vector.broadcast %broadcast_in_dim3A_434 : vector<8x1xf32> to vector<8x128xf32>
      %select_n3A_436 = arith.select %broadcast_in_dim3A_433, %broadcast_in_dim3A_435, %scan3A_383 : vector<8x128xi1>, vector<8x128xf32>
      %broadcast_in_dim3A_437 = vector.shape_cast %eq3A_431 : vector<1x128xi1> to vector<1x128xi1>
      %broadcast_in_dim3A_438 = vector.broadcast %broadcast_in_dim3A_437 : vector<1x128xi1> to vector<8x128xi1>
      %broadcast_in_dim3A_439 = vector.shape_cast %broadcast_in_dim3A_410 : vector<8x1xf32> to vector<8x1xf32>
      %broadcast_in_dim3A_440 = vector.broadcast %broadcast_in_dim3A_439 : vector<8x1xf32> to vector<8x128xf32>
      %select_n3A_441 = arith.select %broadcast_in_dim3A_438, %broadcast_in_dim3A_440, %scan3A_384 : vector<8x128xi1>, vector<8x128xf32>
      %broadcast_in_dim3A_442 = vector.shape_cast %eq3A_431 : vector<1x128xi1> to vector<1x128xi1>
      %broadcast_in_dim3A_443 = vector.broadcast %broadcast_in_dim3A_442 : vector<1x128xi1> to vector<8x128xi1>
      %broadcast_in_dim3A_444 = vector.shape_cast %broadcast_in_dim3A_416 : vector<8x1xf32> to vector<8x1xf32>
      %broadcast_in_dim3A_445 = vector.broadcast %broadcast_in_dim3A_444 : vector<8x1xf32> to vector<8x128xf32>
      %select_n3A_446 = arith.select %broadcast_in_dim3A_443, %broadcast_in_dim3A_445, %scan3A_385 : vector<8x128xi1>, vector<8x128xf32>
      scf.yield %min3A, %select_n3A_436, %select_n3A_441, %select_n3A_446 : vector<8x4096xf32>, vector<8x128xf32>, vector<8x128xf32>, vector<8x128xf32>
    }
    %scan3A_49 = arith.constant 127 : i32
    %swap3A = arith.constant 0 : index
    %swap3A_50 = arith.constant 0 : index
    %swap3A_51 = vector.load %arg5[%swap3A, %swap3A_50] : memref<8x1024xf32, #tpu.memory_space<vmem>>, vector<8x128xf32>
    tpu.vector_store %arg5[%swap3A, %swap3A_50], %scan3A_48#1 {strides = array<i32>} : memref<8x1024xf32, #tpu.memory_space<vmem>>, vector<8x128xf32>,
    %swap3A_52 = arith.constant 0 : index
    %swap3A_53 = arith.constant 0 : index
    %swap3A_54 = vector.load %arg6[%swap3A_52, %swap3A_53] : memref<8x1024xf32, #tpu.memory_space<vmem>>, vector<8x128xf32>
    tpu.vector_store %arg6[%swap3A_52, %swap3A_53], %scan3A_48#2 {strides = array<i32>} : memref<8x1024xf32, #tpu.memory_space<vmem>>, vector<8x128xf32>,
    %swap3A_55 = arith.constant 0 : index
    %swap3A_56 = arith.constant 0 : index
    %swap3A_57 = vector.load %arg7[%swap3A_55, %swap3A_56] : memref<8x1024xf32, #tpu.memory_space<vmem>>, vector<8x128xf32>
    tpu.vector_store %arg7[%swap3A_55, %swap3A_56], %scan3A_48#3 {strides = array<i32>} : memref<8x1024xf32, #tpu.memory_space<vmem>>, vector<8x128xf32>,
    %broadcast_in_dim3A_58 = arith.constant 0.000000e+00 : f32
    %broadcast_in_dim3A_59 = vector.broadcast %broadcast_in_dim3A_58 : f32 to vector<8x128xf32>
    %broadcast_in_dim3A_60 = arith.constant 0.000000e+00 : f32
    %broadcast_in_dim3A_61 = vector.broadcast %broadcast_in_dim3A_60 : f32 to vector<8x128xf32>
    %broadcast_in_dim3A_62 = arith.constant 0.000000e+00 : f32
    %broadcast_in_dim3A_63 = vector.broadcast %broadcast_in_dim3A_62 : f32 to vector<8x128xf32>
    %scan3A_64 = arith.constant 128 : i32
    %scan3A_65 = arith.constant 128 : i32
    %scan3A_66 = arith.addi %scan3A_64, %scan3A_65 : i32
    %scan3A_67 = arith.constant 1 : i32
    %scan3A_68:4 = scf.for %scan3A_381 = %scan3A_64 to %scan3A_66 step %scan3A_67 iter_args(%scan3A_382 = %scan3A_48#0, %scan3A_383 = %broadcast_in_dim3A_59, %scan3A_384 = %broadcast_in_dim3A_61, %scan3A_385 = %broadcast_in_dim3A_63) -> (vector<8x4096xf32>, vector<8x128xf32>, vector<8x128xf32>, vector<8x128xf32>)  : i32 {
      %reduce_max3A = arith.constant dense<0xFF800000> : vector<8xf32>
      %reduce_max3A_386 = vector.multi_reduction <maximumf>, %scan3A_382, %reduce_max3A [1] : vector<8x4096xf32> to vector<8xf32>
      %broadcast_in_dim3A_387 = vector.shape_cast %reduce_max3A_386 : vector<8xf32> to vector<8x1xf32>
      %eq3A_388 = vector.broadcast %broadcast_in_dim3A_387 : vector<8x1xf32> to vector<8x4096xf32>
      %eq3A_389 = arith.cmpf oeq, %scan3A_382, %eq3A_388 : vector<8x4096xf32>
      %jit3A_390 = arith.constant 4096 : i32
      %broadcast_in_dim3A_391 = vector.shape_cast %iota3A : vector<1x4096xi32> to vector<1x4096xi32>
      %broadcast_in_dim3A_392 = vector.broadcast %broadcast_in_dim3A_391 : vector<1x4096xi32> to vector<8x4096xi32>
      %broadcast_in_dim3A_393 = vector.broadcast %jit3A_390 : i32 to vector<8x4096xi32>
      %select_n3A_394 = arith.select %eq3A_389, %broadcast_in_dim3A_392, %broadcast_in_dim3A_393 : vector<8x4096xi1>, vector<8x4096xi32>
      %reduce_min3A = arith.constant dense<2147483647> : vector<8xi32>
      %reduce_min3A_395 = vector.multi_reduction <minsi>, %select_n3A_394, %reduce_min3A [1] : vector<8x4096xi32> to vector<8xi32>
      %broadcast_in_dim3A_396 = vector.shape_cast %reduce_min3A_395 : vector<8xi32> to vector<8x1xi32>
      %eq3A_397 = vector.broadcast %iota3A : vector<1x4096xi32> to vector<8x4096xi32>
      %eq3A_398 = vector.broadcast %broadcast_in_dim3A_396 : vector<8x1xi32> to vector<8x4096xi32>
      %eq3A_399 = arith.cmpi eq, %eq3A_397, %eq3A_398 : vector<8x4096xi32>
      %jit3A_400 = arith.constant 0.000000e+00 : f32
      %broadcast_in_dim3A_401 = vector.broadcast %jit3A_400 : f32 to vector<8x4096xf32>
      %select_n3A_402 = arith.select %eq3A_399, %get3A_1, %broadcast_in_dim3A_401 : vector<8x4096xi1>, vector<8x4096xf32>
      %reduce_sum3A = arith.constant dense<0.000000e+00> : vector<8xf32>
      %reduce_sum3A_403 = vector.multi_reduction <add>, %select_n3A_402, %reduce_sum3A [1] : vector<8x4096xf32> to vector<8xf32>
      %broadcast_in_dim3A_404 = vector.shape_cast %reduce_sum3A_403 : vector<8xf32> to vector<8x1xf32>
      %jit3A_405 = arith.constant 0.000000e+00 : f32
      %broadcast_in_dim3A_406 = vector.broadcast %jit3A_405 : f32 to vector<8x4096xf32>
      %select_n3A_407 = arith.select %eq3A_399, %get3A_4, %broadcast_in_dim3A_406 : vector<8x4096xi1>, vector<8x4096xf32>
      %reduce_sum3A_408 = arith.constant dense<0.000000e+00> : vector<8xf32>
      %reduce_sum3A_409 = vector.multi_reduction <add>, %select_n3A_407, %reduce_sum3A_408 [1] : vector<8x4096xf32> to vector<8xf32>
      %broadcast_in_dim3A_410 = vector.shape_cast %reduce_sum3A_409 : vector<8xf32> to vector<8x1xf32>
      %jit3A_411 = arith.constant 0.000000e+00 : f32
      %broadcast_in_dim3A_412 = vector.broadcast %jit3A_411 : f32 to vector<8x4096xf32>
      %select_n3A_413 = arith.select %eq3A_399, %get3A_7, %broadcast_in_dim3A_412 : vector<8x4096xi1>, vector<8x4096xf32>
      %reduce_sum3A_414 = arith.constant dense<0.000000e+00> : vector<8xf32>
      %reduce_sum3A_415 = vector.multi_reduction <add>, %select_n3A_413, %reduce_sum3A_414 [1] : vector<8x4096xf32> to vector<8xf32>
      %broadcast_in_dim3A_416 = vector.shape_cast %reduce_sum3A_415 : vector<8xf32> to vector<8x1xf32>
      %sub3A_417 = vector.broadcast %broadcast_in_dim3A_404 : vector<8x1xf32> to vector<8x4096xf32>
      %sub3A_418 = arith.subf %get3A_1, %sub3A_417 : vector<8x4096xf32>
      %sub3A_419 = vector.broadcast %broadcast_in_dim3A_410 : vector<8x1xf32> to vector<8x4096xf32>
      %sub3A_420 = arith.subf %get3A_4, %sub3A_419 : vector<8x4096xf32>
      %sub3A_421 = vector.broadcast %broadcast_in_dim3A_416 : vector<8x1xf32> to vector<8x4096xf32>
      %sub3A_422 = arith.subf %get3A_7, %sub3A_421 : vector<8x4096xf32>
      %mul3A_423 = arith.mulf %sub3A_418, %sub3A_418 : vector<8x4096xf32>
      %mul3A_424 = arith.mulf %sub3A_420, %sub3A_420 : vector<8x4096xf32>
      %add3A_425 = arith.addf %mul3A_423, %mul3A_424 : vector<8x4096xf32>
      %mul3A_426 = arith.mulf %sub3A_422, %sub3A_422 : vector<8x4096xf32>
      %add3A_427 = arith.addf %add3A_425, %mul3A_426 : vector<8x4096xf32>
      %min3A = arith.minimumf %scan3A_382, %add3A_427 : vector<8x4096xf32>
      %sub3A_428 = arith.constant 128 : i32
      %sub3A_429 = arith.subi %scan3A_381, %sub3A_428 : i32
      %eq3A_430 = vector.broadcast %sub3A_429 : i32 to vector<1x128xi32>
      %eq3A_431 = arith.cmpi eq, %iota3A_18, %eq3A_430 : vector<1x128xi32>
      %broadcast_in_dim3A_432 = vector.shape_cast %eq3A_431 : vector<1x128xi1> to vector<1x128xi1>
      %broadcast_in_dim3A_433 = vector.broadcast %broadcast_in_dim3A_432 : vector<1x128xi1> to vector<8x128xi1>
      %broadcast_in_dim3A_434 = vector.shape_cast %broadcast_in_dim3A_404 : vector<8x1xf32> to vector<8x1xf32>
      %broadcast_in_dim3A_435 = vector.broadcast %broadcast_in_dim3A_434 : vector<8x1xf32> to vector<8x128xf32>
      %select_n3A_436 = arith.select %broadcast_in_dim3A_433, %broadcast_in_dim3A_435, %scan3A_383 : vector<8x128xi1>, vector<8x128xf32>
      %broadcast_in_dim3A_437 = vector.shape_cast %eq3A_431 : vector<1x128xi1> to vector<1x128xi1>
      %broadcast_in_dim3A_438 = vector.broadcast %broadcast_in_dim3A_437 : vector<1x128xi1> to vector<8x128xi1>
      %broadcast_in_dim3A_439 = vector.shape_cast %broadcast_in_dim3A_410 : vector<8x1xf32> to vector<8x1xf32>
      %broadcast_in_dim3A_440 = vector.broadcast %broadcast_in_dim3A_439 : vector<8x1xf32> to vector<8x128xf32>
      %select_n3A_441 = arith.select %broadcast_in_dim3A_438, %broadcast_in_dim3A_440, %scan3A_384 : vector<8x128xi1>, vector<8x128xf32>
      %broadcast_in_dim3A_442 = vector.shape_cast %eq3A_431 : vector<1x128xi1> to vector<1x128xi1>
      %broadcast_in_dim3A_443 = vector.broadcast %broadcast_in_dim3A_442 : vector<1x128xi1> to vector<8x128xi1>
      %broadcast_in_dim3A_444 = vector.shape_cast %broadcast_in_dim3A_416 : vector<8x1xf32> to vector<8x1xf32>
      %broadcast_in_dim3A_445 = vector.broadcast %broadcast_in_dim3A_444 : vector<8x1xf32> to vector<8x128xf32>
      %select_n3A_446 = arith.select %broadcast_in_dim3A_443, %broadcast_in_dim3A_445, %scan3A_385 : vector<8x128xi1>, vector<8x128xf32>
      scf.yield %min3A, %select_n3A_436, %select_n3A_441, %select_n3A_446 : vector<8x4096xf32>, vector<8x128xf32>, vector<8x128xf32>, vector<8x128xf32>
    }
    %scan3A_69 = arith.constant 128 : i32
    %swap3A_70 = arith.constant 0 : index
    %swap3A_71 = arith.constant 128 : index
    %swap3A_72 = vector.load %arg5[%swap3A_70, %swap3A_71] : memref<8x1024xf32, #tpu.memory_space<vmem>>, vector<8x128xf32>
    tpu.vector_store %arg5[%swap3A_70, %swap3A_71], %scan3A_68#1 {strides = array<i32>} : memref<8x1024xf32, #tpu.memory_space<vmem>>, vector<8x128xf32>,
    %swap3A_73 = arith.constant 0 : index
    %swap3A_74 = arith.constant 128 : index
    %swap3A_75 = vector.load %arg6[%swap3A_73, %swap3A_74] : memref<8x1024xf32, #tpu.memory_space<vmem>>, vector<8x128xf32>
    tpu.vector_store %arg6[%swap3A_73, %swap3A_74], %scan3A_68#2 {strides = array<i32>} : memref<8x1024xf32, #tpu.memory_space<vmem>>, vector<8x128xf32>,
    %swap3A_76 = arith.constant 0 : index
    %swap3A_77 = arith.constant 128 : index
    %swap3A_78 = vector.load %arg7[%swap3A_76, %swap3A_77] : memref<8x1024xf32, #tpu.memory_space<vmem>>, vector<8x128xf32>
    tpu.vector_store %arg7[%swap3A_76, %swap3A_77], %scan3A_68#3 {strides = array<i32>} : memref<8x1024xf32, #tpu.memory_space<vmem>>, vector<8x128xf32>,
    %broadcast_in_dim3A_79 = arith.constant 0.000000e+00 : f32
    %broadcast_in_dim3A_80 = vector.broadcast %broadcast_in_dim3A_79 : f32 to vector<8x128xf32>
    %broadcast_in_dim3A_81 = arith.constant 0.000000e+00 : f32
    %broadcast_in_dim3A_82 = vector.broadcast %broadcast_in_dim3A_81 : f32 to vector<8x128xf32>
    %broadcast_in_dim3A_83 = arith.constant 0.000000e+00 : f32
    %broadcast_in_dim3A_84 = vector.broadcast %broadcast_in_dim3A_83 : f32 to vector<8x128xf32>
    %scan3A_85 = arith.constant 256 : i32
    %scan3A_86 = arith.constant 128 : i32
    %scan3A_87 = arith.addi %scan3A_85, %scan3A_86 : i32
    %scan3A_88 = arith.constant 1 : i32
    %scan3A_89:4 = scf.for %scan3A_381 = %scan3A_85 to %scan3A_87 step %scan3A_88 iter_args(%scan3A_382 = %scan3A_68#0, %scan3A_383 = %broadcast_in_dim3A_80, %scan3A_384 = %broadcast_in_dim3A_82, %scan3A_385 = %broadcast_in_dim3A_84) -> (vector<8x4096xf32>, vector<8x128xf32>, vector<8x128xf32>, vector<8x128xf32>)  : i32 {
      %reduce_max3A = arith.constant dense<0xFF800000> : vector<8xf32>
      %reduce_max3A_386 = vector.multi_reduction <maximumf>, %scan3A_382, %reduce_max3A [1] : vector<8x4096xf32> to vector<8xf32>
      %broadcast_in_dim3A_387 = vector.shape_cast %reduce_max3A_386 : vector<8xf32> to vector<8x1xf32>
      %eq3A_388 = vector.broadcast %broadcast_in_dim3A_387 : vector<8x1xf32> to vector<8x4096xf32>
      %eq3A_389 = arith.cmpf oeq, %scan3A_382, %eq3A_388 : vector<8x4096xf32>
      %jit3A_390 = arith.constant 4096 : i32
      %broadcast_in_dim3A_391 = vector.shape_cast %iota3A : vector<1x4096xi32> to vector<1x4096xi32>
      %broadcast_in_dim3A_392 = vector.broadcast %broadcast_in_dim3A_391 : vector<1x4096xi32> to vector<8x4096xi32>
      %broadcast_in_dim3A_393 = vector.broadcast %jit3A_390 : i32 to vector<8x4096xi32>
      %select_n3A_394 = arith.select %eq3A_389, %broadcast_in_dim3A_392, %broadcast_in_dim3A_393 : vector<8x4096xi1>, vector<8x4096xi32>
      %reduce_min3A = arith.constant dense<2147483647> : vector<8xi32>
      %reduce_min3A_395 = vector.multi_reduction <minsi>, %select_n3A_394, %reduce_min3A [1] : vector<8x4096xi32> to vector<8xi32>
      %broadcast_in_dim3A_396 = vector.shape_cast %reduce_min3A_395 : vector<8xi32> to vector<8x1xi32>
      %eq3A_397 = vector.broadcast %iota3A : vector<1x4096xi32> to vector<8x4096xi32>
      %eq3A_398 = vector.broadcast %broadcast_in_dim3A_396 : vector<8x1xi32> to vector<8x4096xi32>
      %eq3A_399 = arith.cmpi eq, %eq3A_397, %eq3A_398 : vector<8x4096xi32>
      %jit3A_400 = arith.constant 0.000000e+00 : f32
      %broadcast_in_dim3A_401 = vector.broadcast %jit3A_400 : f32 to vector<8x4096xf32>
      %select_n3A_402 = arith.select %eq3A_399, %get3A_1, %broadcast_in_dim3A_401 : vector<8x4096xi1>, vector<8x4096xf32>
      %reduce_sum3A = arith.constant dense<0.000000e+00> : vector<8xf32>
      %reduce_sum3A_403 = vector.multi_reduction <add>, %select_n3A_402, %reduce_sum3A [1] : vector<8x4096xf32> to vector<8xf32>
      %broadcast_in_dim3A_404 = vector.shape_cast %reduce_sum3A_403 : vector<8xf32> to vector<8x1xf32>
      %jit3A_405 = arith.constant 0.000000e+00 : f32
      %broadcast_in_dim3A_406 = vector.broadcast %jit3A_405 : f32 to vector<8x4096xf32>
      %select_n3A_407 = arith.select %eq3A_399, %get3A_4, %broadcast_in_dim3A_406 : vector<8x4096xi1>, vector<8x4096xf32>
      %reduce_sum3A_408 = arith.constant dense<0.000000e+00> : vector<8xf32>
      %reduce_sum3A_409 = vector.multi_reduction <add>, %select_n3A_407, %reduce_sum3A_408 [1] : vector<8x4096xf32> to vector<8xf32>
      %broadcast_in_dim3A_410 = vector.shape_cast %reduce_sum3A_409 : vector<8xf32> to vector<8x1xf32>
      %jit3A_411 = arith.constant 0.000000e+00 : f32
      %broadcast_in_dim3A_412 = vector.broadcast %jit3A_411 : f32 to vector<8x4096xf32>
      %select_n3A_413 = arith.select %eq3A_399, %get3A_7, %broadcast_in_dim3A_412 : vector<8x4096xi1>, vector<8x4096xf32>
      %reduce_sum3A_414 = arith.constant dense<0.000000e+00> : vector<8xf32>
      %reduce_sum3A_415 = vector.multi_reduction <add>, %select_n3A_413, %reduce_sum3A_414 [1] : vector<8x4096xf32> to vector<8xf32>
      %broadcast_in_dim3A_416 = vector.shape_cast %reduce_sum3A_415 : vector<8xf32> to vector<8x1xf32>
      %sub3A_417 = vector.broadcast %broadcast_in_dim3A_404 : vector<8x1xf32> to vector<8x4096xf32>
      %sub3A_418 = arith.subf %get3A_1, %sub3A_417 : vector<8x4096xf32>
      %sub3A_419 = vector.broadcast %broadcast_in_dim3A_410 : vector<8x1xf32> to vector<8x4096xf32>
      %sub3A_420 = arith.subf %get3A_4, %sub3A_419 : vector<8x4096xf32>
      %sub3A_421 = vector.broadcast %broadcast_in_dim3A_416 : vector<8x1xf32> to vector<8x4096xf32>
      %sub3A_422 = arith.subf %get3A_7, %sub3A_421 : vector<8x4096xf32>
      %mul3A_423 = arith.mulf %sub3A_418, %sub3A_418 : vector<8x4096xf32>
      %mul3A_424 = arith.mulf %sub3A_420, %sub3A_420 : vector<8x4096xf32>
      %add3A_425 = arith.addf %mul3A_423, %mul3A_424 : vector<8x4096xf32>
      %mul3A_426 = arith.mulf %sub3A_422, %sub3A_422 : vector<8x4096xf32>
      %add3A_427 = arith.addf %add3A_425, %mul3A_426 : vector<8x4096xf32>
      %min3A = arith.minimumf %scan3A_382, %add3A_427 : vector<8x4096xf32>
      %sub3A_428 = arith.constant 256 : i32
      %sub3A_429 = arith.subi %scan3A_381, %sub3A_428 : i32
      %eq3A_430 = vector.broadcast %sub3A_429 : i32 to vector<1x128xi32>
      %eq3A_431 = arith.cmpi eq, %iota3A_18, %eq3A_430 : vector<1x128xi32>
      %broadcast_in_dim3A_432 = vector.shape_cast %eq3A_431 : vector<1x128xi1> to vector<1x128xi1>
      %broadcast_in_dim3A_433 = vector.broadcast %broadcast_in_dim3A_432 : vector<1x128xi1> to vector<8x128xi1>
      %broadcast_in_dim3A_434 = vector.shape_cast %broadcast_in_dim3A_404 : vector<8x1xf32> to vector<8x1xf32>
      %broadcast_in_dim3A_435 = vector.broadcast %broadcast_in_dim3A_434 : vector<8x1xf32> to vector<8x128xf32>
      %select_n3A_436 = arith.select %broadcast_in_dim3A_433, %broadcast_in_dim3A_435, %scan3A_383 : vector<8x128xi1>, vector<8x128xf32>
      %broadcast_in_dim3A_437 = vector.shape_cast %eq3A_431 : vector<1x128xi1> to vector<1x128xi1>
      %broadcast_in_dim3A_438 = vector.broadcast %broadcast_in_dim3A_437 : vector<1x128xi1> to vector<8x128xi1>
      %broadcast_in_dim3A_439 = vector.shape_cast %broadcast_in_dim3A_410 : vector<8x1xf32> to vector<8x1xf32>
      %broadcast_in_dim3A_440 = vector.broadcast %broadcast_in_dim3A_439 : vector<8x1xf32> to vector<8x128xf32>
      %select_n3A_441 = arith.select %broadcast_in_dim3A_438, %broadcast_in_dim3A_440, %scan3A_384 : vector<8x128xi1>, vector<8x128xf32>
      %broadcast_in_dim3A_442 = vector.shape_cast %eq3A_431 : vector<1x128xi1> to vector<1x128xi1>
      %broadcast_in_dim3A_443 = vector.broadcast %broadcast_in_dim3A_442 : vector<1x128xi1> to vector<8x128xi1>
      %broadcast_in_dim3A_444 = vector.shape_cast %broadcast_in_dim3A_416 : vector<8x1xf32> to vector<8x1xf32>
      %broadcast_in_dim3A_445 = vector.broadcast %broadcast_in_dim3A_444 : vector<8x1xf32> to vector<8x128xf32>
      %select_n3A_446 = arith.select %broadcast_in_dim3A_443, %broadcast_in_dim3A_445, %scan3A_385 : vector<8x128xi1>, vector<8x128xf32>
      scf.yield %min3A, %select_n3A_436, %select_n3A_441, %select_n3A_446 : vector<8x4096xf32>, vector<8x128xf32>, vector<8x128xf32>, vector<8x128xf32>
    }
    %scan3A_90 = arith.constant 128 : i32
    %swap3A_91 = arith.constant 0 : index
    %swap3A_92 = arith.constant 256 : index
    %swap3A_93 = vector.load %arg5[%swap3A_91, %swap3A_92] : memref<8x1024xf32, #tpu.memory_space<vmem>>, vector<8x128xf32>
    tpu.vector_store %arg5[%swap3A_91, %swap3A_92], %scan3A_89#1 {strides = array<i32>} : memref<8x1024xf32, #tpu.memory_space<vmem>>, vector<8x128xf32>,
    %swap3A_94 = arith.constant 0 : index
    %swap3A_95 = arith.constant 256 : index
    %swap3A_96 = vector.load %arg6[%swap3A_94, %swap3A_95] : memref<8x1024xf32, #tpu.memory_space<vmem>>, vector<8x128xf32>
    tpu.vector_store %arg6[%swap3A_94, %swap3A_95], %scan3A_89#2 {strides = array<i32>} : memref<8x1024xf32, #tpu.memory_space<vmem>>, vector<8x128xf32>,
    %swap3A_97 = arith.constant 0 : index
    %swap3A_98 = arith.constant 256 : index
    %swap3A_99 = vector.load %arg7[%swap3A_97, %swap3A_98] : memref<8x1024xf32, #tpu.memory_space<vmem>>, vector<8x128xf32>
    tpu.vector_store %arg7[%swap3A_97, %swap3A_98], %scan3A_89#3 {strides = array<i32>} : memref<8x1024xf32, #tpu.memory_space<vmem>>, vector<8x128xf32>,
    %broadcast_in_dim3A_100 = arith.constant 0.000000e+00 : f32
    %broadcast_in_dim3A_101 = vector.broadcast %broadcast_in_dim3A_100 : f32 to vector<8x128xf32>
    %broadcast_in_dim3A_102 = arith.constant 0.000000e+00 : f32
    %broadcast_in_dim3A_103 = vector.broadcast %broadcast_in_dim3A_102 : f32 to vector<8x128xf32>
    %broadcast_in_dim3A_104 = arith.constant 0.000000e+00 : f32
    %broadcast_in_dim3A_105 = vector.broadcast %broadcast_in_dim3A_104 : f32 to vector<8x128xf32>
    %scan3A_106 = arith.constant 384 : i32
    %scan3A_107 = arith.constant 128 : i32
    %scan3A_108 = arith.addi %scan3A_106, %scan3A_107 : i32
    %scan3A_109 = arith.constant 1 : i32
    %scan3A_110:4 = scf.for %scan3A_381 = %scan3A_106 to %scan3A_108 step %scan3A_109 iter_args(%scan3A_382 = %scan3A_89#0, %scan3A_383 = %broadcast_in_dim3A_101, %scan3A_384 = %broadcast_in_dim3A_103, %scan3A_385 = %broadcast_in_dim3A_105) -> (vector<8x4096xf32>, vector<8x128xf32>, vector<8x128xf32>, vector<8x128xf32>)  : i32 {
      %reduce_max3A = arith.constant dense<0xFF800000> : vector<8xf32>
      %reduce_max3A_386 = vector.multi_reduction <maximumf>, %scan3A_382, %reduce_max3A [1] : vector<8x4096xf32> to vector<8xf32>
      %broadcast_in_dim3A_387 = vector.shape_cast %reduce_max3A_386 : vector<8xf32> to vector<8x1xf32>
      %eq3A_388 = vector.broadcast %broadcast_in_dim3A_387 : vector<8x1xf32> to vector<8x4096xf32>
      %eq3A_389 = arith.cmpf oeq, %scan3A_382, %eq3A_388 : vector<8x4096xf32>
      %jit3A_390 = arith.constant 4096 : i32
      %broadcast_in_dim3A_391 = vector.shape_cast %iota3A : vector<1x4096xi32> to vector<1x4096xi32>
      %broadcast_in_dim3A_392 = vector.broadcast %broadcast_in_dim3A_391 : vector<1x4096xi32> to vector<8x4096xi32>
      %broadcast_in_dim3A_393 = vector.broadcast %jit3A_390 : i32 to vector<8x4096xi32>
      %select_n3A_394 = arith.select %eq3A_389, %broadcast_in_dim3A_392, %broadcast_in_dim3A_393 : vector<8x4096xi1>, vector<8x4096xi32>
      %reduce_min3A = arith.constant dense<2147483647> : vector<8xi32>
      %reduce_min3A_395 = vector.multi_reduction <minsi>, %select_n3A_394, %reduce_min3A [1] : vector<8x4096xi32> to vector<8xi32>
      %broadcast_in_dim3A_396 = vector.shape_cast %reduce_min3A_395 : vector<8xi32> to vector<8x1xi32>
      %eq3A_397 = vector.broadcast %iota3A : vector<1x4096xi32> to vector<8x4096xi32>
      %eq3A_398 = vector.broadcast %broadcast_in_dim3A_396 : vector<8x1xi32> to vector<8x4096xi32>
      %eq3A_399 = arith.cmpi eq, %eq3A_397, %eq3A_398 : vector<8x4096xi32>
      %jit3A_400 = arith.constant 0.000000e+00 : f32
      %broadcast_in_dim3A_401 = vector.broadcast %jit3A_400 : f32 to vector<8x4096xf32>
      %select_n3A_402 = arith.select %eq3A_399, %get3A_1, %broadcast_in_dim3A_401 : vector<8x4096xi1>, vector<8x4096xf32>
      %reduce_sum3A = arith.constant dense<0.000000e+00> : vector<8xf32>
      %reduce_sum3A_403 = vector.multi_reduction <add>, %select_n3A_402, %reduce_sum3A [1] : vector<8x4096xf32> to vector<8xf32>
      %broadcast_in_dim3A_404 = vector.shape_cast %reduce_sum3A_403 : vector<8xf32> to vector<8x1xf32>
      %jit3A_405 = arith.constant 0.000000e+00 : f32
      %broadcast_in_dim3A_406 = vector.broadcast %jit3A_405 : f32 to vector<8x4096xf32>
      %select_n3A_407 = arith.select %eq3A_399, %get3A_4, %broadcast_in_dim3A_406 : vector<8x4096xi1>, vector<8x4096xf32>
      %reduce_sum3A_408 = arith.constant dense<0.000000e+00> : vector<8xf32>
      %reduce_sum3A_409 = vector.multi_reduction <add>, %select_n3A_407, %reduce_sum3A_408 [1] : vector<8x4096xf32> to vector<8xf32>
      %broadcast_in_dim3A_410 = vector.shape_cast %reduce_sum3A_409 : vector<8xf32> to vector<8x1xf32>
      %jit3A_411 = arith.constant 0.000000e+00 : f32
      %broadcast_in_dim3A_412 = vector.broadcast %jit3A_411 : f32 to vector<8x4096xf32>
      %select_n3A_413 = arith.select %eq3A_399, %get3A_7, %broadcast_in_dim3A_412 : vector<8x4096xi1>, vector<8x4096xf32>
      %reduce_sum3A_414 = arith.constant dense<0.000000e+00> : vector<8xf32>
      %reduce_sum3A_415 = vector.multi_reduction <add>, %select_n3A_413, %reduce_sum3A_414 [1] : vector<8x4096xf32> to vector<8xf32>
      %broadcast_in_dim3A_416 = vector.shape_cast %reduce_sum3A_415 : vector<8xf32> to vector<8x1xf32>
      %sub3A_417 = vector.broadcast %broadcast_in_dim3A_404 : vector<8x1xf32> to vector<8x4096xf32>
      %sub3A_418 = arith.subf %get3A_1, %sub3A_417 : vector<8x4096xf32>
      %sub3A_419 = vector.broadcast %broadcast_in_dim3A_410 : vector<8x1xf32> to vector<8x4096xf32>
      %sub3A_420 = arith.subf %get3A_4, %sub3A_419 : vector<8x4096xf32>
      %sub3A_421 = vector.broadcast %broadcast_in_dim3A_416 : vector<8x1xf32> to vector<8x4096xf32>
      %sub3A_422 = arith.subf %get3A_7, %sub3A_421 : vector<8x4096xf32>
      %mul3A_423 = arith.mulf %sub3A_418, %sub3A_418 : vector<8x4096xf32>
      %mul3A_424 = arith.mulf %sub3A_420, %sub3A_420 : vector<8x4096xf32>
      %add3A_425 = arith.addf %mul3A_423, %mul3A_424 : vector<8x4096xf32>
      %mul3A_426 = arith.mulf %sub3A_422, %sub3A_422 : vector<8x4096xf32>
      %add3A_427 = arith.addf %add3A_425, %mul3A_426 : vector<8x4096xf32>
      %min3A = arith.minimumf %scan3A_382, %add3A_427 : vector<8x4096xf32>
      %sub3A_428 = arith.constant 384 : i32
      %sub3A_429 = arith.subi %scan3A_381, %sub3A_428 : i32
      %eq3A_430 = vector.broadcast %sub3A_429 : i32 to vector<1x128xi32>
      %eq3A_431 = arith.cmpi eq, %iota3A_18, %eq3A_430 : vector<1x128xi32>
      %broadcast_in_dim3A_432 = vector.shape_cast %eq3A_431 : vector<1x128xi1> to vector<1x128xi1>
      %broadcast_in_dim3A_433 = vector.broadcast %broadcast_in_dim3A_432 : vector<1x128xi1> to vector<8x128xi1>
      %broadcast_in_dim3A_434 = vector.shape_cast %broadcast_in_dim3A_404 : vector<8x1xf32> to vector<8x1xf32>
      %broadcast_in_dim3A_435 = vector.broadcast %broadcast_in_dim3A_434 : vector<8x1xf32> to vector<8x128xf32>
      %select_n3A_436 = arith.select %broadcast_in_dim3A_433, %broadcast_in_dim3A_435, %scan3A_383 : vector<8x128xi1>, vector<8x128xf32>
      %broadcast_in_dim3A_437 = vector.shape_cast %eq3A_431 : vector<1x128xi1> to vector<1x128xi1>
      %broadcast_in_dim3A_438 = vector.broadcast %broadcast_in_dim3A_437 : vector<1x128xi1> to vector<8x128xi1>
      %broadcast_in_dim3A_439 = vector.shape_cast %broadcast_in_dim3A_410 : vector<8x1xf32> to vector<8x1xf32>
      %broadcast_in_dim3A_440 = vector.broadcast %broadcast_in_dim3A_439 : vector<8x1xf32> to vector<8x128xf32>
      %select_n3A_441 = arith.select %broadcast_in_dim3A_438, %broadcast_in_dim3A_440, %scan3A_384 : vector<8x128xi1>, vector<8x128xf32>
      %broadcast_in_dim3A_442 = vector.shape_cast %eq3A_431 : vector<1x128xi1> to vector<1x128xi1>
      %broadcast_in_dim3A_443 = vector.broadcast %broadcast_in_dim3A_442 : vector<1x128xi1> to vector<8x128xi1>
      %broadcast_in_dim3A_444 = vector.shape_cast %broadcast_in_dim3A_416 : vector<8x1xf32> to vector<8x1xf32>
      %broadcast_in_dim3A_445 = vector.broadcast %broadcast_in_dim3A_444 : vector<8x1xf32> to vector<8x128xf32>
      %select_n3A_446 = arith.select %broadcast_in_dim3A_443, %broadcast_in_dim3A_445, %scan3A_385 : vector<8x128xi1>, vector<8x128xf32>
      scf.yield %min3A, %select_n3A_436, %select_n3A_441, %select_n3A_446 : vector<8x4096xf32>, vector<8x128xf32>, vector<8x128xf32>, vector<8x128xf32>
    }
    %scan3A_111 = arith.constant 128 : i32
    %swap3A_112 = arith.constant 0 : index
    %swap3A_113 = arith.constant 384 : index
    %swap3A_114 = vector.load %arg5[%swap3A_112, %swap3A_113] : memref<8x1024xf32, #tpu.memory_space<vmem>>, vector<8x128xf32>
    tpu.vector_store %arg5[%swap3A_112, %swap3A_113], %scan3A_110#1 {strides = array<i32>} : memref<8x1024xf32, #tpu.memory_space<vmem>>, vector<8x128xf32>,
    %swap3A_115 = arith.constant 0 : index
    %swap3A_116 = arith.constant 384 : index
    %swap3A_117 = vector.load %arg6[%swap3A_115, %swap3A_116] : memref<8x1024xf32, #tpu.memory_space<vmem>>, vector<8x128xf32>
    tpu.vector_store %arg6[%swap3A_115, %swap3A_116], %scan3A_110#2 {strides = array<i32>} : memref<8x1024xf32, #tpu.memory_space<vmem>>, vector<8x128xf32>,
    %swap3A_118 = arith.constant 0 : index
    %swap3A_119 = arith.constant 384 : index
    %swap3A_120 = vector.load %arg7[%swap3A_118, %swap3A_119] : memref<8x1024xf32, #tpu.memory_space<vmem>>, vector<8x128xf32>
    tpu.vector_store %arg7[%swap3A_118, %swap3A_119], %scan3A_110#3 {strides = array<i32>} : memref<8x1024xf32, #tpu.memory_space<vmem>>, vector<8x128xf32>,
    %broadcast_in_dim3A_121 = arith.constant 0.000000e+00 : f32
    %broadcast_in_dim3A_122 = vector.broadcast %broadcast_in_dim3A_121 : f32 to vector<8x128xf32>
    %broadcast_in_dim3A_123 = arith.constant 0.000000e+00 : f32
    %broadcast_in_dim3A_124 = vector.broadcast %broadcast_in_dim3A_123 : f32 to vector<8x128xf32>
    %broadcast_in_dim3A_125 = arith.constant 0.000000e+00 : f32
    %broadcast_in_dim3A_126 = vector.broadcast %broadcast_in_dim3A_125 : f32 to vector<8x128xf32>
    %scan3A_127 = arith.constant 512 : i32
    %scan3A_128 = arith.constant 128 : i32
    %scan3A_129 = arith.addi %scan3A_127, %scan3A_128 : i32
    %scan3A_130 = arith.constant 1 : i32
    %scan3A_131:4 = scf.for %scan3A_381 = %scan3A_127 to %scan3A_129 step %scan3A_130 iter_args(%scan3A_382 = %scan3A_110#0, %scan3A_383 = %broadcast_in_dim3A_122, %scan3A_384 = %broadcast_in_dim3A_124, %scan3A_385 = %broadcast_in_dim3A_126) -> (vector<8x4096xf32>, vector<8x128xf32>, vector<8x128xf32>, vector<8x128xf32>)  : i32 {
      %reduce_max3A = arith.constant dense<0xFF800000> : vector<8xf32>
      %reduce_max3A_386 = vector.multi_reduction <maximumf>, %scan3A_382, %reduce_max3A [1] : vector<8x4096xf32> to vector<8xf32>
      %broadcast_in_dim3A_387 = vector.shape_cast %reduce_max3A_386 : vector<8xf32> to vector<8x1xf32>
      %eq3A_388 = vector.broadcast %broadcast_in_dim3A_387 : vector<8x1xf32> to vector<8x4096xf32>
      %eq3A_389 = arith.cmpf oeq, %scan3A_382, %eq3A_388 : vector<8x4096xf32>
      %jit3A_390 = arith.constant 4096 : i32
      %broadcast_in_dim3A_391 = vector.shape_cast %iota3A : vector<1x4096xi32> to vector<1x4096xi32>
      %broadcast_in_dim3A_392 = vector.broadcast %broadcast_in_dim3A_391 : vector<1x4096xi32> to vector<8x4096xi32>
      %broadcast_in_dim3A_393 = vector.broadcast %jit3A_390 : i32 to vector<8x4096xi32>
      %select_n3A_394 = arith.select %eq3A_389, %broadcast_in_dim3A_392, %broadcast_in_dim3A_393 : vector<8x4096xi1>, vector<8x4096xi32>
      %reduce_min3A = arith.constant dense<2147483647> : vector<8xi32>
      %reduce_min3A_395 = vector.multi_reduction <minsi>, %select_n3A_394, %reduce_min3A [1] : vector<8x4096xi32> to vector<8xi32>
      %broadcast_in_dim3A_396 = vector.shape_cast %reduce_min3A_395 : vector<8xi32> to vector<8x1xi32>
      %eq3A_397 = vector.broadcast %iota3A : vector<1x4096xi32> to vector<8x4096xi32>
      %eq3A_398 = vector.broadcast %broadcast_in_dim3A_396 : vector<8x1xi32> to vector<8x4096xi32>
      %eq3A_399 = arith.cmpi eq, %eq3A_397, %eq3A_398 : vector<8x4096xi32>
      %jit3A_400 = arith.constant 0.000000e+00 : f32
      %broadcast_in_dim3A_401 = vector.broadcast %jit3A_400 : f32 to vector<8x4096xf32>
      %select_n3A_402 = arith.select %eq3A_399, %get3A_1, %broadcast_in_dim3A_401 : vector<8x4096xi1>, vector<8x4096xf32>
      %reduce_sum3A = arith.constant dense<0.000000e+00> : vector<8xf32>
      %reduce_sum3A_403 = vector.multi_reduction <add>, %select_n3A_402, %reduce_sum3A [1] : vector<8x4096xf32> to vector<8xf32>
      %broadcast_in_dim3A_404 = vector.shape_cast %reduce_sum3A_403 : vector<8xf32> to vector<8x1xf32>
      %jit3A_405 = arith.constant 0.000000e+00 : f32
      %broadcast_in_dim3A_406 = vector.broadcast %jit3A_405 : f32 to vector<8x4096xf32>
      %select_n3A_407 = arith.select %eq3A_399, %get3A_4, %broadcast_in_dim3A_406 : vector<8x4096xi1>, vector<8x4096xf32>
      %reduce_sum3A_408 = arith.constant dense<0.000000e+00> : vector<8xf32>
      %reduce_sum3A_409 = vector.multi_reduction <add>, %select_n3A_407, %reduce_sum3A_408 [1] : vector<8x4096xf32> to vector<8xf32>
      %broadcast_in_dim3A_410 = vector.shape_cast %reduce_sum3A_409 : vector<8xf32> to vector<8x1xf32>
      %jit3A_411 = arith.constant 0.000000e+00 : f32
      %broadcast_in_dim3A_412 = vector.broadcast %jit3A_411 : f32 to vector<8x4096xf32>
      %select_n3A_413 = arith.select %eq3A_399, %get3A_7, %broadcast_in_dim3A_412 : vector<8x4096xi1>, vector<8x4096xf32>
      %reduce_sum3A_414 = arith.constant dense<0.000000e+00> : vector<8xf32>
      %reduce_sum3A_415 = vector.multi_reduction <add>, %select_n3A_413, %reduce_sum3A_414 [1] : vector<8x4096xf32> to vector<8xf32>
      %broadcast_in_dim3A_416 = vector.shape_cast %reduce_sum3A_415 : vector<8xf32> to vector<8x1xf32>
      %sub3A_417 = vector.broadcast %broadcast_in_dim3A_404 : vector<8x1xf32> to vector<8x4096xf32>
      %sub3A_418 = arith.subf %get3A_1, %sub3A_417 : vector<8x4096xf32>
      %sub3A_419 = vector.broadcast %broadcast_in_dim3A_410 : vector<8x1xf32> to vector<8x4096xf32>
      %sub3A_420 = arith.subf %get3A_4, %sub3A_419 : vector<8x4096xf32>
      %sub3A_421 = vector.broadcast %broadcast_in_dim3A_416 : vector<8x1xf32> to vector<8x4096xf32>
      %sub3A_422 = arith.subf %get3A_7, %sub3A_421 : vector<8x4096xf32>
      %mul3A_423 = arith.mulf %sub3A_418, %sub3A_418 : vector<8x4096xf32>
      %mul3A_424 = arith.mulf %sub3A_420, %sub3A_420 : vector<8x4096xf32>
      %add3A_425 = arith.addf %mul3A_423, %mul3A_424 : vector<8x4096xf32>
      %mul3A_426 = arith.mulf %sub3A_422, %sub3A_422 : vector<8x4096xf32>
      %add3A_427 = arith.addf %add3A_425, %mul3A_426 : vector<8x4096xf32>
      %min3A = arith.minimumf %scan3A_382, %add3A_427 : vector<8x4096xf32>
      %sub3A_428 = arith.constant 512 : i32
      %sub3A_429 = arith.subi %scan3A_381, %sub3A_428 : i32
      %eq3A_430 = vector.broadcast %sub3A_429 : i32 to vector<1x128xi32>
      %eq3A_431 = arith.cmpi eq, %iota3A_18, %eq3A_430 : vector<1x128xi32>
      %broadcast_in_dim3A_432 = vector.shape_cast %eq3A_431 : vector<1x128xi1> to vector<1x128xi1>
      %broadcast_in_dim3A_433 = vector.broadcast %broadcast_in_dim3A_432 : vector<1x128xi1> to vector<8x128xi1>
      %broadcast_in_dim3A_434 = vector.shape_cast %broadcast_in_dim3A_404 : vector<8x1xf32> to vector<8x1xf32>
      %broadcast_in_dim3A_435 = vector.broadcast %broadcast_in_dim3A_434 : vector<8x1xf32> to vector<8x128xf32>
      %select_n3A_436 = arith.select %broadcast_in_dim3A_433, %broadcast_in_dim3A_435, %scan3A_383 : vector<8x128xi1>, vector<8x128xf32>
      %broadcast_in_dim3A_437 = vector.shape_cast %eq3A_431 : vector<1x128xi1> to vector<1x128xi1>
      %broadcast_in_dim3A_438 = vector.broadcast %broadcast_in_dim3A_437 : vector<1x128xi1> to vector<8x128xi1>
      %broadcast_in_dim3A_439 = vector.shape_cast %broadcast_in_dim3A_410 : vector<8x1xf32> to vector<8x1xf32>
      %broadcast_in_dim3A_440 = vector.broadcast %broadcast_in_dim3A_439 : vector<8x1xf32> to vector<8x128xf32>
      %select_n3A_441 = arith.select %broadcast_in_dim3A_438, %broadcast_in_dim3A_440, %scan3A_384 : vector<8x128xi1>, vector<8x128xf32>
      %broadcast_in_dim3A_442 = vector.shape_cast %eq3A_431 : vector<1x128xi1> to vector<1x128xi1>
      %broadcast_in_dim3A_443 = vector.broadcast %broadcast_in_dim3A_442 : vector<1x128xi1> to vector<8x128xi1>
      %broadcast_in_dim3A_444 = vector.shape_cast %broadcast_in_dim3A_416 : vector<8x1xf32> to vector<8x1xf32>
      %broadcast_in_dim3A_445 = vector.broadcast %broadcast_in_dim3A_444 : vector<8x1xf32> to vector<8x128xf32>
      %select_n3A_446 = arith.select %broadcast_in_dim3A_443, %broadcast_in_dim3A_445, %scan3A_385 : vector<8x128xi1>, vector<8x128xf32>
      scf.yield %min3A, %select_n3A_436, %select_n3A_441, %select_n3A_446 : vector<8x4096xf32>, vector<8x128xf32>, vector<8x128xf32>, vector<8x128xf32>
    }
    %scan3A_132 = arith.constant 128 : i32
    %swap3A_133 = arith.constant 0 : index
    %swap3A_134 = arith.constant 512 : index
    %swap3A_135 = vector.load %arg5[%swap3A_133, %swap3A_134] : memref<8x1024xf32, #tpu.memory_space<vmem>>, vector<8x128xf32>
    tpu.vector_store %arg5[%swap3A_133, %swap3A_134], %scan3A_131#1 {strides = array<i32>} : memref<8x1024xf32, #tpu.memory_space<vmem>>, vector<8x128xf32>,
    %swap3A_136 = arith.constant 0 : index
    %swap3A_137 = arith.constant 512 : index
    %swap3A_138 = vector.load %arg6[%swap3A_136, %swap3A_137] : memref<8x1024xf32, #tpu.memory_space<vmem>>, vector<8x128xf32>
    tpu.vector_store %arg6[%swap3A_136, %swap3A_137], %scan3A_131#2 {strides = array<i32>} : memref<8x1024xf32, #tpu.memory_space<vmem>>, vector<8x128xf32>,
    %swap3A_139 = arith.constant 0 : index
    %swap3A_140 = arith.constant 512 : index
    %swap3A_141 = vector.load %arg7[%swap3A_139, %swap3A_140] : memref<8x1024xf32, #tpu.memory_space<vmem>>, vector<8x128xf32>
    tpu.vector_store %arg7[%swap3A_139, %swap3A_140], %scan3A_131#3 {strides = array<i32>} : memref<8x1024xf32, #tpu.memory_space<vmem>>, vector<8x128xf32>,
    %broadcast_in_dim3A_142 = arith.constant 0.000000e+00 : f32
    %broadcast_in_dim3A_143 = vector.broadcast %broadcast_in_dim3A_142 : f32 to vector<8x128xf32>
    %broadcast_in_dim3A_144 = arith.constant 0.000000e+00 : f32
    %broadcast_in_dim3A_145 = vector.broadcast %broadcast_in_dim3A_144 : f32 to vector<8x128xf32>
    %broadcast_in_dim3A_146 = arith.constant 0.000000e+00 : f32
    %broadcast_in_dim3A_147 = vector.broadcast %broadcast_in_dim3A_146 : f32 to vector<8x128xf32>
    %scan3A_148 = arith.constant 640 : i32
    %scan3A_149 = arith.constant 128 : i32
    %scan3A_150 = arith.addi %scan3A_148, %scan3A_149 : i32
    %scan3A_151 = arith.constant 1 : i32
    %scan3A_152:4 = scf.for %scan3A_381 = %scan3A_148 to %scan3A_150 step %scan3A_151 iter_args(%scan3A_382 = %scan3A_131#0, %scan3A_383 = %broadcast_in_dim3A_143, %scan3A_384 = %broadcast_in_dim3A_145, %scan3A_385 = %broadcast_in_dim3A_147) -> (vector<8x4096xf32>, vector<8x128xf32>, vector<8x128xf32>, vector<8x128xf32>)  : i32 {
      %reduce_max3A = arith.constant dense<0xFF800000> : vector<8xf32>
      %reduce_max3A_386 = vector.multi_reduction <maximumf>, %scan3A_382, %reduce_max3A [1] : vector<8x4096xf32> to vector<8xf32>
      %broadcast_in_dim3A_387 = vector.shape_cast %reduce_max3A_386 : vector<8xf32> to vector<8x1xf32>
      %eq3A_388 = vector.broadcast %broadcast_in_dim3A_387 : vector<8x1xf32> to vector<8x4096xf32>
      %eq3A_389 = arith.cmpf oeq, %scan3A_382, %eq3A_388 : vector<8x4096xf32>
      %jit3A_390 = arith.constant 4096 : i32
      %broadcast_in_dim3A_391 = vector.shape_cast %iota3A : vector<1x4096xi32> to vector<1x4096xi32>
      %broadcast_in_dim3A_392 = vector.broadcast %broadcast_in_dim3A_391 : vector<1x4096xi32> to vector<8x4096xi32>
      %broadcast_in_dim3A_393 = vector.broadcast %jit3A_390 : i32 to vector<8x4096xi32>
      %select_n3A_394 = arith.select %eq3A_389, %broadcast_in_dim3A_392, %broadcast_in_dim3A_393 : vector<8x4096xi1>, vector<8x4096xi32>
      %reduce_min3A = arith.constant dense<2147483647> : vector<8xi32>
      %reduce_min3A_395 = vector.multi_reduction <minsi>, %select_n3A_394, %reduce_min3A [1] : vector<8x4096xi32> to vector<8xi32>
      %broadcast_in_dim3A_396 = vector.shape_cast %reduce_min3A_395 : vector<8xi32> to vector<8x1xi32>
      %eq3A_397 = vector.broadcast %iota3A : vector<1x4096xi32> to vector<8x4096xi32>
      %eq3A_398 = vector.broadcast %broadcast_in_dim3A_396 : vector<8x1xi32> to vector<8x4096xi32>
      %eq3A_399 = arith.cmpi eq, %eq3A_397, %eq3A_398 : vector<8x4096xi32>
      %jit3A_400 = arith.constant 0.000000e+00 : f32
      %broadcast_in_dim3A_401 = vector.broadcast %jit3A_400 : f32 to vector<8x4096xf32>
      %select_n3A_402 = arith.select %eq3A_399, %get3A_1, %broadcast_in_dim3A_401 : vector<8x4096xi1>, vector<8x4096xf32>
      %reduce_sum3A = arith.constant dense<0.000000e+00> : vector<8xf32>
      %reduce_sum3A_403 = vector.multi_reduction <add>, %select_n3A_402, %reduce_sum3A [1] : vector<8x4096xf32> to vector<8xf32>
      %broadcast_in_dim3A_404 = vector.shape_cast %reduce_sum3A_403 : vector<8xf32> to vector<8x1xf32>
      %jit3A_405 = arith.constant 0.000000e+00 : f32
      %broadcast_in_dim3A_406 = vector.broadcast %jit3A_405 : f32 to vector<8x4096xf32>
      %select_n3A_407 = arith.select %eq3A_399, %get3A_4, %broadcast_in_dim3A_406 : vector<8x4096xi1>, vector<8x4096xf32>
      %reduce_sum3A_408 = arith.constant dense<0.000000e+00> : vector<8xf32>
      %reduce_sum3A_409 = vector.multi_reduction <add>, %select_n3A_407, %reduce_sum3A_408 [1] : vector<8x4096xf32> to vector<8xf32>
      %broadcast_in_dim3A_410 = vector.shape_cast %reduce_sum3A_409 : vector<8xf32> to vector<8x1xf32>
      %jit3A_411 = arith.constant 0.000000e+00 : f32
      %broadcast_in_dim3A_412 = vector.broadcast %jit3A_411 : f32 to vector<8x4096xf32>
      %select_n3A_413 = arith.select %eq3A_399, %get3A_7, %broadcast_in_dim3A_412 : vector<8x4096xi1>, vector<8x4096xf32>
      %reduce_sum3A_414 = arith.constant dense<0.000000e+00> : vector<8xf32>
      %reduce_sum3A_415 = vector.multi_reduction <add>, %select_n3A_413, %reduce_sum3A_414 [1] : vector<8x4096xf32> to vector<8xf32>
      %broadcast_in_dim3A_416 = vector.shape_cast %reduce_sum3A_415 : vector<8xf32> to vector<8x1xf32>
      %sub3A_417 = vector.broadcast %broadcast_in_dim3A_404 : vector<8x1xf32> to vector<8x4096xf32>
      %sub3A_418 = arith.subf %get3A_1, %sub3A_417 : vector<8x4096xf32>
      %sub3A_419 = vector.broadcast %broadcast_in_dim3A_410 : vector<8x1xf32> to vector<8x4096xf32>
      %sub3A_420 = arith.subf %get3A_4, %sub3A_419 : vector<8x4096xf32>
      %sub3A_421 = vector.broadcast %broadcast_in_dim3A_416 : vector<8x1xf32> to vector<8x4096xf32>
      %sub3A_422 = arith.subf %get3A_7, %sub3A_421 : vector<8x4096xf32>
      %mul3A_423 = arith.mulf %sub3A_418, %sub3A_418 : vector<8x4096xf32>
      %mul3A_424 = arith.mulf %sub3A_420, %sub3A_420 : vector<8x4096xf32>
      %add3A_425 = arith.addf %mul3A_423, %mul3A_424 : vector<8x4096xf32>
      %mul3A_426 = arith.mulf %sub3A_422, %sub3A_422 : vector<8x4096xf32>
      %add3A_427 = arith.addf %add3A_425, %mul3A_426 : vector<8x4096xf32>
      %min3A = arith.minimumf %scan3A_382, %add3A_427 : vector<8x4096xf32>
      %sub3A_428 = arith.constant 640 : i32
      %sub3A_429 = arith.subi %scan3A_381, %sub3A_428 : i32
      %eq3A_430 = vector.broadcast %sub3A_429 : i32 to vector<1x128xi32>
      %eq3A_431 = arith.cmpi eq, %iota3A_18, %eq3A_430 : vector<1x128xi32>
      %broadcast_in_dim3A_432 = vector.shape_cast %eq3A_431 : vector<1x128xi1> to vector<1x128xi1>
      %broadcast_in_dim3A_433 = vector.broadcast %broadcast_in_dim3A_432 : vector<1x128xi1> to vector<8x128xi1>
      %broadcast_in_dim3A_434 = vector.shape_cast %broadcast_in_dim3A_404 : vector<8x1xf32> to vector<8x1xf32>
      %broadcast_in_dim3A_435 = vector.broadcast %broadcast_in_dim3A_434 : vector<8x1xf32> to vector<8x128xf32>
      %select_n3A_436 = arith.select %broadcast_in_dim3A_433, %broadcast_in_dim3A_435, %scan3A_383 : vector<8x128xi1>, vector<8x128xf32>
      %broadcast_in_dim3A_437 = vector.shape_cast %eq3A_431 : vector<1x128xi1> to vector<1x128xi1>
      %broadcast_in_dim3A_438 = vector.broadcast %broadcast_in_dim3A_437 : vector<1x128xi1> to vector<8x128xi1>
      %broadcast_in_dim3A_439 = vector.shape_cast %broadcast_in_dim3A_410 : vector<8x1xf32> to vector<8x1xf32>
      %broadcast_in_dim3A_440 = vector.broadcast %broadcast_in_dim3A_439 : vector<8x1xf32> to vector<8x128xf32>
      %select_n3A_441 = arith.select %broadcast_in_dim3A_438, %broadcast_in_dim3A_440, %scan3A_384 : vector<8x128xi1>, vector<8x128xf32>
      %broadcast_in_dim3A_442 = vector.shape_cast %eq3A_431 : vector<1x128xi1> to vector<1x128xi1>
      %broadcast_in_dim3A_443 = vector.broadcast %broadcast_in_dim3A_442 : vector<1x128xi1> to vector<8x128xi1>
      %broadcast_in_dim3A_444 = vector.shape_cast %broadcast_in_dim3A_416 : vector<8x1xf32> to vector<8x1xf32>
      %broadcast_in_dim3A_445 = vector.broadcast %broadcast_in_dim3A_444 : vector<8x1xf32> to vector<8x128xf32>
      %select_n3A_446 = arith.select %broadcast_in_dim3A_443, %broadcast_in_dim3A_445, %scan3A_385 : vector<8x128xi1>, vector<8x128xf32>
      scf.yield %min3A, %select_n3A_436, %select_n3A_441, %select_n3A_446 : vector<8x4096xf32>, vector<8x128xf32>, vector<8x128xf32>, vector<8x128xf32>
    }
    %scan3A_153 = arith.constant 128 : i32
    %swap3A_154 = arith.constant 0 : index
    %swap3A_155 = arith.constant 640 : index
    %swap3A_156 = vector.load %arg5[%swap3A_154, %swap3A_155] : memref<8x1024xf32, #tpu.memory_space<vmem>>, vector<8x128xf32>
    tpu.vector_store %arg5[%swap3A_154, %swap3A_155], %scan3A_152#1 {strides = array<i32>} : memref<8x1024xf32, #tpu.memory_space<vmem>>, vector<8x128xf32>,
    %swap3A_157 = arith.constant 0 : index
    %swap3A_158 = arith.constant 640 : index
    %swap3A_159 = vector.load %arg6[%swap3A_157, %swap3A_158] : memref<8x1024xf32, #tpu.memory_space<vmem>>, vector<8x128xf32>
    tpu.vector_store %arg6[%swap3A_157, %swap3A_158], %scan3A_152#2 {strides = array<i32>} : memref<8x1024xf32, #tpu.memory_space<vmem>>, vector<8x128xf32>,
    %swap3A_160 = arith.constant 0 : index
    %swap3A_161 = arith.constant 640 : index
    %swap3A_162 = vector.load %arg7[%swap3A_160, %swap3A_161] : memref<8x1024xf32, #tpu.memory_space<vmem>>, vector<8x128xf32>
    tpu.vector_store %arg7[%swap3A_160, %swap3A_161], %scan3A_152#3 {strides = array<i32>} : memref<8x1024xf32, #tpu.memory_space<vmem>>, vector<8x128xf32>,
    %broadcast_in_dim3A_163 = arith.constant 0.000000e+00 : f32
    %broadcast_in_dim3A_164 = vector.broadcast %broadcast_in_dim3A_163 : f32 to vector<8x128xf32>
    %broadcast_in_dim3A_165 = arith.constant 0.000000e+00 : f32
    %broadcast_in_dim3A_166 = vector.broadcast %broadcast_in_dim3A_165 : f32 to vector<8x128xf32>
    %broadcast_in_dim3A_167 = arith.constant 0.000000e+00 : f32
    %broadcast_in_dim3A_168 = vector.broadcast %broadcast_in_dim3A_167 : f32 to vector<8x128xf32>
    %scan3A_169 = arith.constant 768 : i32
    %scan3A_170 = arith.constant 128 : i32
    %scan3A_171 = arith.addi %scan3A_169, %scan3A_170 : i32
    %scan3A_172 = arith.constant 1 : i32
    %scan3A_173:4 = scf.for %scan3A_381 = %scan3A_169 to %scan3A_171 step %scan3A_172 iter_args(%scan3A_382 = %scan3A_152#0, %scan3A_383 = %broadcast_in_dim3A_164, %scan3A_384 = %broadcast_in_dim3A_166, %scan3A_385 = %broadcast_in_dim3A_168) -> (vector<8x4096xf32>, vector<8x128xf32>, vector<8x128xf32>, vector<8x128xf32>)  : i32 {
      %reduce_max3A = arith.constant dense<0xFF800000> : vector<8xf32>
      %reduce_max3A_386 = vector.multi_reduction <maximumf>, %scan3A_382, %reduce_max3A [1] : vector<8x4096xf32> to vector<8xf32>
      %broadcast_in_dim3A_387 = vector.shape_cast %reduce_max3A_386 : vector<8xf32> to vector<8x1xf32>
      %eq3A_388 = vector.broadcast %broadcast_in_dim3A_387 : vector<8x1xf32> to vector<8x4096xf32>
      %eq3A_389 = arith.cmpf oeq, %scan3A_382, %eq3A_388 : vector<8x4096xf32>
      %jit3A_390 = arith.constant 4096 : i32
      %broadcast_in_dim3A_391 = vector.shape_cast %iota3A : vector<1x4096xi32> to vector<1x4096xi32>
      %broadcast_in_dim3A_392 = vector.broadcast %broadcast_in_dim3A_391 : vector<1x4096xi32> to vector<8x4096xi32>
      %broadcast_in_dim3A_393 = vector.broadcast %jit3A_390 : i32 to vector<8x4096xi32>
      %select_n3A_394 = arith.select %eq3A_389, %broadcast_in_dim3A_392, %broadcast_in_dim3A_393 : vector<8x4096xi1>, vector<8x4096xi32>
      %reduce_min3A = arith.constant dense<2147483647> : vector<8xi32>
      %reduce_min3A_395 = vector.multi_reduction <minsi>, %select_n3A_394, %reduce_min3A [1] : vector<8x4096xi32> to vector<8xi32>
      %broadcast_in_dim3A_396 = vector.shape_cast %reduce_min3A_395 : vector<8xi32> to vector<8x1xi32>
      %eq3A_397 = vector.broadcast %iota3A : vector<1x4096xi32> to vector<8x4096xi32>
      %eq3A_398 = vector.broadcast %broadcast_in_dim3A_396 : vector<8x1xi32> to vector<8x4096xi32>
      %eq3A_399 = arith.cmpi eq, %eq3A_397, %eq3A_398 : vector<8x4096xi32>
      %jit3A_400 = arith.constant 0.000000e+00 : f32
      %broadcast_in_dim3A_401 = vector.broadcast %jit3A_400 : f32 to vector<8x4096xf32>
      %select_n3A_402 = arith.select %eq3A_399, %get3A_1, %broadcast_in_dim3A_401 : vector<8x4096xi1>, vector<8x4096xf32>
      %reduce_sum3A = arith.constant dense<0.000000e+00> : vector<8xf32>
      %reduce_sum3A_403 = vector.multi_reduction <add>, %select_n3A_402, %reduce_sum3A [1] : vector<8x4096xf32> to vector<8xf32>
      %broadcast_in_dim3A_404 = vector.shape_cast %reduce_sum3A_403 : vector<8xf32> to vector<8x1xf32>
      %jit3A_405 = arith.constant 0.000000e+00 : f32
      %broadcast_in_dim3A_406 = vector.broadcast %jit3A_405 : f32 to vector<8x4096xf32>
      %select_n3A_407 = arith.select %eq3A_399, %get3A_4, %broadcast_in_dim3A_406 : vector<8x4096xi1>, vector<8x4096xf32>
      %reduce_sum3A_408 = arith.constant dense<0.000000e+00> : vector<8xf32>
      %reduce_sum3A_409 = vector.multi_reduction <add>, %select_n3A_407, %reduce_sum3A_408 [1] : vector<8x4096xf32> to vector<8xf32>
      %broadcast_in_dim3A_410 = vector.shape_cast %reduce_sum3A_409 : vector<8xf32> to vector<8x1xf32>
      %jit3A_411 = arith.constant 0.000000e+00 : f32
      %broadcast_in_dim3A_412 = vector.broadcast %jit3A_411 : f32 to vector<8x4096xf32>
      %select_n3A_413 = arith.select %eq3A_399, %get3A_7, %broadcast_in_dim3A_412 : vector<8x4096xi1>, vector<8x4096xf32>
      %reduce_sum3A_414 = arith.constant dense<0.000000e+00> : vector<8xf32>
      %reduce_sum3A_415 = vector.multi_reduction <add>, %select_n3A_413, %reduce_sum3A_414 [1] : vector<8x4096xf32> to vector<8xf32>
      %broadcast_in_dim3A_416 = vector.shape_cast %reduce_sum3A_415 : vector<8xf32> to vector<8x1xf32>
      %sub3A_417 = vector.broadcast %broadcast_in_dim3A_404 : vector<8x1xf32> to vector<8x4096xf32>
      %sub3A_418 = arith.subf %get3A_1, %sub3A_417 : vector<8x4096xf32>
      %sub3A_419 = vector.broadcast %broadcast_in_dim3A_410 : vector<8x1xf32> to vector<8x4096xf32>
      %sub3A_420 = arith.subf %get3A_4, %sub3A_419 : vector<8x4096xf32>
      %sub3A_421 = vector.broadcast %broadcast_in_dim3A_416 : vector<8x1xf32> to vector<8x4096xf32>
      %sub3A_422 = arith.subf %get3A_7, %sub3A_421 : vector<8x4096xf32>
      %mul3A_423 = arith.mulf %sub3A_418, %sub3A_418 : vector<8x4096xf32>
      %mul3A_424 = arith.mulf %sub3A_420, %sub3A_420 : vector<8x4096xf32>
      %add3A_425 = arith.addf %mul3A_423, %mul3A_424 : vector<8x4096xf32>
      %mul3A_426 = arith.mulf %sub3A_422, %sub3A_422 : vector<8x4096xf32>
      %add3A_427 = arith.addf %add3A_425, %mul3A_426 : vector<8x4096xf32>
      %min3A = arith.minimumf %scan3A_382, %add3A_427 : vector<8x4096xf32>
      %sub3A_428 = arith.constant 768 : i32
      %sub3A_429 = arith.subi %scan3A_381, %sub3A_428 : i32
      %eq3A_430 = vector.broadcast %sub3A_429 : i32 to vector<1x128xi32>
      %eq3A_431 = arith.cmpi eq, %iota3A_18, %eq3A_430 : vector<1x128xi32>
      %broadcast_in_dim3A_432 = vector.shape_cast %eq3A_431 : vector<1x128xi1> to vector<1x128xi1>
      %broadcast_in_dim3A_433 = vector.broadcast %broadcast_in_dim3A_432 : vector<1x128xi1> to vector<8x128xi1>
      %broadcast_in_dim3A_434 = vector.shape_cast %broadcast_in_dim3A_404 : vector<8x1xf32> to vector<8x1xf32>
      %broadcast_in_dim3A_435 = vector.broadcast %broadcast_in_dim3A_434 : vector<8x1xf32> to vector<8x128xf32>
      %select_n3A_436 = arith.select %broadcast_in_dim3A_433, %broadcast_in_dim3A_435, %scan3A_383 : vector<8x128xi1>, vector<8x128xf32>
      %broadcast_in_dim3A_437 = vector.shape_cast %eq3A_431 : vector<1x128xi1> to vector<1x128xi1>
      %broadcast_in_dim3A_438 = vector.broadcast %broadcast_in_dim3A_437 : vector<1x128xi1> to vector<8x128xi1>
      %broadcast_in_dim3A_439 = vector.shape_cast %broadcast_in_dim3A_410 : vector<8x1xf32> to vector<8x1xf32>
      %broadcast_in_dim3A_440 = vector.broadcast %broadcast_in_dim3A_439 : vector<8x1xf32> to vector<8x128xf32>
      %select_n3A_441 = arith.select %broadcast_in_dim3A_438, %broadcast_in_dim3A_440, %scan3A_384 : vector<8x128xi1>, vector<8x128xf32>
      %broadcast_in_dim3A_442 = vector.shape_cast %eq3A_431 : vector<1x128xi1> to vector<1x128xi1>
      %broadcast_in_dim3A_443 = vector.broadcast %broadcast_in_dim3A_442 : vector<1x128xi1> to vector<8x128xi1>
      %broadcast_in_dim3A_444 = vector.shape_cast %broadcast_in_dim3A_416 : vector<8x1xf32> to vector<8x1xf32>
      %broadcast_in_dim3A_445 = vector.broadcast %broadcast_in_dim3A_444 : vector<8x1xf32> to vector<8x128xf32>
      %select_n3A_446 = arith.select %broadcast_in_dim3A_443, %broadcast_in_dim3A_445, %scan3A_385 : vector<8x128xi1>, vector<8x128xf32>
      scf.yield %min3A, %select_n3A_436, %select_n3A_441, %select_n3A_446 : vector<8x4096xf32>, vector<8x128xf32>, vector<8x128xf32>, vector<8x128xf32>
    }
    %scan3A_174 = arith.constant 128 : i32
    %swap3A_175 = arith.constant 0 : index
    %swap3A_176 = arith.constant 768 : index
    %swap3A_177 = vector.load %arg5[%swap3A_175, %swap3A_176] : memref<8x1024xf32, #tpu.memory_space<vmem>>, vector<8x128xf32>
    tpu.vector_store %arg5[%swap3A_175, %swap3A_176], %scan3A_173#1 {strides = array<i32>} : memref<8x1024xf32, #tpu.memory_space<vmem>>, vector<8x128xf32>,
    %swap3A_178 = arith.constant 0 : index
    %swap3A_179 = arith.constant 768 : index
    %swap3A_180 = vector.load %arg6[%swap3A_178, %swap3A_179] : memref<8x1024xf32, #tpu.memory_space<vmem>>, vector<8x128xf32>
    tpu.vector_store %arg6[%swap3A_178, %swap3A_179], %scan3A_173#2 {strides = array<i32>} : memref<8x1024xf32, #tpu.memory_space<vmem>>, vector<8x128xf32>,
    %swap3A_181 = arith.constant 0 : index
    %swap3A_182 = arith.constant 768 : index
    %swap3A_183 = vector.load %arg7[%swap3A_181, %swap3A_182] : memref<8x1024xf32, #tpu.memory_space<vmem>>, vector<8x128xf32>
    tpu.vector_store %arg7[%swap3A_181, %swap3A_182], %scan3A_173#3 {strides = array<i32>} : memref<8x1024xf32, #tpu.memory_space<vmem>>, vector<8x128xf32>,
    %broadcast_in_dim3A_184 = arith.constant 0.000000e+00 : f32
    %broadcast_in_dim3A_185 = vector.broadcast %broadcast_in_dim3A_184 : f32 to vector<8x128xf32>
    %broadcast_in_dim3A_186 = arith.constant 0.000000e+00 : f32
    %broadcast_in_dim3A_187 = vector.broadcast %broadcast_in_dim3A_186 : f32 to vector<8x128xf32>
    %broadcast_in_dim3A_188 = arith.constant 0.000000e+00 : f32
    %broadcast_in_dim3A_189 = vector.broadcast %broadcast_in_dim3A_188 : f32 to vector<8x128xf32>
    %scan3A_190 = arith.constant 896 : i32
    %scan3A_191 = arith.constant 128 : i32
    %scan3A_192 = arith.addi %scan3A_190, %scan3A_191 : i32
    %scan3A_193 = arith.constant 1 : i32
    %scan3A_194:4 = scf.for %scan3A_381 = %scan3A_190 to %scan3A_192 step %scan3A_193 iter_args(%scan3A_382 = %scan3A_173#0, %scan3A_383 = %broadcast_in_dim3A_185, %scan3A_384 = %broadcast_in_dim3A_187, %scan3A_385 = %broadcast_in_dim3A_189) -> (vector<8x4096xf32>, vector<8x128xf32>, vector<8x128xf32>, vector<8x128xf32>)  : i32 {
      %reduce_max3A = arith.constant dense<0xFF800000> : vector<8xf32>
      %reduce_max3A_386 = vector.multi_reduction <maximumf>, %scan3A_382, %reduce_max3A [1] : vector<8x4096xf32> to vector<8xf32>
      %broadcast_in_dim3A_387 = vector.shape_cast %reduce_max3A_386 : vector<8xf32> to vector<8x1xf32>
      %eq3A_388 = vector.broadcast %broadcast_in_dim3A_387 : vector<8x1xf32> to vector<8x4096xf32>
      %eq3A_389 = arith.cmpf oeq, %scan3A_382, %eq3A_388 : vector<8x4096xf32>
      %jit3A_390 = arith.constant 4096 : i32
      %broadcast_in_dim3A_391 = vector.shape_cast %iota3A : vector<1x4096xi32> to vector<1x4096xi32>
      %broadcast_in_dim3A_392 = vector.broadcast %broadcast_in_dim3A_391 : vector<1x4096xi32> to vector<8x4096xi32>
      %broadcast_in_dim3A_393 = vector.broadcast %jit3A_390 : i32 to vector<8x4096xi32>
      %select_n3A_394 = arith.select %eq3A_389, %broadcast_in_dim3A_392, %broadcast_in_dim3A_393 : vector<8x4096xi1>, vector<8x4096xi32>
      %reduce_min3A = arith.constant dense<2147483647> : vector<8xi32>
      %reduce_min3A_395 = vector.multi_reduction <minsi>, %select_n3A_394, %reduce_min3A [1] : vector<8x4096xi32> to vector<8xi32>
      %broadcast_in_dim3A_396 = vector.shape_cast %reduce_min3A_395 : vector<8xi32> to vector<8x1xi32>
      %eq3A_397 = vector.broadcast %iota3A : vector<1x4096xi32> to vector<8x4096xi32>
      %eq3A_398 = vector.broadcast %broadcast_in_dim3A_396 : vector<8x1xi32> to vector<8x4096xi32>
      %eq3A_399 = arith.cmpi eq, %eq3A_397, %eq3A_398 : vector<8x4096xi32>
      %jit3A_400 = arith.constant 0.000000e+00 : f32
      %broadcast_in_dim3A_401 = vector.broadcast %jit3A_400 : f32 to vector<8x4096xf32>
      %select_n3A_402 = arith.select %eq3A_399, %get3A_1, %broadcast_in_dim3A_401 : vector<8x4096xi1>, vector<8x4096xf32>
      %reduce_sum3A = arith.constant dense<0.000000e+00> : vector<8xf32>
      %reduce_sum3A_403 = vector.multi_reduction <add>, %select_n3A_402, %reduce_sum3A [1] : vector<8x4096xf32> to vector<8xf32>
      %broadcast_in_dim3A_404 = vector.shape_cast %reduce_sum3A_403 : vector<8xf32> to vector<8x1xf32>
      %jit3A_405 = arith.constant 0.000000e+00 : f32
      %broadcast_in_dim3A_406 = vector.broadcast %jit3A_405 : f32 to vector<8x4096xf32>
      %select_n3A_407 = arith.select %eq3A_399, %get3A_4, %broadcast_in_dim3A_406 : vector<8x4096xi1>, vector<8x4096xf32>
      %reduce_sum3A_408 = arith.constant dense<0.000000e+00> : vector<8xf32>
      %reduce_sum3A_409 = vector.multi_reduction <add>, %select_n3A_407, %reduce_sum3A_408 [1] : vector<8x4096xf32> to vector<8xf32>
      %broadcast_in_dim3A_410 = vector.shape_cast %reduce_sum3A_409 : vector<8xf32> to vector<8x1xf32>
      %jit3A_411 = arith.constant 0.000000e+00 : f32
      %broadcast_in_dim3A_412 = vector.broadcast %jit3A_411 : f32 to vector<8x4096xf32>
      %select_n3A_413 = arith.select %eq3A_399, %get3A_7, %broadcast_in_dim3A_412 : vector<8x4096xi1>, vector<8x4096xf32>
      %reduce_sum3A_414 = arith.constant dense<0.000000e+00> : vector<8xf32>
      %reduce_sum3A_415 = vector.multi_reduction <add>, %select_n3A_413, %reduce_sum3A_414 [1] : vector<8x4096xf32> to vector<8xf32>
      %broadcast_in_dim3A_416 = vector.shape_cast %reduce_sum3A_415 : vector<8xf32> to vector<8x1xf32>
      %sub3A_417 = vector.broadcast %broadcast_in_dim3A_404 : vector<8x1xf32> to vector<8x4096xf32>
      %sub3A_418 = arith.subf %get3A_1, %sub3A_417 : vector<8x4096xf32>
      %sub3A_419 = vector.broadcast %broadcast_in_dim3A_410 : vector<8x1xf32> to vector<8x4096xf32>
      %sub3A_420 = arith.subf %get3A_4, %sub3A_419 : vector<8x4096xf32>
      %sub3A_421 = vector.broadcast %broadcast_in_dim3A_416 : vector<8x1xf32> to vector<8x4096xf32>
      %sub3A_422 = arith.subf %get3A_7, %sub3A_421 : vector<8x4096xf32>
      %mul3A_423 = arith.mulf %sub3A_418, %sub3A_418 : vector<8x4096xf32>
      %mul3A_424 = arith.mulf %sub3A_420, %sub3A_420 : vector<8x4096xf32>
      %add3A_425 = arith.addf %mul3A_423, %mul3A_424 : vector<8x4096xf32>
      %mul3A_426 = arith.mulf %sub3A_422, %sub3A_422 : vector<8x4096xf32>
      %add3A_427 = arith.addf %add3A_425, %mul3A_426 : vector<8x4096xf32>
      %min3A = arith.minimumf %scan3A_382, %add3A_427 : vector<8x4096xf32>
      %sub3A_428 = arith.constant 896 : i32
      %sub3A_429 = arith.subi %scan3A_381, %sub3A_428 : i32
      %eq3A_430 = vector.broadcast %sub3A_429 : i32 to vector<1x128xi32>
      %eq3A_431 = arith.cmpi eq, %iota3A_18, %eq3A_430 : vector<1x128xi32>
      %broadcast_in_dim3A_432 = vector.shape_cast %eq3A_431 : vector<1x128xi1> to vector<1x128xi1>
      %broadcast_in_dim3A_433 = vector.broadcast %broadcast_in_dim3A_432 : vector<1x128xi1> to vector<8x128xi1>
      %broadcast_in_dim3A_434 = vector.shape_cast %broadcast_in_dim3A_404 : vector<8x1xf32> to vector<8x1xf32>
      %broadcast_in_dim3A_435 = vector.broadcast %broadcast_in_dim3A_434 : vector<8x1xf32> to vector<8x128xf32>
      %select_n3A_436 = arith.select %broadcast_in_dim3A_433, %broadcast_in_dim3A_435, %scan3A_383 : vector<8x128xi1>, vector<8x128xf32>
      %broadcast_in_dim3A_437 = vector.shape_cast %eq3A_431 : vector<1x128xi1> to vector<1x128xi1>
      %broadcast_in_dim3A_438 = vector.broadcast %broadcast_in_dim3A_437 : vector<1x128xi1> to vector<8x128xi1>
      %broadcast_in_dim3A_439 = vector.shape_cast %broadcast_in_dim3A_410 : vector<8x1xf32> to vector<8x1xf32>
      %broadcast_in_dim3A_440 = vector.broadcast %broadcast_in_dim3A_439 : vector<8x1xf32> to vector<8x128xf32>
      %select_n3A_441 = arith.select %broadcast_in_dim3A_438, %broadcast_in_dim3A_440, %scan3A_384 : vector<8x128xi1>, vector<8x128xf32>
      %broadcast_in_dim3A_442 = vector.shape_cast %eq3A_431 : vector<1x128xi1> to vector<1x128xi1>
      %broadcast_in_dim3A_443 = vector.broadcast %broadcast_in_dim3A_442 : vector<1x128xi1> to vector<8x128xi1>
      %broadcast_in_dim3A_444 = vector.shape_cast %broadcast_in_dim3A_416 : vector<8x1xf32> to vector<8x1xf32>
      %broadcast_in_dim3A_445 = vector.broadcast %broadcast_in_dim3A_444 : vector<8x1xf32> to vector<8x128xf32>
      %select_n3A_446 = arith.select %broadcast_in_dim3A_443, %broadcast_in_dim3A_445, %scan3A_385 : vector<8x128xi1>, vector<8x128xf32>
      scf.yield %min3A, %select_n3A_436, %select_n3A_441, %select_n3A_446 : vector<8x4096xf32>, vector<8x128xf32>, vector<8x128xf32>, vector<8x128xf32>
    }
    %scan3A_195 = arith.constant 128 : i32
    %swap3A_196 = arith.constant 0 : index
    %swap3A_197 = arith.constant 896 : index
    %swap3A_198 = vector.load %arg5[%swap3A_196, %swap3A_197] : memref<8x1024xf32, #tpu.memory_space<vmem>>, vector<8x128xf32>
    tpu.vector_store %arg5[%swap3A_196, %swap3A_197], %scan3A_194#1 {strides = array<i32>} : memref<8x1024xf32, #tpu.memory_space<vmem>>, vector<8x128xf32>,
    %swap3A_199 = arith.constant 0 : index
    %swap3A_200 = arith.constant 896 : index
    %swap3A_201 = vector.load %arg6[%swap3A_199, %swap3A_200] : memref<8x1024xf32, #tpu.memory_space<vmem>>, vector<8x128xf32>
    tpu.vector_store %arg6[%swap3A_199, %swap3A_200], %scan3A_194#2 {strides = array<i32>} : memref<8x1024xf32, #tpu.memory_space<vmem>>, vector<8x128xf32>,
    %swap3A_202 = arith.constant 0 : index
    %swap3A_203 = arith.constant 896 : index
    %swap3A_204 = vector.load %arg7[%swap3A_202, %swap3A_203] : memref<8x1024xf32, #tpu.memory_space<vmem>>, vector<8x128xf32>
    tpu.vector_store %arg7[%swap3A_202, %swap3A_203], %scan3A_194#3 {strides = array<i32>} : memref<8x1024xf32, #tpu.memory_space<vmem>>, vector<8x128xf32>,
    %get3A_205 = arith.constant 0 : index
    %get3A_206 = arith.constant 0 : index
    %get3A_207 = vector.load %arg5[%get3A_205, %get3A_206] : memref<8x1024xf32, #tpu.memory_space<vmem>>, vector<8x1024xf32>
    %get3A_208 = arith.constant 0 : index
    %get3A_209 = arith.constant 0 : index
    %get3A_210 = vector.load %arg6[%get3A_208, %get3A_209] : memref<8x1024xf32, #tpu.memory_space<vmem>>, vector<8x1024xf32>
    %get3A_211 = arith.constant 0 : index
    %get3A_212 = arith.constant 0 : index
    %get3A_213 = vector.load %arg7[%get3A_211, %get3A_212] : memref<8x1024xf32, #tpu.memory_space<vmem>>, vector<8x1024xf32>
    %iota3A_214 = tpu.iota {dimensions = array<i32: 1>} : vector<1x1024xi32>
    %slice3A_215 = vector.extract_strided_slice %get3A_207 {offsets = [0, 0], sizes = [8, 1], strides = [1, 1]} : vector<8x1024xf32> to vector<8x1xf32>
    %slice3A_216 = vector.extract_strided_slice %get3A_210 {offsets = [0, 0], sizes = [8, 1], strides = [1, 1]} : vector<8x1024xf32> to vector<8x1xf32>
    %slice3A_217 = vector.extract_strided_slice %get3A_213 {offsets = [0, 0], sizes = [8, 1], strides = [1, 1]} : vector<8x1024xf32> to vector<8x1xf32>
    %sub3A_218 = vector.broadcast %slice3A_215 : vector<8x1xf32> to vector<8x1024xf32>
    %sub3A_219 = arith.subf %get3A_207, %sub3A_218 : vector<8x1024xf32>
    %sub3A_220 = vector.broadcast %slice3A_216 : vector<8x1xf32> to vector<8x1024xf32>
    %sub3A_221 = arith.subf %get3A_210, %sub3A_220 : vector<8x1024xf32>
    %sub3A_222 = vector.broadcast %slice3A_217 : vector<8x1xf32> to vector<8x1024xf32>
    %sub3A_223 = arith.subf %get3A_213, %sub3A_222 : vector<8x1024xf32>
    %mul3A_224 = arith.mulf %sub3A_219, %sub3A_219 : vector<8x1024xf32>
    %mul3A_225 = arith.mulf %sub3A_221, %sub3A_221 : vector<8x1024xf32>
    %add3A_226 = arith.addf %mul3A_224, %mul3A_225 : vector<8x1024xf32>
    %mul3A_227 = arith.mulf %sub3A_223, %sub3A_223 : vector<8x1024xf32>
    %add3A_228 = arith.addf %add3A_226, %mul3A_227 : vector<8x1024xf32>
    %iota3A_229 = tpu.iota {dimensions = array<i32: 1>} : vector<1x128xi32>
    %eq3A_230 = arith.constant 0 : i32
    %eq3A_231 = vector.broadcast %eq3A_230 : i32 to vector<1x128xi32>
    %eq3A_232 = arith.cmpi eq, %iota3A_229, %eq3A_231 : vector<1x128xi32>
    %jit3A_233 = arith.constant 0.000000e+00 : f32
    %broadcast_in_dim3A_234 = vector.shape_cast %eq3A_232 : vector<1x128xi1> to vector<1x128xi1>
    %broadcast_in_dim3A_235 = vector.broadcast %broadcast_in_dim3A_234 : vector<1x128xi1> to vector<8x128xi1>
    %broadcast_in_dim3A_236 = vector.shape_cast %slice3A_215 : vector<8x1xf32> to vector<8x1xf32>
    %broadcast_in_dim3A_237 = vector.broadcast %broadcast_in_dim3A_236 : vector<8x1xf32> to vector<8x128xf32>
    %broadcast_in_dim3A_238 = vector.broadcast %jit3A_233 : f32 to vector<8x128xf32>
    %select_n3A_239 = arith.select %broadcast_in_dim3A_235, %broadcast_in_dim3A_237, %broadcast_in_dim3A_238 : vector<8x128xi1>, vector<8x128xf32>
    %eq3A_240 = arith.constant 0 : i32
    %eq3A_241 = vector.broadcast %eq3A_240 : i32 to vector<1x128xi32>
    %eq3A_242 = arith.cmpi eq, %iota3A_229, %eq3A_241 : vector<1x128xi32>
    %jit3A_243 = arith.constant 0.000000e+00 : f32
    %broadcast_in_dim3A_244 = vector.shape_cast %eq3A_242 : vector<1x128xi1> to vector<1x128xi1>
    %broadcast_in_dim3A_245 = vector.broadcast %broadcast_in_dim3A_244 : vector<1x128xi1> to vector<8x128xi1>
    %broadcast_in_dim3A_246 = vector.shape_cast %slice3A_216 : vector<8x1xf32> to vector<8x1xf32>
    %broadcast_in_dim3A_247 = vector.broadcast %broadcast_in_dim3A_246 : vector<8x1xf32> to vector<8x128xf32>
    %broadcast_in_dim3A_248 = vector.broadcast %jit3A_243 : f32 to vector<8x128xf32>
    %select_n3A_249 = arith.select %broadcast_in_dim3A_245, %broadcast_in_dim3A_247, %broadcast_in_dim3A_248 : vector<8x128xi1>, vector<8x128xf32>
    %eq3A_250 = arith.constant 0 : i32
    %eq3A_251 = vector.broadcast %eq3A_250 : i32 to vector<1x128xi32>
    %eq3A_252 = arith.cmpi eq, %iota3A_229, %eq3A_251 : vector<1x128xi32>
    %jit3A_253 = arith.constant 0.000000e+00 : f32
    %broadcast_in_dim3A_254 = vector.shape_cast %eq3A_252 : vector<1x128xi1> to vector<1x128xi1>
    %broadcast_in_dim3A_255 = vector.broadcast %broadcast_in_dim3A_254 : vector<1x128xi1> to vector<8x128xi1>
    %broadcast_in_dim3A_256 = vector.shape_cast %slice3A_217 : vector<8x1xf32> to vector<8x1xf32>
    %broadcast_in_dim3A_257 = vector.broadcast %broadcast_in_dim3A_256 : vector<8x1xf32> to vector<8x128xf32>
    %broadcast_in_dim3A_258 = vector.broadcast %jit3A_253 : f32 to vector<8x128xf32>
    %select_n3A_259 = arith.select %broadcast_in_dim3A_255, %broadcast_in_dim3A_257, %broadcast_in_dim3A_258 : vector<8x128xi1>, vector<8x128xf32>
    %broadcast_in_dim3A_260 = arith.constant 0 : i32
    %broadcast_in_dim3A_261 = vector.broadcast %broadcast_in_dim3A_260 : i32 to vector<8x128xi32>
    %scan3A_262 = arith.constant 1 : i32
    %scan3A_263 = arith.constant 127 : i32
    %scan3A_264 = arith.addi %scan3A_262, %scan3A_263 : i32
    %scan3A_265 = arith.constant 1 : i32
    %scan3A_266:5 = scf.for %scan3A_381 = %scan3A_262 to %scan3A_264 step %scan3A_265 iter_args(%scan3A_382 = %add3A_228, %scan3A_383 = %select_n3A_239, %scan3A_384 = %select_n3A_249, %scan3A_385 = %select_n3A_259, %scan3A_386 = %broadcast_in_dim3A_261) -> (vector<8x1024xf32>, vector<8x128xf32>, vector<8x128xf32>, vector<8x128xf32>, vector<8x128xi32>)  : i32 {
      %reduce_max3A = arith.constant dense<0xFF800000> : vector<8xf32>
      %reduce_max3A_387 = vector.multi_reduction <maximumf>, %scan3A_382, %reduce_max3A [1] : vector<8x1024xf32> to vector<8xf32>
      %broadcast_in_dim3A_388 = vector.shape_cast %reduce_max3A_387 : vector<8xf32> to vector<8x1xf32>
      %eq3A_389 = vector.broadcast %broadcast_in_dim3A_388 : vector<8x1xf32> to vector<8x1024xf32>
      %eq3A_390 = arith.cmpf oeq, %scan3A_382, %eq3A_389 : vector<8x1024xf32>
      %jit3A_391 = arith.constant 1024 : i32
      %broadcast_in_dim3A_392 = vector.shape_cast %iota3A_214 : vector<1x1024xi32> to vector<1x1024xi32>
      %broadcast_in_dim3A_393 = vector.broadcast %broadcast_in_dim3A_392 : vector<1x1024xi32> to vector<8x1024xi32>
      %broadcast_in_dim3A_394 = vector.broadcast %jit3A_391 : i32 to vector<8x1024xi32>
      %select_n3A_395 = arith.select %eq3A_390, %broadcast_in_dim3A_393, %broadcast_in_dim3A_394 : vector<8x1024xi1>, vector<8x1024xi32>
      %reduce_min3A = arith.constant dense<2147483647> : vector<8xi32>
      %reduce_min3A_396 = vector.multi_reduction <minsi>, %select_n3A_395, %reduce_min3A [1] : vector<8x1024xi32> to vector<8xi32>
      %broadcast_in_dim3A_397 = vector.shape_cast %reduce_min3A_396 : vector<8xi32> to vector<8x1xi32>
      %eq3A_398 = vector.broadcast %iota3A_214 : vector<1x1024xi32> to vector<8x1024xi32>
      %eq3A_399 = vector.broadcast %broadcast_in_dim3A_397 : vector<8x1xi32> to vector<8x1024xi32>
      %eq3A_400 = arith.cmpi eq, %eq3A_398, %eq3A_399 : vector<8x1024xi32>
      %jit3A_401 = arith.constant 0.000000e+00 : f32
      %broadcast_in_dim3A_402 = vector.broadcast %jit3A_401 : f32 to vector<8x1024xf32>
      %select_n3A_403 = arith.select %eq3A_400, %get3A_207, %broadcast_in_dim3A_402 : vector<8x1024xi1>, vector<8x1024xf32>
      %reduce_sum3A = arith.constant dense<0.000000e+00> : vector<8xf32>
      %reduce_sum3A_404 = vector.multi_reduction <add>, %select_n3A_403, %reduce_sum3A [1] : vector<8x1024xf32> to vector<8xf32>
      %broadcast_in_dim3A_405 = vector.shape_cast %reduce_sum3A_404 : vector<8xf32> to vector<8x1xf32>
      %jit3A_406 = arith.constant 0.000000e+00 : f32
      %broadcast_in_dim3A_407 = vector.broadcast %jit3A_406 : f32 to vector<8x1024xf32>
      %select_n3A_408 = arith.select %eq3A_400, %get3A_210, %broadcast_in_dim3A_407 : vector<8x1024xi1>, vector<8x1024xf32>
      %reduce_sum3A_409 = arith.constant dense<0.000000e+00> : vector<8xf32>
      %reduce_sum3A_410 = vector.multi_reduction <add>, %select_n3A_408, %reduce_sum3A_409 [1] : vector<8x1024xf32> to vector<8xf32>
      %broadcast_in_dim3A_411 = vector.shape_cast %reduce_sum3A_410 : vector<8xf32> to vector<8x1xf32>
      %jit3A_412 = arith.constant 0.000000e+00 : f32
      %broadcast_in_dim3A_413 = vector.broadcast %jit3A_412 : f32 to vector<8x1024xf32>
      %select_n3A_414 = arith.select %eq3A_400, %get3A_213, %broadcast_in_dim3A_413 : vector<8x1024xi1>, vector<8x1024xf32>
      %reduce_sum3A_415 = arith.constant dense<0.000000e+00> : vector<8xf32>
      %reduce_sum3A_416 = vector.multi_reduction <add>, %select_n3A_414, %reduce_sum3A_415 [1] : vector<8x1024xf32> to vector<8xf32>
      %broadcast_in_dim3A_417 = vector.shape_cast %reduce_sum3A_416 : vector<8xf32> to vector<8x1xf32>
      %sub3A_418 = vector.broadcast %broadcast_in_dim3A_405 : vector<8x1xf32> to vector<8x1024xf32>
      %sub3A_419 = arith.subf %get3A_207, %sub3A_418 : vector<8x1024xf32>
      %sub3A_420 = vector.broadcast %broadcast_in_dim3A_411 : vector<8x1xf32> to vector<8x1024xf32>
      %sub3A_421 = arith.subf %get3A_210, %sub3A_420 : vector<8x1024xf32>
      %sub3A_422 = vector.broadcast %broadcast_in_dim3A_417 : vector<8x1xf32> to vector<8x1024xf32>
      %sub3A_423 = arith.subf %get3A_213, %sub3A_422 : vector<8x1024xf32>
      %mul3A_424 = arith.mulf %sub3A_419, %sub3A_419 : vector<8x1024xf32>
      %mul3A_425 = arith.mulf %sub3A_421, %sub3A_421 : vector<8x1024xf32>
      %add3A_426 = arith.addf %mul3A_424, %mul3A_425 : vector<8x1024xf32>
      %mul3A_427 = arith.mulf %sub3A_423, %sub3A_423 : vector<8x1024xf32>
      %add3A_428 = arith.addf %add3A_426, %mul3A_427 : vector<8x1024xf32>
      %min3A = arith.minimumf %scan3A_382, %add3A_428 : vector<8x1024xf32>
      %sub3A_429 = arith.constant 0 : i32
      %sub3A_430 = arith.subi %scan3A_381, %sub3A_429 : i32
      %eq3A_431 = vector.broadcast %sub3A_430 : i32 to vector<1x128xi32>
      %eq3A_432 = arith.cmpi eq, %iota3A_229, %eq3A_431 : vector<1x128xi32>
      %broadcast_in_dim3A_433 = vector.shape_cast %eq3A_432 : vector<1x128xi1> to vector<1x128xi1>
      %broadcast_in_dim3A_434 = vector.broadcast %broadcast_in_dim3A_433 : vector<1x128xi1> to vector<8x128xi1>
      %broadcast_in_dim3A_435 = vector.shape_cast %broadcast_in_dim3A_405 : vector<8x1xf32> to vector<8x1xf32>
      %broadcast_in_dim3A_436 = vector.broadcast %broadcast_in_dim3A_435 : vector<8x1xf32> to vector<8x128xf32>
      %select_n3A_437 = arith.select %broadcast_in_dim3A_434, %broadcast_in_dim3A_436, %scan3A_383 : vector<8x128xi1>, vector<8x128xf32>
      %broadcast_in_dim3A_438 = vector.shape_cast %eq3A_432 : vector<1x128xi1> to vector<1x128xi1>
      %broadcast_in_dim3A_439 = vector.broadcast %broadcast_in_dim3A_438 : vector<1x128xi1> to vector<8x128xi1>
      %broadcast_in_dim3A_440 = vector.shape_cast %broadcast_in_dim3A_411 : vector<8x1xf32> to vector<8x1xf32>
      %broadcast_in_dim3A_441 = vector.broadcast %broadcast_in_dim3A_440 : vector<8x1xf32> to vector<8x128xf32>
      %select_n3A_442 = arith.select %broadcast_in_dim3A_439, %broadcast_in_dim3A_441, %scan3A_384 : vector<8x128xi1>, vector<8x128xf32>
      %broadcast_in_dim3A_443 = vector.shape_cast %eq3A_432 : vector<1x128xi1> to vector<1x128xi1>
      %broadcast_in_dim3A_444 = vector.broadcast %broadcast_in_dim3A_443 : vector<1x128xi1> to vector<8x128xi1>
      %broadcast_in_dim3A_445 = vector.shape_cast %broadcast_in_dim3A_417 : vector<8x1xf32> to vector<8x1xf32>
      %broadcast_in_dim3A_446 = vector.broadcast %broadcast_in_dim3A_445 : vector<8x1xf32> to vector<8x128xf32>
      %select_n3A_447 = arith.select %broadcast_in_dim3A_444, %broadcast_in_dim3A_446, %scan3A_385 : vector<8x128xi1>, vector<8x128xf32>
      %broadcast_in_dim3A_448 = vector.shape_cast %eq3A_432 : vector<1x128xi1> to vector<1x128xi1>
      %broadcast_in_dim3A_449 = vector.broadcast %broadcast_in_dim3A_448 : vector<1x128xi1> to vector<8x128xi1>
      %broadcast_in_dim3A_450 = vector.shape_cast %broadcast_in_dim3A_397 : vector<8x1xi32> to vector<8x1xi32>
      %broadcast_in_dim3A_451 = vector.broadcast %broadcast_in_dim3A_450 : vector<8x1xi32> to vector<8x128xi32>
      %select_n3A_452 = arith.select %broadcast_in_dim3A_449, %broadcast_in_dim3A_451, %scan3A_386 : vector<8x128xi1>, vector<8x128xi32>
      scf.yield %min3A, %select_n3A_437, %select_n3A_442, %select_n3A_447, %select_n3A_452 : vector<8x1024xf32>, vector<8x128xf32>, vector<8x128xf32>, vector<8x128xf32>, vector<8x128xi32>
    }
    %scan3A_267 = arith.constant 127 : i32
    %swap3A_268 = arith.constant 0 : index
    %swap3A_269 = arith.constant 0 : index
    %swap3A_270 = vector.load %arg8[%swap3A_268, %swap3A_269] : memref<8x256xf32, #tpu.memory_space<vmem>>, vector<8x128xf32>
    tpu.vector_store %arg8[%swap3A_268, %swap3A_269], %scan3A_266#1 {strides = array<i32>} : memref<8x256xf32, #tpu.memory_space<vmem>>, vector<8x128xf32>,
    %swap3A_271 = arith.constant 0 : index
    %swap3A_272 = arith.constant 0 : index
    %swap3A_273 = vector.load %arg9[%swap3A_271, %swap3A_272] : memref<8x256xf32, #tpu.memory_space<vmem>>, vector<8x128xf32>
    tpu.vector_store %arg9[%swap3A_271, %swap3A_272], %scan3A_266#2 {strides = array<i32>} : memref<8x256xf32, #tpu.memory_space<vmem>>, vector<8x128xf32>,
    %swap3A_274 = arith.constant 0 : index
    %swap3A_275 = arith.constant 0 : index
    %swap3A_276 = vector.load %arg10[%swap3A_274, %swap3A_275] : memref<8x256xf32, #tpu.memory_space<vmem>>, vector<8x128xf32>
    tpu.vector_store %arg10[%swap3A_274, %swap3A_275], %scan3A_266#3 {strides = array<i32>} : memref<8x256xf32, #tpu.memory_space<vmem>>, vector<8x128xf32>,
    %swap3A_277 = arith.constant 0 : index
    %swap3A_278 = arith.constant 0 : index
    %swap3A_279 = vector.load %arg3[%swap3A_277, %swap3A_278] : memref<8x256xi32, #tpu.memory_space<vmem>>, vector<8x128xi32>
    tpu.vector_store %arg3[%swap3A_277, %swap3A_278], %scan3A_266#4 {strides = array<i32>} : memref<8x256xi32, #tpu.memory_space<vmem>>, vector<8x128xi32>,
    %broadcast_in_dim3A_280 = arith.constant 0.000000e+00 : f32
    %broadcast_in_dim3A_281 = vector.broadcast %broadcast_in_dim3A_280 : f32 to vector<8x128xf32>
    %broadcast_in_dim3A_282 = arith.constant 0.000000e+00 : f32
    %broadcast_in_dim3A_283 = vector.broadcast %broadcast_in_dim3A_282 : f32 to vector<8x128xf32>
    %broadcast_in_dim3A_284 = arith.constant 0.000000e+00 : f32
    %broadcast_in_dim3A_285 = vector.broadcast %broadcast_in_dim3A_284 : f32 to vector<8x128xf32>
    %broadcast_in_dim3A_286 = arith.constant 0 : i32
    %broadcast_in_dim3A_287 = vector.broadcast %broadcast_in_dim3A_286 : i32 to vector<8x128xi32>
    %scan3A_288 = arith.constant 128 : i32
    %scan3A_289 = arith.constant 128 : i32
    %scan3A_290 = arith.addi %scan3A_288, %scan3A_289 : i32
    %scan3A_291 = arith.constant 1 : i32
    %scan3A_292:5 = scf.for %scan3A_381 = %scan3A_288 to %scan3A_290 step %scan3A_291 iter_args(%scan3A_382 = %scan3A_266#0, %scan3A_383 = %broadcast_in_dim3A_281, %scan3A_384 = %broadcast_in_dim3A_283, %scan3A_385 = %broadcast_in_dim3A_285, %scan3A_386 = %broadcast_in_dim3A_287) -> (vector<8x1024xf32>, vector<8x128xf32>, vector<8x128xf32>, vector<8x128xf32>, vector<8x128xi32>)  : i32 {
      %reduce_max3A = arith.constant dense<0xFF800000> : vector<8xf32>
      %reduce_max3A_387 = vector.multi_reduction <maximumf>, %scan3A_382, %reduce_max3A [1] : vector<8x1024xf32> to vector<8xf32>
      %broadcast_in_dim3A_388 = vector.shape_cast %reduce_max3A_387 : vector<8xf32> to vector<8x1xf32>
      %eq3A_389 = vector.broadcast %broadcast_in_dim3A_388 : vector<8x1xf32> to vector<8x1024xf32>
      %eq3A_390 = arith.cmpf oeq, %scan3A_382, %eq3A_389 : vector<8x1024xf32>
      %jit3A_391 = arith.constant 1024 : i32
      %broadcast_in_dim3A_392 = vector.shape_cast %iota3A_214 : vector<1x1024xi32> to vector<1x1024xi32>
      %broadcast_in_dim3A_393 = vector.broadcast %broadcast_in_dim3A_392 : vector<1x1024xi32> to vector<8x1024xi32>
      %broadcast_in_dim3A_394 = vector.broadcast %jit3A_391 : i32 to vector<8x1024xi32>
      %select_n3A_395 = arith.select %eq3A_390, %broadcast_in_dim3A_393, %broadcast_in_dim3A_394 : vector<8x1024xi1>, vector<8x1024xi32>
      %reduce_min3A = arith.constant dense<2147483647> : vector<8xi32>
      %reduce_min3A_396 = vector.multi_reduction <minsi>, %select_n3A_395, %reduce_min3A [1] : vector<8x1024xi32> to vector<8xi32>
      %broadcast_in_dim3A_397 = vector.shape_cast %reduce_min3A_396 : vector<8xi32> to vector<8x1xi32>
      %eq3A_398 = vector.broadcast %iota3A_214 : vector<1x1024xi32> to vector<8x1024xi32>
      %eq3A_399 = vector.broadcast %broadcast_in_dim3A_397 : vector<8x1xi32> to vector<8x1024xi32>
      %eq3A_400 = arith.cmpi eq, %eq3A_398, %eq3A_399 : vector<8x1024xi32>
      %jit3A_401 = arith.constant 0.000000e+00 : f32
      %broadcast_in_dim3A_402 = vector.broadcast %jit3A_401 : f32 to vector<8x1024xf32>
      %select_n3A_403 = arith.select %eq3A_400, %get3A_207, %broadcast_in_dim3A_402 : vector<8x1024xi1>, vector<8x1024xf32>
      %reduce_sum3A = arith.constant dense<0.000000e+00> : vector<8xf32>
      %reduce_sum3A_404 = vector.multi_reduction <add>, %select_n3A_403, %reduce_sum3A [1] : vector<8x1024xf32> to vector<8xf32>
      %broadcast_in_dim3A_405 = vector.shape_cast %reduce_sum3A_404 : vector<8xf32> to vector<8x1xf32>
      %jit3A_406 = arith.constant 0.000000e+00 : f32
      %broadcast_in_dim3A_407 = vector.broadcast %jit3A_406 : f32 to vector<8x1024xf32>
      %select_n3A_408 = arith.select %eq3A_400, %get3A_210, %broadcast_in_dim3A_407 : vector<8x1024xi1>, vector<8x1024xf32>
      %reduce_sum3A_409 = arith.constant dense<0.000000e+00> : vector<8xf32>
      %reduce_sum3A_410 = vector.multi_reduction <add>, %select_n3A_408, %reduce_sum3A_409 [1] : vector<8x1024xf32> to vector<8xf32>
      %broadcast_in_dim3A_411 = vector.shape_cast %reduce_sum3A_410 : vector<8xf32> to vector<8x1xf32>
      %jit3A_412 = arith.constant 0.000000e+00 : f32
      %broadcast_in_dim3A_413 = vector.broadcast %jit3A_412 : f32 to vector<8x1024xf32>
      %select_n3A_414 = arith.select %eq3A_400, %get3A_213, %broadcast_in_dim3A_413 : vector<8x1024xi1>, vector<8x1024xf32>
      %reduce_sum3A_415 = arith.constant dense<0.000000e+00> : vector<8xf32>
      %reduce_sum3A_416 = vector.multi_reduction <add>, %select_n3A_414, %reduce_sum3A_415 [1] : vector<8x1024xf32> to vector<8xf32>
      %broadcast_in_dim3A_417 = vector.shape_cast %reduce_sum3A_416 : vector<8xf32> to vector<8x1xf32>
      %sub3A_418 = vector.broadcast %broadcast_in_dim3A_405 : vector<8x1xf32> to vector<8x1024xf32>
      %sub3A_419 = arith.subf %get3A_207, %sub3A_418 : vector<8x1024xf32>
      %sub3A_420 = vector.broadcast %broadcast_in_dim3A_411 : vector<8x1xf32> to vector<8x1024xf32>
      %sub3A_421 = arith.subf %get3A_210, %sub3A_420 : vector<8x1024xf32>
      %sub3A_422 = vector.broadcast %broadcast_in_dim3A_417 : vector<8x1xf32> to vector<8x1024xf32>
      %sub3A_423 = arith.subf %get3A_213, %sub3A_422 : vector<8x1024xf32>
      %mul3A_424 = arith.mulf %sub3A_419, %sub3A_419 : vector<8x1024xf32>
      %mul3A_425 = arith.mulf %sub3A_421, %sub3A_421 : vector<8x1024xf32>
      %add3A_426 = arith.addf %mul3A_424, %mul3A_425 : vector<8x1024xf32>
      %mul3A_427 = arith.mulf %sub3A_423, %sub3A_423 : vector<8x1024xf32>
      %add3A_428 = arith.addf %add3A_426, %mul3A_427 : vector<8x1024xf32>
      %min3A = arith.minimumf %scan3A_382, %add3A_428 : vector<8x1024xf32>
      %sub3A_429 = arith.constant 128 : i32
      %sub3A_430 = arith.subi %scan3A_381, %sub3A_429 : i32
      %eq3A_431 = vector.broadcast %sub3A_430 : i32 to vector<1x128xi32>
      %eq3A_432 = arith.cmpi eq, %iota3A_229, %eq3A_431 : vector<1x128xi32>
      %broadcast_in_dim3A_433 = vector.shape_cast %eq3A_432 : vector<1x128xi1> to vector<1x128xi1>
      %broadcast_in_dim3A_434 = vector.broadcast %broadcast_in_dim3A_433 : vector<1x128xi1> to vector<8x128xi1>
      %broadcast_in_dim3A_435 = vector.shape_cast %broadcast_in_dim3A_405 : vector<8x1xf32> to vector<8x1xf32>
      %broadcast_in_dim3A_436 = vector.broadcast %broadcast_in_dim3A_435 : vector<8x1xf32> to vector<8x128xf32>
      %select_n3A_437 = arith.select %broadcast_in_dim3A_434, %broadcast_in_dim3A_436, %scan3A_383 : vector<8x128xi1>, vector<8x128xf32>
      %broadcast_in_dim3A_438 = vector.shape_cast %eq3A_432 : vector<1x128xi1> to vector<1x128xi1>
      %broadcast_in_dim3A_439 = vector.broadcast %broadcast_in_dim3A_438 : vector<1x128xi1> to vector<8x128xi1>
      %broadcast_in_dim3A_440 = vector.shape_cast %broadcast_in_dim3A_411 : vector<8x1xf32> to vector<8x1xf32>
      %broadcast_in_dim3A_441 = vector.broadcast %broadcast_in_dim3A_440 : vector<8x1xf32> to vector<8x128xf32>
      %select_n3A_442 = arith.select %broadcast_in_dim3A_439, %broadcast_in_dim3A_441, %scan3A_384 : vector<8x128xi1>, vector<8x128xf32>
      %broadcast_in_dim3A_443 = vector.shape_cast %eq3A_432 : vector<1x128xi1> to vector<1x128xi1>
      %broadcast_in_dim3A_444 = vector.broadcast %broadcast_in_dim3A_443 : vector<1x128xi1> to vector<8x128xi1>
      %broadcast_in_dim3A_445 = vector.shape_cast %broadcast_in_dim3A_417 : vector<8x1xf32> to vector<8x1xf32>
      %broadcast_in_dim3A_446 = vector.broadcast %broadcast_in_dim3A_445 : vector<8x1xf32> to vector<8x128xf32>
      %select_n3A_447 = arith.select %broadcast_in_dim3A_444, %broadcast_in_dim3A_446, %scan3A_385 : vector<8x128xi1>, vector<8x128xf32>
      %broadcast_in_dim3A_448 = vector.shape_cast %eq3A_432 : vector<1x128xi1> to vector<1x128xi1>
      %broadcast_in_dim3A_449 = vector.broadcast %broadcast_in_dim3A_448 : vector<1x128xi1> to vector<8x128xi1>
      %broadcast_in_dim3A_450 = vector.shape_cast %broadcast_in_dim3A_397 : vector<8x1xi32> to vector<8x1xi32>
      %broadcast_in_dim3A_451 = vector.broadcast %broadcast_in_dim3A_450 : vector<8x1xi32> to vector<8x128xi32>
      %select_n3A_452 = arith.select %broadcast_in_dim3A_449, %broadcast_in_dim3A_451, %scan3A_386 : vector<8x128xi1>, vector<8x128xi32>
      scf.yield %min3A, %select_n3A_437, %select_n3A_442, %select_n3A_447, %select_n3A_452 : vector<8x1024xf32>, vector<8x128xf32>, vector<8x128xf32>, vector<8x128xf32>, vector<8x128xi32>
    }
    %scan3A_293 = arith.constant 128 : i32
    %swap3A_294 = arith.constant 0 : index
    %swap3A_295 = arith.constant 128 : index
    %swap3A_296 = vector.load %arg8[%swap3A_294, %swap3A_295] : memref<8x256xf32, #tpu.memory_space<vmem>>, vector<8x128xf32>
    tpu.vector_store %arg8[%swap3A_294, %swap3A_295], %scan3A_292#1 {strides = array<i32>} : memref<8x256xf32, #tpu.memory_space<vmem>>, vector<8x128xf32>,
    %swap3A_297 = arith.constant 0 : index
    %swap3A_298 = arith.constant 128 : index
    %swap3A_299 = vector.load %arg9[%swap3A_297, %swap3A_298] : memref<8x256xf32, #tpu.memory_space<vmem>>, vector<8x128xf32>
    tpu.vector_store %arg9[%swap3A_297, %swap3A_298], %scan3A_292#2 {strides = array<i32>} : memref<8x256xf32, #tpu.memory_space<vmem>>, vector<8x128xf32>,
    %swap3A_300 = arith.constant 0 : index
    %swap3A_301 = arith.constant 128 : index
    %swap3A_302 = vector.load %arg10[%swap3A_300, %swap3A_301] : memref<8x256xf32, #tpu.memory_space<vmem>>, vector<8x128xf32>
    tpu.vector_store %arg10[%swap3A_300, %swap3A_301], %scan3A_292#3 {strides = array<i32>} : memref<8x256xf32, #tpu.memory_space<vmem>>, vector<8x128xf32>,
    %swap3A_303 = arith.constant 0 : index
    %swap3A_304 = arith.constant 128 : index
    %swap3A_305 = vector.load %arg3[%swap3A_303, %swap3A_304] : memref<8x256xi32, #tpu.memory_space<vmem>>, vector<8x128xi32>
    tpu.vector_store %arg3[%swap3A_303, %swap3A_304], %scan3A_292#4 {strides = array<i32>} : memref<8x256xi32, #tpu.memory_space<vmem>>, vector<8x128xi32>,
    %get3A_306 = arith.constant 0 : index
    %get3A_307 = arith.constant 0 : index
    %get3A_308 = vector.load %arg8[%get3A_306, %get3A_307] : memref<8x256xf32, #tpu.memory_space<vmem>>, vector<8x256xf32>
    %get3A_309 = arith.constant 0 : index
    %get3A_310 = arith.constant 0 : index
    %get3A_311 = vector.load %arg9[%get3A_309, %get3A_310] : memref<8x256xf32, #tpu.memory_space<vmem>>, vector<8x256xf32>
    %get3A_312 = arith.constant 0 : index
    %get3A_313 = arith.constant 0 : index
    %get3A_314 = vector.load %arg10[%get3A_312, %get3A_313] : memref<8x256xf32, #tpu.memory_space<vmem>>, vector<8x256xf32>
    %iota3A_315 = tpu.iota {dimensions = array<i32: 1>} : vector<1x256xi32>
    %slice3A_316 = vector.extract_strided_slice %get3A_308 {offsets = [0, 0], sizes = [8, 1], strides = [1, 1]} : vector<8x256xf32> to vector<8x1xf32>
    %slice3A_317 = vector.extract_strided_slice %get3A_311 {offsets = [0, 0], sizes = [8, 1], strides = [1, 1]} : vector<8x256xf32> to vector<8x1xf32>
    %slice3A_318 = vector.extract_strided_slice %get3A_314 {offsets = [0, 0], sizes = [8, 1], strides = [1, 1]} : vector<8x256xf32> to vector<8x1xf32>
    %sub3A_319 = vector.broadcast %slice3A_316 : vector<8x1xf32> to vector<8x256xf32>
    %sub3A_320 = arith.subf %get3A_308, %sub3A_319 : vector<8x256xf32>
    %sub3A_321 = vector.broadcast %slice3A_317 : vector<8x1xf32> to vector<8x256xf32>
    %sub3A_322 = arith.subf %get3A_311, %sub3A_321 : vector<8x256xf32>
    %sub3A_323 = vector.broadcast %slice3A_318 : vector<8x1xf32> to vector<8x256xf32>
    %sub3A_324 = arith.subf %get3A_314, %sub3A_323 : vector<8x256xf32>
    %mul3A_325 = arith.mulf %sub3A_320, %sub3A_320 : vector<8x256xf32>
    %mul3A_326 = arith.mulf %sub3A_322, %sub3A_322 : vector<8x256xf32>
    %add3A_327 = arith.addf %mul3A_325, %mul3A_326 : vector<8x256xf32>
    %mul3A_328 = arith.mulf %sub3A_324, %sub3A_324 : vector<8x256xf32>
    %add3A_329 = arith.addf %add3A_327, %mul3A_328 : vector<8x256xf32>
    %iota3A_330 = tpu.iota {dimensions = array<i32: 1>} : vector<1x64xi32>
    %eq3A_331 = arith.constant 0 : i32
    %eq3A_332 = vector.broadcast %eq3A_331 : i32 to vector<1x64xi32>
    %eq3A_333 = arith.cmpi eq, %iota3A_330, %eq3A_332 : vector<1x64xi32>
    %jit3A_334 = arith.constant 0.000000e+00 : f32
    %broadcast_in_dim3A_335 = vector.shape_cast %eq3A_333 : vector<1x64xi1> to vector<1x64xi1>
    %broadcast_in_dim3A_336 = vector.broadcast %broadcast_in_dim3A_335 : vector<1x64xi1> to vector<8x64xi1>
    %broadcast_in_dim3A_337 = vector.shape_cast %slice3A_316 : vector<8x1xf32> to vector<8x1xf32>
    %broadcast_in_dim3A_338 = vector.broadcast %broadcast_in_dim3A_337 : vector<8x1xf32> to vector<8x64xf32>
    %broadcast_in_dim3A_339 = vector.broadcast %jit3A_334 : f32 to vector<8x64xf32>
    %select_n3A_340 = arith.select %broadcast_in_dim3A_336, %broadcast_in_dim3A_338, %broadcast_in_dim3A_339 : vector<8x64xi1>, vector<8x64xf32>
    %eq3A_341 = arith.constant 0 : i32
    %eq3A_342 = vector.broadcast %eq3A_341 : i32 to vector<1x64xi32>
    %eq3A_343 = arith.cmpi eq, %iota3A_330, %eq3A_342 : vector<1x64xi32>
    %jit3A_344 = arith.constant 0.000000e+00 : f32
    %broadcast_in_dim3A_345 = vector.shape_cast %eq3A_343 : vector<1x64xi1> to vector<1x64xi1>
    %broadcast_in_dim3A_346 = vector.broadcast %broadcast_in_dim3A_345 : vector<1x64xi1> to vector<8x64xi1>
    %broadcast_in_dim3A_347 = vector.shape_cast %slice3A_317 : vector<8x1xf32> to vector<8x1xf32>
    %broadcast_in_dim3A_348 = vector.broadcast %broadcast_in_dim3A_347 : vector<8x1xf32> to vector<8x64xf32>
    %broadcast_in_dim3A_349 = vector.broadcast %jit3A_344 : f32 to vector<8x64xf32>
    %select_n3A_350 = arith.select %broadcast_in_dim3A_346, %broadcast_in_dim3A_348, %broadcast_in_dim3A_349 : vector<8x64xi1>, vector<8x64xf32>
    %eq3A_351 = arith.constant 0 : i32
    %eq3A_352 = vector.broadcast %eq3A_351 : i32 to vector<1x64xi32>
    %eq3A_353 = arith.cmpi eq, %iota3A_330, %eq3A_352 : vector<1x64xi32>
    %jit3A_354 = arith.constant 0.000000e+00 : f32
    %broadcast_in_dim3A_355 = vector.shape_cast %eq3A_353 : vector<1x64xi1> to vector<1x64xi1>
    %broadcast_in_dim3A_356 = vector.broadcast %broadcast_in_dim3A_355 : vector<1x64xi1> to vector<8x64xi1>
    %broadcast_in_dim3A_357 = vector.shape_cast %slice3A_318 : vector<8x1xf32> to vector<8x1xf32>
    %broadcast_in_dim3A_358 = vector.broadcast %broadcast_in_dim3A_357 : vector<8x1xf32> to vector<8x64xf32>
    %broadcast_in_dim3A_359 = vector.broadcast %jit3A_354 : f32 to vector<8x64xf32>
    %select_n3A_360 = arith.select %broadcast_in_dim3A_356, %broadcast_in_dim3A_358, %broadcast_in_dim3A_359 : vector<8x64xi1>, vector<8x64xf32>
    %broadcast_in_dim3A_361 = arith.constant 0 : i32
    %broadcast_in_dim3A_362 = vector.broadcast %broadcast_in_dim3A_361 : i32 to vector<8x64xi32>
    %scan3A_363 = arith.constant 1 : i32
    %scan3A_364 = arith.constant 63 : i32
    %scan3A_365 = arith.addi %scan3A_363, %scan3A_364 : i32
    %scan3A_366 = arith.constant 1 : i32
    %scan3A_367:5 = scf.for %scan3A_381 = %scan3A_363 to %scan3A_365 step %scan3A_366 iter_args(%scan3A_382 = %add3A_329, %scan3A_383 = %select_n3A_340, %scan3A_384 = %select_n3A_350, %scan3A_385 = %select_n3A_360, %scan3A_386 = %broadcast_in_dim3A_362) -> (vector<8x256xf32>, vector<8x64xf32>, vector<8x64xf32>, vector<8x64xf32>, vector<8x64xi32>)  : i32 {
      %reduce_max3A = arith.constant dense<0xFF800000> : vector<8xf32>
      %reduce_max3A_387 = vector.multi_reduction <maximumf>, %scan3A_382, %reduce_max3A [1] : vector<8x256xf32> to vector<8xf32>
      %broadcast_in_dim3A_388 = vector.shape_cast %reduce_max3A_387 : vector<8xf32> to vector<8x1xf32>
      %eq3A_389 = vector.broadcast %broadcast_in_dim3A_388 : vector<8x1xf32> to vector<8x256xf32>
      %eq3A_390 = arith.cmpf oeq, %scan3A_382, %eq3A_389 : vector<8x256xf32>
      %jit3A_391 = arith.constant 256 : i32
      %broadcast_in_dim3A_392 = vector.shape_cast %iota3A_315 : vector<1x256xi32> to vector<1x256xi32>
      %broadcast_in_dim3A_393 = vector.broadcast %broadcast_in_dim3A_392 : vector<1x256xi32> to vector<8x256xi32>
      %broadcast_in_dim3A_394 = vector.broadcast %jit3A_391 : i32 to vector<8x256xi32>
      %select_n3A_395 = arith.select %eq3A_390, %broadcast_in_dim3A_393, %broadcast_in_dim3A_394 : vector<8x256xi1>, vector<8x256xi32>
      %reduce_min3A = arith.constant dense<2147483647> : vector<8xi32>
      %reduce_min3A_396 = vector.multi_reduction <minsi>, %select_n3A_395, %reduce_min3A [1] : vector<8x256xi32> to vector<8xi32>
      %broadcast_in_dim3A_397 = vector.shape_cast %reduce_min3A_396 : vector<8xi32> to vector<8x1xi32>
      %eq3A_398 = vector.broadcast %iota3A_315 : vector<1x256xi32> to vector<8x256xi32>
      %eq3A_399 = vector.broadcast %broadcast_in_dim3A_397 : vector<8x1xi32> to vector<8x256xi32>
      %eq3A_400 = arith.cmpi eq, %eq3A_398, %eq3A_399 : vector<8x256xi32>
      %jit3A_401 = arith.constant 0.000000e+00 : f32
      %broadcast_in_dim3A_402 = vector.broadcast %jit3A_401 : f32 to vector<8x256xf32>
      %select_n3A_403 = arith.select %eq3A_400, %get3A_308, %broadcast_in_dim3A_402 : vector<8x256xi1>, vector<8x256xf32>
      %reduce_sum3A = arith.constant dense<0.000000e+00> : vector<8xf32>
      %reduce_sum3A_404 = vector.multi_reduction <add>, %select_n3A_403, %reduce_sum3A [1] : vector<8x256xf32> to vector<8xf32>
      %broadcast_in_dim3A_405 = vector.shape_cast %reduce_sum3A_404 : vector<8xf32> to vector<8x1xf32>
      %jit3A_406 = arith.constant 0.000000e+00 : f32
      %broadcast_in_dim3A_407 = vector.broadcast %jit3A_406 : f32 to vector<8x256xf32>
      %select_n3A_408 = arith.select %eq3A_400, %get3A_311, %broadcast_in_dim3A_407 : vector<8x256xi1>, vector<8x256xf32>
      %reduce_sum3A_409 = arith.constant dense<0.000000e+00> : vector<8xf32>
      %reduce_sum3A_410 = vector.multi_reduction <add>, %select_n3A_408, %reduce_sum3A_409 [1] : vector<8x256xf32> to vector<8xf32>
      %broadcast_in_dim3A_411 = vector.shape_cast %reduce_sum3A_410 : vector<8xf32> to vector<8x1xf32>
      %jit3A_412 = arith.constant 0.000000e+00 : f32
      %broadcast_in_dim3A_413 = vector.broadcast %jit3A_412 : f32 to vector<8x256xf32>
      %select_n3A_414 = arith.select %eq3A_400, %get3A_314, %broadcast_in_dim3A_413 : vector<8x256xi1>, vector<8x256xf32>
      %reduce_sum3A_415 = arith.constant dense<0.000000e+00> : vector<8xf32>
      %reduce_sum3A_416 = vector.multi_reduction <add>, %select_n3A_414, %reduce_sum3A_415 [1] : vector<8x256xf32> to vector<8xf32>
      %broadcast_in_dim3A_417 = vector.shape_cast %reduce_sum3A_416 : vector<8xf32> to vector<8x1xf32>
      %sub3A_418 = vector.broadcast %broadcast_in_dim3A_405 : vector<8x1xf32> to vector<8x256xf32>
      %sub3A_419 = arith.subf %get3A_308, %sub3A_418 : vector<8x256xf32>
      %sub3A_420 = vector.broadcast %broadcast_in_dim3A_411 : vector<8x1xf32> to vector<8x256xf32>
      %sub3A_421 = arith.subf %get3A_311, %sub3A_420 : vector<8x256xf32>
      %sub3A_422 = vector.broadcast %broadcast_in_dim3A_417 : vector<8x1xf32> to vector<8x256xf32>
      %sub3A_423 = arith.subf %get3A_314, %sub3A_422 : vector<8x256xf32>
      %mul3A_424 = arith.mulf %sub3A_419, %sub3A_419 : vector<8x256xf32>
      %mul3A_425 = arith.mulf %sub3A_421, %sub3A_421 : vector<8x256xf32>
      %add3A_426 = arith.addf %mul3A_424, %mul3A_425 : vector<8x256xf32>
      %mul3A_427 = arith.mulf %sub3A_423, %sub3A_423 : vector<8x256xf32>
      %add3A_428 = arith.addf %add3A_426, %mul3A_427 : vector<8x256xf32>
      %min3A = arith.minimumf %scan3A_382, %add3A_428 : vector<8x256xf32>
      %sub3A_429 = arith.constant 0 : i32
      %sub3A_430 = arith.subi %scan3A_381, %sub3A_429 : i32
      %eq3A_431 = vector.broadcast %sub3A_430 : i32 to vector<1x64xi32>
      %eq3A_432 = arith.cmpi eq, %iota3A_330, %eq3A_431 : vector<1x64xi32>
      %broadcast_in_dim3A_433 = vector.shape_cast %eq3A_432 : vector<1x64xi1> to vector<1x64xi1>
      %broadcast_in_dim3A_434 = vector.broadcast %broadcast_in_dim3A_433 : vector<1x64xi1> to vector<8x64xi1>
      %broadcast_in_dim3A_435 = vector.shape_cast %broadcast_in_dim3A_405 : vector<8x1xf32> to vector<8x1xf32>
      %broadcast_in_dim3A_436 = vector.broadcast %broadcast_in_dim3A_435 : vector<8x1xf32> to vector<8x64xf32>
      %select_n3A_437 = arith.select %broadcast_in_dim3A_434, %broadcast_in_dim3A_436, %scan3A_383 : vector<8x64xi1>, vector<8x64xf32>
      %broadcast_in_dim3A_438 = vector.shape_cast %eq3A_432 : vector<1x64xi1> to vector<1x64xi1>
      %broadcast_in_dim3A_439 = vector.broadcast %broadcast_in_dim3A_438 : vector<1x64xi1> to vector<8x64xi1>
      %broadcast_in_dim3A_440 = vector.shape_cast %broadcast_in_dim3A_411 : vector<8x1xf32> to vector<8x1xf32>
      %broadcast_in_dim3A_441 = vector.broadcast %broadcast_in_dim3A_440 : vector<8x1xf32> to vector<8x64xf32>
      %select_n3A_442 = arith.select %broadcast_in_dim3A_439, %broadcast_in_dim3A_441, %scan3A_384 : vector<8x64xi1>, vector<8x64xf32>
      %broadcast_in_dim3A_443 = vector.shape_cast %eq3A_432 : vector<1x64xi1> to vector<1x64xi1>
      %broadcast_in_dim3A_444 = vector.broadcast %broadcast_in_dim3A_443 : vector<1x64xi1> to vector<8x64xi1>
      %broadcast_in_dim3A_445 = vector.shape_cast %broadcast_in_dim3A_417 : vector<8x1xf32> to vector<8x1xf32>
      %broadcast_in_dim3A_446 = vector.broadcast %broadcast_in_dim3A_445 : vector<8x1xf32> to vector<8x64xf32>
      %select_n3A_447 = arith.select %broadcast_in_dim3A_444, %broadcast_in_dim3A_446, %scan3A_385 : vector<8x64xi1>, vector<8x64xf32>
      %broadcast_in_dim3A_448 = vector.shape_cast %eq3A_432 : vector<1x64xi1> to vector<1x64xi1>
      %broadcast_in_dim3A_449 = vector.broadcast %broadcast_in_dim3A_448 : vector<1x64xi1> to vector<8x64xi1>
      %broadcast_in_dim3A_450 = vector.shape_cast %broadcast_in_dim3A_397 : vector<8x1xi32> to vector<8x1xi32>
      %broadcast_in_dim3A_451 = vector.broadcast %broadcast_in_dim3A_450 : vector<8x1xi32> to vector<8x64xi32>
      %select_n3A_452 = arith.select %broadcast_in_dim3A_449, %broadcast_in_dim3A_451, %scan3A_386 : vector<8x64xi1>, vector<8x64xi32>
      scf.yield %min3A, %select_n3A_437, %select_n3A_442, %select_n3A_447, %select_n3A_452 : vector<8x256xf32>, vector<8x64xf32>, vector<8x64xf32>, vector<8x64xf32>, vector<8x64xi32>
    }
    %scan3A_368 = arith.constant 63 : i32
    %swap3A_369 = arith.constant 0 : index
    %swap3A_370 = arith.constant 0 : index
    %swap3A_371 = vector.load %arg11[%swap3A_369, %swap3A_370] : memref<8x64xf32, #tpu.memory_space<vmem>>, vector<8x64xf32>
    tpu.vector_store %arg11[%swap3A_369, %swap3A_370], %scan3A_367#1 {strides = array<i32>} : memref<8x64xf32, #tpu.memory_space<vmem>>, vector<8x64xf32>,
    %swap3A_372 = arith.constant 0 : index
    %swap3A_373 = arith.constant 0 : index
    %swap3A_374 = vector.load %arg12[%swap3A_372, %swap3A_373] : memref<8x64xf32, #tpu.memory_space<vmem>>, vector<8x64xf32>
    tpu.vector_store %arg12[%swap3A_372, %swap3A_373], %scan3A_367#2 {strides = array<i32>} : memref<8x64xf32, #tpu.memory_space<vmem>>, vector<8x64xf32>,
    %swap3A_375 = arith.constant 0 : index
    %swap3A_376 = arith.constant 0 : index
    %swap3A_377 = vector.load %arg13[%swap3A_375, %swap3A_376] : memref<8x64xf32, #tpu.memory_space<vmem>>, vector<8x64xf32>
    tpu.vector_store %arg13[%swap3A_375, %swap3A_376], %scan3A_367#3 {strides = array<i32>} : memref<8x64xf32, #tpu.memory_space<vmem>>, vector<8x64xf32>,
    %swap3A_378 = arith.constant 0 : index
    %swap3A_379 = arith.constant 0 : index
    %swap3A_380 = vector.load %arg4[%swap3A_378, %swap3A_379] : memref<8x64xi32, #tpu.memory_space<vmem>>, vector<8x64xi32>
    tpu.vector_store %arg4[%swap3A_378, %swap3A_379], %scan3A_367#4 {strides = array<i32>} : memref<8x64xi32, #tpu.memory_space<vmem>>, vector<8x64xi32>,
    return
  }
}

module attributes {stable_mosaic.version = 14 : i64} {
  func.func @_knn1_body(%arg0: i32, %arg1: i32, %arg2: memref<1x1024x1xf32, #tpu.memory_space<vmem>>, %arg3: memref<1x1024x1xf32, #tpu.memory_space<vmem>>, %arg4: memref<1x1024x1xf32, #tpu.memory_space<vmem>>, %arg5: memref<1x1x1024xf32, #tpu.memory_space<vmem>>, %arg6: memref<1x1x1024xf32, #tpu.memory_space<vmem>>, %arg7: memref<1x1x1024xf32, #tpu.memory_space<vmem>>, %arg8: memref<1x1024x3xi32, #tpu.memory_space<vmem>>, %arg9: memref<1x1024x3xf32, #tpu.memory_space<vmem>>) attributes {dimension_semantics = [#tpu.dimension_semantics<arbitrary>, #tpu.dimension_semantics<arbitrary>], iteration_bounds = array<i64: 8, 4>, scalar_prefetch = 0 : i64, scratch_operands = 0 : i64, tpu.core_type = #tpu.core_type<tc>, window_params = [{transform_indices = @transform_0, window_bounds = array<i64: 1, 1024, 1>}, {transform_indices = @transform_1, window_bounds = array<i64: 1, 1024, 1>}, {transform_indices = @transform_2, window_bounds = array<i64: 1, 1024, 1>}, {transform_indices = @transform_3, window_bounds = array<i64: 1, 1, 1024>}, {transform_indices = @transform_4, window_bounds = array<i64: 1, 1, 1024>}, {transform_indices = @transform_5, window_bounds = array<i64: 1, 1, 1024>}, {transform_indices = @transform_6, window_bounds = array<i64: 1, 1024, 3>}, {transform_indices = @transform_7, window_bounds = array<i64: 1, 1024, 3>}]} {
    %get3A = arith.constant 0 : index
    %get3A_0 = arith.constant 0 : index
    %get3A_1 = arith.constant 0 : index
    %get3A_2 = vector.load %arg2[%get3A, %get3A_0, %get3A_1] : memref<1x1024x1xf32, #tpu.memory_space<vmem>>, vector<1x1024x1xf32>
    %get3A_3 = vector.shape_cast %get3A_2 : vector<1x1024x1xf32> to vector<1024x1xf32>
    %get3A_4 = arith.constant 0 : index
    %get3A_5 = arith.constant 0 : index
    %get3A_6 = arith.constant 0 : index
    %get3A_7 = vector.load %arg5[%get3A_4, %get3A_5, %get3A_6] : memref<1x1x1024xf32, #tpu.memory_space<vmem>>, vector<1x1x1024xf32>
    %get3A_8 = vector.shape_cast %get3A_7 : vector<1x1x1024xf32> to vector<1x1024xf32>
    %sub3A = vector.broadcast %get3A_3 : vector<1024x1xf32> to vector<1024x1024xf32>
    %sub3A_9 = vector.broadcast %get3A_8 : vector<1x1024xf32> to vector<1024x1024xf32>
    %sub3A_10 = arith.subf %sub3A, %sub3A_9 : vector<1024x1024xf32>
    %get3A_11 = arith.constant 0 : index
    %get3A_12 = arith.constant 0 : index
    %get3A_13 = arith.constant 0 : index
    %get3A_14 = vector.load %arg3[%get3A_11, %get3A_12, %get3A_13] : memref<1x1024x1xf32, #tpu.memory_space<vmem>>, vector<1x1024x1xf32>
    %get3A_15 = vector.shape_cast %get3A_14 : vector<1x1024x1xf32> to vector<1024x1xf32>
    %get3A_16 = arith.constant 0 : index
    %get3A_17 = arith.constant 0 : index
    %get3A_18 = arith.constant 0 : index
    %get3A_19 = vector.load %arg6[%get3A_16, %get3A_17, %get3A_18] : memref<1x1x1024xf32, #tpu.memory_space<vmem>>, vector<1x1x1024xf32>
    %get3A_20 = vector.shape_cast %get3A_19 : vector<1x1x1024xf32> to vector<1x1024xf32>
    %sub3A_21 = vector.broadcast %get3A_15 : vector<1024x1xf32> to vector<1024x1024xf32>
    %sub3A_22 = vector.broadcast %get3A_20 : vector<1x1024xf32> to vector<1024x1024xf32>
    %sub3A_23 = arith.subf %sub3A_21, %sub3A_22 : vector<1024x1024xf32>
    %get3A_24 = arith.constant 0 : index
    %get3A_25 = arith.constant 0 : index
    %get3A_26 = arith.constant 0 : index
    %get3A_27 = vector.load %arg4[%get3A_24, %get3A_25, %get3A_26] : memref<1x1024x1xf32, #tpu.memory_space<vmem>>, vector<1x1024x1xf32>
    %get3A_28 = vector.shape_cast %get3A_27 : vector<1x1024x1xf32> to vector<1024x1xf32>
    %get3A_29 = arith.constant 0 : index
    %get3A_30 = arith.constant 0 : index
    %get3A_31 = arith.constant 0 : index
    %get3A_32 = vector.load %arg7[%get3A_29, %get3A_30, %get3A_31] : memref<1x1x1024xf32, #tpu.memory_space<vmem>>, vector<1x1x1024xf32>
    %get3A_33 = vector.shape_cast %get3A_32 : vector<1x1x1024xf32> to vector<1x1024xf32>
    %sub3A_34 = vector.broadcast %get3A_28 : vector<1024x1xf32> to vector<1024x1024xf32>
    %sub3A_35 = vector.broadcast %get3A_33 : vector<1x1024xf32> to vector<1024x1024xf32>
    %sub3A_36 = arith.subf %sub3A_34, %sub3A_35 : vector<1024x1024xf32>
    %mul3A = arith.mulf %sub3A_10, %sub3A_10 : vector<1024x1024xf32>
    %mul3A_37 = arith.mulf %sub3A_23, %sub3A_23 : vector<1024x1024xf32>
    %add3A = arith.addf %mul3A, %mul3A_37 : vector<1024x1024xf32>
    %mul3A_38 = arith.mulf %sub3A_36, %sub3A_36 : vector<1024x1024xf32>
    %add3A_39 = arith.addf %add3A, %mul3A_38 : vector<1024x1024xf32>
    %iota3A = tpu.iota {dimensions = array<i32: 1>} : vector<1x1024xi32>
    %broadcast_in_dim3A = arith.constant 0.000000e+00 : f32
    %broadcast_in_dim3A_40 = vector.broadcast %broadcast_in_dim3A : f32 to vector<1024x1xf32>
    %reduce_min3A = arith.constant dense<0x7F800000> : vector<1024xf32>
    %reduce_min3A_41 = vector.multi_reduction <minimumf>, %add3A_39, %reduce_min3A [1] : vector<1024x1024xf32> to vector<1024xf32>
    %broadcast_in_dim3A_42 = vector.shape_cast %reduce_min3A_41 : vector<1024xf32> to vector<1024x1xf32>
    %eq3A = vector.broadcast %broadcast_in_dim3A_42 : vector<1024x1xf32> to vector<1024x1024xf32>
    %eq3A_43 = arith.cmpf oeq, %add3A_39, %eq3A : vector<1024x1024xf32>
    %jit3A = arith.constant 1024 : i32
    %broadcast_in_dim3A_44 = vector.shape_cast %iota3A : vector<1x1024xi32> to vector<1x1024xi32>
    %broadcast_in_dim3A_45 = vector.broadcast %broadcast_in_dim3A_44 : vector<1x1024xi32> to vector<1024x1024xi32>
    %broadcast_in_dim3A_46 = vector.broadcast %jit3A : i32 to vector<1024x1024xi32>
    %select_n3A = arith.select %eq3A_43, %broadcast_in_dim3A_45, %broadcast_in_dim3A_46 : vector<1024x1024xi1>, vector<1024x1024xi32>
    %reduce_min3A_47 = arith.constant dense<2147483647> : vector<1024xi32>
    %reduce_min3A_48 = vector.multi_reduction <minsi>, %select_n3A, %reduce_min3A_47 [1] : vector<1024x1024xi32> to vector<1024xi32>
    %broadcast_in_dim3A_49 = vector.shape_cast %reduce_min3A_48 : vector<1024xi32> to vector<1024x1xi32>
    %max3A = arith.constant 1.000000e-16 : f32
    %max3A_50 = vector.broadcast %max3A : f32 to vector<1024x1xf32>
    %max3A_51 = arith.maximumf %broadcast_in_dim3A_42, %max3A_50 : vector<1024x1xf32>
    %div3A = arith.constant 1.000000e+00 : f32
    %div3A_52 = vector.broadcast %div3A : f32 to vector<1024x1xf32>
    %div3A_53 = arith.divf %div3A_52, %max3A_51 : vector<1024x1xf32>
    %add3A_54 = arith.addf %broadcast_in_dim3A_40, %div3A_53 : vector<1024x1xf32>
    %eq3A_55 = vector.broadcast %iota3A : vector<1x1024xi32> to vector<1024x1024xi32>
    %eq3A_56 = vector.broadcast %broadcast_in_dim3A_49 : vector<1024x1xi32> to vector<1024x1024xi32>
    %eq3A_57 = arith.cmpi eq, %eq3A_55, %eq3A_56 : vector<1024x1024xi32>
    %jit3A_58 = arith.constant 0x7F800000 : f32
    %broadcast_in_dim3A_59 = vector.broadcast %jit3A_58 : f32 to vector<1024x1024xf32>
    %select_n3A_60 = arith.select %eq3A_57, %broadcast_in_dim3A_59, %add3A_39 : vector<1024x1024xi1>, vector<1024x1024xf32>
    %reduce_min3A_61 = arith.constant dense<0x7F800000> : vector<1024xf32>
    %reduce_min3A_62 = vector.multi_reduction <minimumf>, %select_n3A_60, %reduce_min3A_61 [1] : vector<1024x1024xf32> to vector<1024xf32>
    %broadcast_in_dim3A_63 = vector.shape_cast %reduce_min3A_62 : vector<1024xf32> to vector<1024x1xf32>
    %eq3A_64 = vector.broadcast %broadcast_in_dim3A_63 : vector<1024x1xf32> to vector<1024x1024xf32>
    %eq3A_65 = arith.cmpf oeq, %select_n3A_60, %eq3A_64 : vector<1024x1024xf32>
    %jit3A_66 = arith.constant 1024 : i32
    %broadcast_in_dim3A_67 = vector.shape_cast %iota3A : vector<1x1024xi32> to vector<1x1024xi32>
    %broadcast_in_dim3A_68 = vector.broadcast %broadcast_in_dim3A_67 : vector<1x1024xi32> to vector<1024x1024xi32>
    %broadcast_in_dim3A_69 = vector.broadcast %jit3A_66 : i32 to vector<1024x1024xi32>
    %select_n3A_70 = arith.select %eq3A_65, %broadcast_in_dim3A_68, %broadcast_in_dim3A_69 : vector<1024x1024xi1>, vector<1024x1024xi32>
    %reduce_min3A_71 = arith.constant dense<2147483647> : vector<1024xi32>
    %reduce_min3A_72 = vector.multi_reduction <minsi>, %select_n3A_70, %reduce_min3A_71 [1] : vector<1024x1024xi32> to vector<1024xi32>
    %broadcast_in_dim3A_73 = vector.shape_cast %reduce_min3A_72 : vector<1024xi32> to vector<1024x1xi32>
    %max3A_74 = arith.constant 1.000000e-16 : f32
    %max3A_75 = vector.broadcast %max3A_74 : f32 to vector<1024x1xf32>
    %max3A_76 = arith.maximumf %broadcast_in_dim3A_63, %max3A_75 : vector<1024x1xf32>
    %div3A_77 = arith.constant 1.000000e+00 : f32
    %div3A_78 = vector.broadcast %div3A_77 : f32 to vector<1024x1xf32>
    %div3A_79 = arith.divf %div3A_78, %max3A_76 : vector<1024x1xf32>
    %add3A_80 = arith.addf %add3A_54, %div3A_79 : vector<1024x1xf32>
    %eq3A_81 = vector.broadcast %iota3A : vector<1x1024xi32> to vector<1024x1024xi32>
    %eq3A_82 = vector.broadcast %broadcast_in_dim3A_73 : vector<1024x1xi32> to vector<1024x1024xi32>
    %eq3A_83 = arith.cmpi eq, %eq3A_81, %eq3A_82 : vector<1024x1024xi32>
    %jit3A_84 = arith.constant 0x7F800000 : f32
    %broadcast_in_dim3A_85 = vector.broadcast %jit3A_84 : f32 to vector<1024x1024xf32>
    %select_n3A_86 = arith.select %eq3A_83, %broadcast_in_dim3A_85, %select_n3A_60 : vector<1024x1024xi1>, vector<1024x1024xf32>
    %reduce_min3A_87 = arith.constant dense<0x7F800000> : vector<1024xf32>
    %reduce_min3A_88 = vector.multi_reduction <minimumf>, %select_n3A_86, %reduce_min3A_87 [1] : vector<1024x1024xf32> to vector<1024xf32>
    %broadcast_in_dim3A_89 = vector.shape_cast %reduce_min3A_88 : vector<1024xf32> to vector<1024x1xf32>
    %eq3A_90 = vector.broadcast %broadcast_in_dim3A_89 : vector<1024x1xf32> to vector<1024x1024xf32>
    %eq3A_91 = arith.cmpf oeq, %select_n3A_86, %eq3A_90 : vector<1024x1024xf32>
    %jit3A_92 = arith.constant 1024 : i32
    %broadcast_in_dim3A_93 = vector.shape_cast %iota3A : vector<1x1024xi32> to vector<1x1024xi32>
    %broadcast_in_dim3A_94 = vector.broadcast %broadcast_in_dim3A_93 : vector<1x1024xi32> to vector<1024x1024xi32>
    %broadcast_in_dim3A_95 = vector.broadcast %jit3A_92 : i32 to vector<1024x1024xi32>
    %select_n3A_96 = arith.select %eq3A_91, %broadcast_in_dim3A_94, %broadcast_in_dim3A_95 : vector<1024x1024xi1>, vector<1024x1024xi32>
    %reduce_min3A_97 = arith.constant dense<2147483647> : vector<1024xi32>
    %reduce_min3A_98 = vector.multi_reduction <minsi>, %select_n3A_96, %reduce_min3A_97 [1] : vector<1024x1024xi32> to vector<1024xi32>
    %broadcast_in_dim3A_99 = vector.shape_cast %reduce_min3A_98 : vector<1024xi32> to vector<1024x1xi32>
    %max3A_100 = arith.constant 1.000000e-16 : f32
    %max3A_101 = vector.broadcast %max3A_100 : f32 to vector<1024x1xf32>
    %max3A_102 = arith.maximumf %broadcast_in_dim3A_89, %max3A_101 : vector<1024x1xf32>
    %div3A_103 = arith.constant 1.000000e+00 : f32
    %div3A_104 = vector.broadcast %div3A_103 : f32 to vector<1024x1xf32>
    %div3A_105 = arith.divf %div3A_104, %max3A_102 : vector<1024x1xf32>
    %add3A_106 = arith.addf %add3A_80, %div3A_105 : vector<1024x1xf32>
    %mul3A_107 = arith.constant 1024 : i32
    %mul3A_108 = arith.muli %arg0, %mul3A_107 : i32
    %add3A_109 = vector.broadcast %mul3A_108 : i32 to vector<1024x1xi32>
    %add3A_110 = arith.addi %broadcast_in_dim3A_49, %add3A_109 : vector<1024x1xi32>
    %swap3A = arith.constant 0 : index
    %swap3A_111 = arith.constant 0 : index
    %swap3A_112 = arith.constant 0 : index
    %swap3A_113 = vector.load %arg8[%swap3A, %swap3A_111, %swap3A_112] : memref<1x1024x3xi32, #tpu.memory_space<vmem>>, vector<1x1024x1xi32>
    %swap3A_114 = vector.shape_cast %swap3A_113 : vector<1x1024x1xi32> to vector<1024x1xi32>
    %swap3A_115 = vector.shape_cast %add3A_110 : vector<1024x1xi32> to vector<1x1024x1xi32>
    tpu.vector_store %arg8[%swap3A, %swap3A_111, %swap3A_112], %swap3A_115 {strides = array<i32>} : memref<1x1024x3xi32, #tpu.memory_space<vmem>>, vector<1x1024x1xi32>,
    %div3A_116 = arith.divf %div3A_53, %add3A_106 : vector<1024x1xf32>
    %swap3A_117 = arith.constant 0 : index
    %swap3A_118 = arith.constant 0 : index
    %swap3A_119 = arith.constant 0 : index
    %swap3A_120 = vector.load %arg9[%swap3A_117, %swap3A_118, %swap3A_119] : memref<1x1024x3xf32, #tpu.memory_space<vmem>>, vector<1x1024x1xf32>
    %swap3A_121 = vector.shape_cast %swap3A_120 : vector<1x1024x1xf32> to vector<1024x1xf32>
    %swap3A_122 = vector.shape_cast %div3A_116 : vector<1024x1xf32> to vector<1x1024x1xf32>
    tpu.vector_store %arg9[%swap3A_117, %swap3A_118, %swap3A_119], %swap3A_122 {strides = array<i32>} : memref<1x1024x3xf32, #tpu.memory_space<vmem>>, vector<1x1024x1xf32>,
    %mul3A_123 = arith.constant 1024 : i32
    %mul3A_124 = arith.muli %arg0, %mul3A_123 : i32
    %add3A_125 = vector.broadcast %mul3A_124 : i32 to vector<1024x1xi32>
    %add3A_126 = arith.addi %broadcast_in_dim3A_73, %add3A_125 : vector<1024x1xi32>
    %swap3A_127 = arith.constant 0 : index
    %swap3A_128 = arith.constant 0 : index
    %swap3A_129 = arith.constant 1 : index
    %swap3A_130 = vector.load %arg8[%swap3A_127, %swap3A_128, %swap3A_129] : memref<1x1024x3xi32, #tpu.memory_space<vmem>>, vector<1x1024x1xi32>
    %swap3A_131 = vector.shape_cast %swap3A_130 : vector<1x1024x1xi32> to vector<1024x1xi32>
    %swap3A_132 = vector.shape_cast %add3A_126 : vector<1024x1xi32> to vector<1x1024x1xi32>
    tpu.vector_store %arg8[%swap3A_127, %swap3A_128, %swap3A_129], %swap3A_132 {strides = array<i32>} : memref<1x1024x3xi32, #tpu.memory_space<vmem>>, vector<1x1024x1xi32>,
    %div3A_133 = arith.divf %div3A_79, %add3A_106 : vector<1024x1xf32>
    %swap3A_134 = arith.constant 0 : index
    %swap3A_135 = arith.constant 0 : index
    %swap3A_136 = arith.constant 1 : index
    %swap3A_137 = vector.load %arg9[%swap3A_134, %swap3A_135, %swap3A_136] : memref<1x1024x3xf32, #tpu.memory_space<vmem>>, vector<1x1024x1xf32>
    %swap3A_138 = vector.shape_cast %swap3A_137 : vector<1x1024x1xf32> to vector<1024x1xf32>
    %swap3A_139 = vector.shape_cast %div3A_133 : vector<1024x1xf32> to vector<1x1024x1xf32>
    tpu.vector_store %arg9[%swap3A_134, %swap3A_135, %swap3A_136], %swap3A_139 {strides = array<i32>} : memref<1x1024x3xf32, #tpu.memory_space<vmem>>, vector<1x1024x1xf32>,
    %mul3A_140 = arith.constant 1024 : i32
    %mul3A_141 = arith.muli %arg0, %mul3A_140 : i32
    %add3A_142 = vector.broadcast %mul3A_141 : i32 to vector<1024x1xi32>
    %add3A_143 = arith.addi %broadcast_in_dim3A_99, %add3A_142 : vector<1024x1xi32>
    %swap3A_144 = arith.constant 0 : index
    %swap3A_145 = arith.constant 0 : index
    %swap3A_146 = arith.constant 2 : index
    %swap3A_147 = vector.load %arg8[%swap3A_144, %swap3A_145, %swap3A_146] : memref<1x1024x3xi32, #tpu.memory_space<vmem>>, vector<1x1024x1xi32>
    %swap3A_148 = vector.shape_cast %swap3A_147 : vector<1x1024x1xi32> to vector<1024x1xi32>
    %swap3A_149 = vector.shape_cast %add3A_143 : vector<1024x1xi32> to vector<1x1024x1xi32>
    tpu.vector_store %arg8[%swap3A_144, %swap3A_145, %swap3A_146], %swap3A_149 {strides = array<i32>} : memref<1x1024x3xi32, #tpu.memory_space<vmem>>, vector<1x1024x1xi32>,
    %div3A_150 = arith.divf %div3A_105, %add3A_106 : vector<1024x1xf32>
    %swap3A_151 = arith.constant 0 : index
    %swap3A_152 = arith.constant 0 : index
    %swap3A_153 = arith.constant 2 : index
    %swap3A_154 = vector.load %arg9[%swap3A_151, %swap3A_152, %swap3A_153] : memref<1x1024x3xf32, #tpu.memory_space<vmem>>, vector<1x1024x1xf32>
    %swap3A_155 = vector.shape_cast %swap3A_154 : vector<1x1024x1xf32> to vector<1024x1xf32>
    %swap3A_156 = vector.shape_cast %div3A_150 : vector<1024x1xf32> to vector<1x1024x1xf32>
    tpu.vector_store %arg9[%swap3A_151, %swap3A_152, %swap3A_153], %swap3A_156 {strides = array<i32>} : memref<1x1024x3xf32, #tpu.memory_space<vmem>>, vector<1x1024x1xf32>,
    return
  }
  func.func @transform_0(%arg0: i32, %arg1: i32) -> (i32, i32, i32) {
    %c0_i32 = arith.constant 0 : i32
    %c0_i32_0 = arith.constant 0 : i32
    return %arg0, %arg1, %c0_i32 : i32, i32, i32
  }
  func.func @transform_1(%arg0: i32, %arg1: i32) -> (i32, i32, i32) {
    %c0_i32 = arith.constant 0 : i32
    %c0_i32_0 = arith.constant 0 : i32
    return %arg0, %arg1, %c0_i32 : i32, i32, i32
  }
  func.func @transform_2(%arg0: i32, %arg1: i32) -> (i32, i32, i32) {
    %c0_i32 = arith.constant 0 : i32
    %c0_i32_0 = arith.constant 0 : i32
    return %arg0, %arg1, %c0_i32 : i32, i32, i32
  }
  func.func @transform_3(%arg0: i32, %arg1: i32) -> (i32, i32, i32) {
    %c0_i32 = arith.constant 0 : i32
    %c0_i32_0 = arith.constant 0 : i32
    %c0_i32_1 = arith.constant 0 : i32
    return %arg0, %c0_i32, %c0_i32_0 : i32, i32, i32
  }
  func.func @transform_4(%arg0: i32, %arg1: i32) -> (i32, i32, i32) {
    %c0_i32 = arith.constant 0 : i32
    %c0_i32_0 = arith.constant 0 : i32
    %c0_i32_1 = arith.constant 0 : i32
    return %arg0, %c0_i32, %c0_i32_0 : i32, i32, i32
  }
  func.func @transform_5(%arg0: i32, %arg1: i32) -> (i32, i32, i32) {
    %c0_i32 = arith.constant 0 : i32
    %c0_i32_0 = arith.constant 0 : i32
    %c0_i32_1 = arith.constant 0 : i32
    return %arg0, %c0_i32, %c0_i32_0 : i32, i32, i32
  }
  func.func @transform_6(%arg0: i32, %arg1: i32) -> (i32, i32, i32) {
    %c0_i32 = arith.constant 0 : i32
    %c0_i32_0 = arith.constant 0 : i32
    return %arg0, %arg1, %c0_i32 : i32, i32, i32
  }
  func.func @transform_7(%arg0: i32, %arg1: i32) -> (i32, i32, i32) {
    %c0_i32 = arith.constant 0 : i32
    %c0_i32_0 = arith.constant 0 : i32
    return %arg0, %arg1, %c0_i32 : i32, i32, i32
  }
}

module attributes {stable_mosaic.version = 14 : i64} {
  func.func @_sa1_body(%arg0: memref<8192x1xf32, #tpu.memory_space<vmem>>, %arg1: memref<8192x1xf32, #tpu.memory_space<vmem>>, %arg2: memref<8192x1xf32, #tpu.memory_space<vmem>>, %arg3: memref<3x64xf32, #tpu.memory_space<vmem>>, %arg4: memref<1x64xf32, #tpu.memory_space<vmem>>, %arg5: memref<64x64xf32, #tpu.memory_space<vmem>>, %arg6: memref<1x64xf32, #tpu.memory_space<vmem>>, %arg7: memref<64x128xf32, #tpu.memory_space<vmem>>, %arg8: memref<1x128xf32, #tpu.memory_space<vmem>>, %arg9: memref<8192x128xf32, #tpu.memory_space<vmem>>) attributes {dimension_semantics = [], scalar_prefetch = 0 : i64, scratch_operands = 0 : i64, tpu.core_type = #tpu.core_type<tc>} {
    %get3A = arith.constant 0 : index
    %get3A_0 = arith.constant 0 : index
    %get3A_1 = vector.load %arg0[%get3A, %get3A_0] : memref<8192x1xf32, #tpu.memory_space<vmem>>, vector<8192x1xf32>
    %get3A_2 = arith.constant 0 : index
    %get3A_3 = arith.constant 0 : index
    %get3A_4 = vector.load %arg3[%get3A_2, %get3A_3] : memref<3x64xf32, #tpu.memory_space<vmem>>, vector<1x64xf32>
    %mul3A = vector.broadcast %get3A_1 : vector<8192x1xf32> to vector<8192x64xf32>
    %mul3A_5 = vector.broadcast %get3A_4 : vector<1x64xf32> to vector<8192x64xf32>
    %mul3A_6 = arith.mulf %mul3A, %mul3A_5 : vector<8192x64xf32>
    %get3A_7 = arith.constant 0 : index
    %get3A_8 = arith.constant 0 : index
    %get3A_9 = vector.load %arg1[%get3A_7, %get3A_8] : memref<8192x1xf32, #tpu.memory_space<vmem>>, vector<8192x1xf32>
    %get3A_10 = arith.constant 1 : index
    %get3A_11 = arith.constant 0 : index
    %get3A_12 = vector.load %arg3[%get3A_10, %get3A_11] : memref<3x64xf32, #tpu.memory_space<vmem>>, vector<1x64xf32>
    %mul3A_13 = vector.broadcast %get3A_9 : vector<8192x1xf32> to vector<8192x64xf32>
    %mul3A_14 = vector.broadcast %get3A_12 : vector<1x64xf32> to vector<8192x64xf32>
    %mul3A_15 = arith.mulf %mul3A_13, %mul3A_14 : vector<8192x64xf32>
    %add3A = arith.addf %mul3A_6, %mul3A_15 : vector<8192x64xf32>
    %get3A_16 = arith.constant 0 : index
    %get3A_17 = arith.constant 0 : index
    %get3A_18 = vector.load %arg2[%get3A_16, %get3A_17] : memref<8192x1xf32, #tpu.memory_space<vmem>>, vector<8192x1xf32>
    %get3A_19 = arith.constant 2 : index
    %get3A_20 = arith.constant 0 : index
    %get3A_21 = vector.load %arg3[%get3A_19, %get3A_20] : memref<3x64xf32, #tpu.memory_space<vmem>>, vector<1x64xf32>
    %mul3A_22 = vector.broadcast %get3A_18 : vector<8192x1xf32> to vector<8192x64xf32>
    %mul3A_23 = vector.broadcast %get3A_21 : vector<1x64xf32> to vector<8192x64xf32>
    %mul3A_24 = arith.mulf %mul3A_22, %mul3A_23 : vector<8192x64xf32>
    %add3A_25 = arith.addf %add3A, %mul3A_24 : vector<8192x64xf32>
    %get3A_26 = arith.constant 0 : index
    %get3A_27 = arith.constant 0 : index
    %get3A_28 = vector.load %arg4[%get3A_26, %get3A_27] : memref<1x64xf32, #tpu.memory_space<vmem>>, vector<1x64xf32>
    %add3A_29 = vector.broadcast %get3A_28 : vector<1x64xf32> to vector<8192x64xf32>
    %add3A_30 = arith.addf %add3A_25, %add3A_29 : vector<8192x64xf32>
    %max3A = arith.constant 0.000000e+00 : f32
    %max3A_31 = vector.broadcast %max3A : f32 to vector<8192x64xf32>
    %max3A_32 = arith.maximumf %add3A_30, %max3A_31 : vector<8192x64xf32>
    %get3A_33 = arith.constant 0 : index
    %get3A_34 = arith.constant 0 : index
    %get3A_35 = vector.load %arg5[%get3A_33, %get3A_34] : memref<64x64xf32, #tpu.memory_space<vmem>>, vector<64x64xf32>
    %dot_general3A = arith.constant dense<0.000000e+00> : vector<8192x64xf32>
    %dot_general3A_36 = tpu.matmul %max3A_32, %get3A_35, %dot_general3A {dimension_numbers = #tpu.dot_dimension_numbers<[1], [0], [0], [1], [0, 0, 1, 1], [], []>, transpose_lhs_hint = false} : vector<8192x64xf32>, vector<64x64xf32>, vector<8192x64xf32> -> vector<8192x64xf32>
    %get3A_37 = arith.constant 0 : index
    %get3A_38 = arith.constant 0 : index
    %get3A_39 = vector.load %arg6[%get3A_37, %get3A_38] : memref<1x64xf32, #tpu.memory_space<vmem>>, vector<1x64xf32>
    %add3A_40 = vector.broadcast %get3A_39 : vector<1x64xf32> to vector<8192x64xf32>
    %add3A_41 = arith.addf %dot_general3A_36, %add3A_40 : vector<8192x64xf32>
    %max3A_42 = arith.constant 0.000000e+00 : f32
    %max3A_43 = vector.broadcast %max3A_42 : f32 to vector<8192x64xf32>
    %max3A_44 = arith.maximumf %add3A_41, %max3A_43 : vector<8192x64xf32>
    %get3A_45 = arith.constant 0 : index
    %get3A_46 = arith.constant 0 : index
    %get3A_47 = vector.load %arg7[%get3A_45, %get3A_46] : memref<64x128xf32, #tpu.memory_space<vmem>>, vector<64x128xf32>
    %dot_general3A_48 = arith.constant dense<0.000000e+00> : vector<8192x128xf32>
    %dot_general3A_49 = tpu.matmul %max3A_44, %get3A_47, %dot_general3A_48 {dimension_numbers = #tpu.dot_dimension_numbers<[1], [0], [0], [1], [0, 0, 1, 1], [], []>, transpose_lhs_hint = false} : vector<8192x64xf32>, vector<64x128xf32>, vector<8192x128xf32> -> vector<8192x128xf32>
    %get3A_50 = arith.constant 0 : index
    %get3A_51 = arith.constant 0 : index
    %get3A_52 = vector.load %arg8[%get3A_50, %get3A_51] : memref<1x128xf32, #tpu.memory_space<vmem>>, vector<1x128xf32>
    %add3A_53 = vector.broadcast %get3A_52 : vector<1x128xf32> to vector<8192x128xf32>
    %add3A_54 = arith.addf %dot_general3A_49, %add3A_53 : vector<8192x128xf32>
    %max3A_55 = arith.constant 0.000000e+00 : f32
    %max3A_56 = vector.broadcast %max3A_55 : f32 to vector<8192x128xf32>
    %max3A_57 = arith.maximumf %add3A_54, %max3A_56 : vector<8192x128xf32>
    %swap3A = arith.constant 0 : index
    %swap3A_58 = arith.constant 0 : index
    %swap3A_59 = vector.load %arg9[%swap3A, %swap3A_58] : memref<8192x128xf32, #tpu.memory_space<vmem>>, vector<8192x128xf32>
    tpu.vector_store %arg9[%swap3A, %swap3A_58], %max3A_57 {strides = array<i32>} : memref<8192x128xf32, #tpu.memory_space<vmem>>, vector<8192x128xf32>,
    return
  }
}

module attributes {stable_mosaic.version = 14 : i64} {
  func.func @_sa_gather_body(%arg0: i32, %arg1: memref<1x256x1xi32, #tpu.memory_space<vmem>>, %arg2: memref<1x1024x128xf32, #tpu.memory_space<vmem>>, %arg3: memref<1x256x1xf32, #tpu.memory_space<vmem>>, %arg4: memref<1x256x1xf32, #tpu.memory_space<vmem>>, %arg5: memref<1x256x1xf32, #tpu.memory_space<vmem>>, %arg6: memref<128x128xf32, #tpu.memory_space<vmem>>, %arg7: memref<3x128xf32, #tpu.memory_space<vmem>>, %arg8: memref<1x128xf32, #tpu.memory_space<vmem>>, %arg9: memref<128x128xf32, #tpu.memory_space<vmem>>, %arg10: memref<1x128xf32, #tpu.memory_space<vmem>>, %arg11: memref<128x256xf32, #tpu.memory_space<vmem>>, %arg12: memref<1x256xf32, #tpu.memory_space<vmem>>, %arg13: memref<1x256x256xf32, #tpu.memory_space<vmem>>) attributes {dimension_semantics = [#tpu.dimension_semantics<arbitrary>], iteration_bounds = array<i64: 8>, scalar_prefetch = 0 : i64, scratch_operands = 0 : i64, tpu.core_type = #tpu.core_type<tc>, window_params = [{transform_indices = @transform_0, window_bounds = array<i64: 1, 256, 1>}, {transform_indices = @transform_1, window_bounds = array<i64: 1, 1024, 128>}, {transform_indices = @transform_2, window_bounds = array<i64: 1, 256, 1>}, {transform_indices = @transform_3, window_bounds = array<i64: 1, 256, 1>}, {transform_indices = @transform_4, window_bounds = array<i64: 1, 256, 1>}, {pipeline_mode = #tpu.pipeline_mode<synchronous>, transform_indices = @transform_5, window_bounds = array<i64: 128, 128>}, {pipeline_mode = #tpu.pipeline_mode<synchronous>, transform_indices = @transform_6, window_bounds = array<i64: 3, 128>}, {pipeline_mode = #tpu.pipeline_mode<synchronous>, transform_indices = @transform_7, window_bounds = array<i64: 1, 128>}, {pipeline_mode = #tpu.pipeline_mode<synchronous>, transform_indices = @transform_8, window_bounds = array<i64: 128, 128>}, {pipeline_mode = #tpu.pipeline_mode<synchronous>, transform_indices = @transform_9, window_bounds = array<i64: 1, 128>}, {pipeline_mode = #tpu.pipeline_mode<synchronous>, transform_indices = @transform_10, window_bounds = array<i64: 128, 256>}, {pipeline_mode = #tpu.pipeline_mode<synchronous>, transform_indices = @transform_11, window_bounds = array<i64: 1, 256>}, {transform_indices = @transform_12, window_bounds = array<i64: 1, 256, 256>}]} {
    %iota3A = tpu.iota {dimensions = array<i32: 1>} : vector<1x1024xi32>
    %get3A = arith.constant 0 : index
    %get3A_0 = arith.constant 0 : index
    %get3A_1 = arith.constant 0 : index
    %get3A_2 = vector.load %arg1[%get3A, %get3A_0, %get3A_1] : memref<1x256x1xi32, #tpu.memory_space<vmem>>, vector<1x256x1xi32>
    %get3A_3 = vector.shape_cast %get3A_2 : vector<1x256x1xi32> to vector<256x1xi32>
    %eq3A = vector.broadcast %iota3A : vector<1x1024xi32> to vector<256x1024xi32>
    %eq3A_4 = vector.broadcast %get3A_3 : vector<256x1xi32> to vector<256x1024xi32>
    %eq3A_5 = arith.cmpi eq, %eq3A, %eq3A_4 : vector<256x1024xi32>
    %convert_element_type3A = arith.extui %eq3A_5 : vector<256x1024xi1> to vector<256x1024xi32>
    %convert_element_type3A_6 = arith.sitofp %convert_element_type3A : vector<256x1024xi32> to vector<256x1024xf32>
    %get3A_7 = arith.constant 0 : index
    %get3A_8 = arith.constant 0 : index
    %get3A_9 = arith.constant 0 : index
    %get3A_10 = vector.load %arg2[%get3A_7, %get3A_8, %get3A_9] : memref<1x1024x128xf32, #tpu.memory_space<vmem>>, vector<1x1024x128xf32>
    %get3A_11 = vector.shape_cast %get3A_10 : vector<1x1024x128xf32> to vector<1024x128xf32>
    %dot_general3A = arith.constant dense<0.000000e+00> : vector<256x128xf32>
    %dot_general3A_12 = tpu.matmul %convert_element_type3A_6, %get3A_11, %dot_general3A {dimension_numbers = #tpu.dot_dimension_numbers<[1], [0], [0], [1], [0, 0, 1, 1], [], []>, precision = #tpu.contract_precision<fp32>, transpose_lhs_hint = false} : vector<256x1024xf32>, vector<1024x128xf32>, vector<256x128xf32> -> vector<256x128xf32>
    %get3A_13 = arith.constant 0 : index
    %get3A_14 = arith.constant 0 : index
    %get3A_15 = arith.constant 0 : index
    %get3A_16 = vector.load %arg3[%get3A_13, %get3A_14, %get3A_15] : memref<1x256x1xf32, #tpu.memory_space<vmem>>, vector<1x256x1xf32>
    %get3A_17 = vector.shape_cast %get3A_16 : vector<1x256x1xf32> to vector<256x1xf32>
    %get3A_18 = arith.constant 0 : index
    %get3A_19 = arith.constant 0 : index
    %get3A_20 = vector.load %arg7[%get3A_18, %get3A_19] : memref<3x128xf32, #tpu.memory_space<vmem>>, vector<1x128xf32>
    %mul3A = vector.broadcast %get3A_17 : vector<256x1xf32> to vector<256x128xf32>
    %mul3A_21 = vector.broadcast %get3A_20 : vector<1x128xf32> to vector<256x128xf32>
    %mul3A_22 = arith.mulf %mul3A, %mul3A_21 : vector<256x128xf32>
    %get3A_23 = arith.constant 0 : index
    %get3A_24 = arith.constant 0 : index
    %get3A_25 = arith.constant 0 : index
    %get3A_26 = vector.load %arg4[%get3A_23, %get3A_24, %get3A_25] : memref<1x256x1xf32, #tpu.memory_space<vmem>>, vector<1x256x1xf32>
    %get3A_27 = vector.shape_cast %get3A_26 : vector<1x256x1xf32> to vector<256x1xf32>
    %get3A_28 = arith.constant 1 : index
    %get3A_29 = arith.constant 0 : index
    %get3A_30 = vector.load %arg7[%get3A_28, %get3A_29] : memref<3x128xf32, #tpu.memory_space<vmem>>, vector<1x128xf32>
    %mul3A_31 = vector.broadcast %get3A_27 : vector<256x1xf32> to vector<256x128xf32>
    %mul3A_32 = vector.broadcast %get3A_30 : vector<1x128xf32> to vector<256x128xf32>
    %mul3A_33 = arith.mulf %mul3A_31, %mul3A_32 : vector<256x128xf32>
    %add3A = arith.addf %mul3A_22, %mul3A_33 : vector<256x128xf32>
    %get3A_34 = arith.constant 0 : index
    %get3A_35 = arith.constant 0 : index
    %get3A_36 = arith.constant 0 : index
    %get3A_37 = vector.load %arg5[%get3A_34, %get3A_35, %get3A_36] : memref<1x256x1xf32, #tpu.memory_space<vmem>>, vector<1x256x1xf32>
    %get3A_38 = vector.shape_cast %get3A_37 : vector<1x256x1xf32> to vector<256x1xf32>
    %get3A_39 = arith.constant 2 : index
    %get3A_40 = arith.constant 0 : index
    %get3A_41 = vector.load %arg7[%get3A_39, %get3A_40] : memref<3x128xf32, #tpu.memory_space<vmem>>, vector<1x128xf32>
    %mul3A_42 = vector.broadcast %get3A_38 : vector<256x1xf32> to vector<256x128xf32>
    %mul3A_43 = vector.broadcast %get3A_41 : vector<1x128xf32> to vector<256x128xf32>
    %mul3A_44 = arith.mulf %mul3A_42, %mul3A_43 : vector<256x128xf32>
    %add3A_45 = arith.addf %add3A, %mul3A_44 : vector<256x128xf32>
    %get3A_46 = arith.constant 0 : index
    %get3A_47 = arith.constant 0 : index
    %get3A_48 = vector.load %arg6[%get3A_46, %get3A_47] : memref<128x128xf32, #tpu.memory_space<vmem>>, vector<128x128xf32>
    %dot_general3A_49 = arith.constant dense<0.000000e+00> : vector<256x128xf32>
    %dot_general3A_50 = tpu.matmul %dot_general3A_12, %get3A_48, %dot_general3A_49 {dimension_numbers = #tpu.dot_dimension_numbers<[1], [0], [0], [1], [0, 0, 1, 1], [], []>, transpose_lhs_hint = false} : vector<256x128xf32>, vector<128x128xf32>, vector<256x128xf32> -> vector<256x128xf32>
    %add3A_51 = arith.addf %dot_general3A_50, %add3A_45 : vector<256x128xf32>
    %get3A_52 = arith.constant 0 : index
    %get3A_53 = arith.constant 0 : index
    %get3A_54 = vector.load %arg8[%get3A_52, %get3A_53] : memref<1x128xf32, #tpu.memory_space<vmem>>, vector<1x128xf32>
    %add3A_55 = vector.broadcast %get3A_54 : vector<1x128xf32> to vector<256x128xf32>
    %add3A_56 = arith.addf %add3A_51, %add3A_55 : vector<256x128xf32>
    %max3A = arith.constant 0.000000e+00 : f32
    %max3A_57 = vector.broadcast %max3A : f32 to vector<256x128xf32>
    %max3A_58 = arith.maximumf %add3A_56, %max3A_57 : vector<256x128xf32>
    %get3A_59 = arith.constant 0 : index
    %get3A_60 = arith.constant 0 : index
    %get3A_61 = vector.load %arg9[%get3A_59, %get3A_60] : memref<128x128xf32, #tpu.memory_space<vmem>>, vector<128x128xf32>
    %dot_general3A_62 = arith.constant dense<0.000000e+00> : vector<256x128xf32>
    %dot_general3A_63 = tpu.matmul %max3A_58, %get3A_61, %dot_general3A_62 {dimension_numbers = #tpu.dot_dimension_numbers<[1], [0], [0], [1], [0, 0, 1, 1], [], []>, transpose_lhs_hint = false} : vector<256x128xf32>, vector<128x128xf32>, vector<256x128xf32> -> vector<256x128xf32>
    %get3A_64 = arith.constant 0 : index
    %get3A_65 = arith.constant 0 : index
    %get3A_66 = vector.load %arg10[%get3A_64, %get3A_65] : memref<1x128xf32, #tpu.memory_space<vmem>>, vector<1x128xf32>
    %add3A_67 = vector.broadcast %get3A_66 : vector<1x128xf32> to vector<256x128xf32>
    %add3A_68 = arith.addf %dot_general3A_63, %add3A_67 : vector<256x128xf32>
    %max3A_69 = arith.constant 0.000000e+00 : f32
    %max3A_70 = vector.broadcast %max3A_69 : f32 to vector<256x128xf32>
    %max3A_71 = arith.maximumf %add3A_68, %max3A_70 : vector<256x128xf32>
    %get3A_72 = arith.constant 0 : index
    %get3A_73 = arith.constant 0 : index
    %get3A_74 = vector.load %arg11[%get3A_72, %get3A_73] : memref<128x256xf32, #tpu.memory_space<vmem>>, vector<128x256xf32>
    %dot_general3A_75 = arith.constant dense<0.000000e+00> : vector<256x256xf32>
    %dot_general3A_76 = tpu.matmul %max3A_71, %get3A_74, %dot_general3A_75 {dimension_numbers = #tpu.dot_dimension_numbers<[1], [0], [0], [1], [0, 0, 1, 1], [], []>, transpose_lhs_hint = false} : vector<256x128xf32>, vector<128x256xf32>, vector<256x256xf32> -> vector<256x256xf32>
    %get3A_77 = arith.constant 0 : index
    %get3A_78 = arith.constant 0 : index
    %get3A_79 = vector.load %arg12[%get3A_77, %get3A_78] : memref<1x256xf32, #tpu.memory_space<vmem>>, vector<1x256xf32>
    %add3A_80 = vector.broadcast %get3A_79 : vector<1x256xf32> to vector<256x256xf32>
    %add3A_81 = arith.addf %dot_general3A_76, %add3A_80 : vector<256x256xf32>
    %max3A_82 = arith.constant 0.000000e+00 : f32
    %max3A_83 = vector.broadcast %max3A_82 : f32 to vector<256x256xf32>
    %max3A_84 = arith.maximumf %add3A_81, %max3A_83 : vector<256x256xf32>
    %swap3A = arith.constant 0 : index
    %swap3A_85 = arith.constant 0 : index
    %swap3A_86 = arith.constant 0 : index
    %swap3A_87 = vector.load %arg13[%swap3A, %swap3A_85, %swap3A_86] : memref<1x256x256xf32, #tpu.memory_space<vmem>>, vector<1x256x256xf32>
    %swap3A_88 = vector.shape_cast %swap3A_87 : vector<1x256x256xf32> to vector<256x256xf32>
    %swap3A_89 = vector.shape_cast %max3A_84 : vector<256x256xf32> to vector<1x256x256xf32>
    tpu.vector_store %arg13[%swap3A, %swap3A_85, %swap3A_86], %swap3A_89 {strides = array<i32>} : memref<1x256x256xf32, #tpu.memory_space<vmem>>, vector<1x256x256xf32>,
    return
  }
  func.func @transform_0(%arg0: i32) -> (i32, i32, i32) {
    %c0_i32 = arith.constant 0 : i32
    %c0_i32_0 = arith.constant 0 : i32
    %c0_i32_1 = arith.constant 0 : i32
    return %arg0, %c0_i32, %c0_i32_0 : i32, i32, i32
  }
  func.func @transform_1(%arg0: i32) -> (i32, i32, i32) {
    %c0_i32 = arith.constant 0 : i32
    %c0_i32_0 = arith.constant 0 : i32
    %c0_i32_1 = arith.constant 0 : i32
    return %arg0, %c0_i32, %c0_i32_0 : i32, i32, i32
  }
  func.func @transform_2(%arg0: i32) -> (i32, i32, i32) {
    %c0_i32 = arith.constant 0 : i32
    %c0_i32_0 = arith.constant 0 : i32
    %c0_i32_1 = arith.constant 0 : i32
    return %arg0, %c0_i32, %c0_i32_0 : i32, i32, i32
  }
  func.func @transform_3(%arg0: i32) -> (i32, i32, i32) {
    %c0_i32 = arith.constant 0 : i32
    %c0_i32_0 = arith.constant 0 : i32
    %c0_i32_1 = arith.constant 0 : i32
    return %arg0, %c0_i32, %c0_i32_0 : i32, i32, i32
  }
  func.func @transform_4(%arg0: i32) -> (i32, i32, i32) {
    %c0_i32 = arith.constant 0 : i32
    %c0_i32_0 = arith.constant 0 : i32
    %c0_i32_1 = arith.constant 0 : i32
    return %arg0, %c0_i32, %c0_i32_0 : i32, i32, i32
  }
  func.func @transform_5(%arg0: i32) -> (i32, i32) {
    %c0_i32 = arith.constant 0 : i32
    %c0_i32_0 = arith.constant 0 : i32
    %c0_i32_1 = arith.constant 0 : i32
    return %c0_i32, %c0_i32_0 : i32, i32
  }
  func.func @transform_6(%arg0: i32) -> (i32, i32) {
    %c0_i32 = arith.constant 0 : i32
    %c0_i32_0 = arith.constant 0 : i32
    %c0_i32_1 = arith.constant 0 : i32
    return %c0_i32, %c0_i32_0 : i32, i32
  }
  func.func @transform_7(%arg0: i32) -> (i32, i32) {
    %c0_i32 = arith.constant 0 : i32
    %c0_i32_0 = arith.constant 0 : i32
    %c0_i32_1 = arith.constant 0 : i32
    return %c0_i32, %c0_i32_0 : i32, i32
  }
  func.func @transform_8(%arg0: i32) -> (i32, i32) {
    %c0_i32 = arith.constant 0 : i32
    %c0_i32_0 = arith.constant 0 : i32
    %c0_i32_1 = arith.constant 0 : i32
    return %c0_i32, %c0_i32_0 : i32, i32
  }
  func.func @transform_9(%arg0: i32) -> (i32, i32) {
    %c0_i32 = arith.constant 0 : i32
    %c0_i32_0 = arith.constant 0 : i32
    %c0_i32_1 = arith.constant 0 : i32
    return %c0_i32, %c0_i32_0 : i32, i32
  }
  func.func @transform_10(%arg0: i32) -> (i32, i32) {
    %c0_i32 = arith.constant 0 : i32
    %c0_i32_0 = arith.constant 0 : i32
    %c0_i32_1 = arith.constant 0 : i32
    return %c0_i32, %c0_i32_0 : i32, i32
  }
  func.func @transform_11(%arg0: i32) -> (i32, i32) {
    %c0_i32 = arith.constant 0 : i32
    %c0_i32_0 = arith.constant 0 : i32
    %c0_i32_1 = arith.constant 0 : i32
    return %c0_i32, %c0_i32_0 : i32, i32
  }
  func.func @transform_12(%arg0: i32) -> (i32, i32, i32) {
    %c0_i32 = arith.constant 0 : i32
    %c0_i32_0 = arith.constant 0 : i32
    %c0_i32_1 = arith.constant 0 : i32
    return %arg0, %c0_i32, %c0_i32_0 : i32, i32, i32
  }
}

module attributes {stable_mosaic.version = 14 : i64} {
  func.func @_sa_gather_body(%arg0: i32, %arg1: memref<1x64x1xi32, #tpu.memory_space<vmem>>, %arg2: memref<1x256x256xf32, #tpu.memory_space<vmem>>, %arg3: memref<1x64x1xf32, #tpu.memory_space<vmem>>, %arg4: memref<1x64x1xf32, #tpu.memory_space<vmem>>, %arg5: memref<1x64x1xf32, #tpu.memory_space<vmem>>, %arg6: memref<256x256xf32, #tpu.memory_space<vmem>>, %arg7: memref<3x256xf32, #tpu.memory_space<vmem>>, %arg8: memref<1x256xf32, #tpu.memory_space<vmem>>, %arg9: memref<256x512xf32, #tpu.memory_space<vmem>>, %arg10: memref<1x512xf32, #tpu.memory_space<vmem>>, %arg11: memref<512x1024xf32, #tpu.memory_space<vmem>>, %arg12: memref<1x1024xf32, #tpu.memory_space<vmem>>, %arg13: memref<1x64x1024xf32, #tpu.memory_space<vmem>>) attributes {dimension_semantics = [#tpu.dimension_semantics<arbitrary>], iteration_bounds = array<i64: 8>, scalar_prefetch = 0 : i64, scratch_operands = 0 : i64, tpu.core_type = #tpu.core_type<tc>, window_params = [{transform_indices = @transform_0, window_bounds = array<i64: 1, 64, 1>}, {transform_indices = @transform_1, window_bounds = array<i64: 1, 256, 256>}, {transform_indices = @transform_2, window_bounds = array<i64: 1, 64, 1>}, {transform_indices = @transform_3, window_bounds = array<i64: 1, 64, 1>}, {transform_indices = @transform_4, window_bounds = array<i64: 1, 64, 1>}, {pipeline_mode = #tpu.pipeline_mode<synchronous>, transform_indices = @transform_5, window_bounds = array<i64: 256, 256>}, {pipeline_mode = #tpu.pipeline_mode<synchronous>, transform_indices = @transform_6, window_bounds = array<i64: 3, 256>}, {pipeline_mode = #tpu.pipeline_mode<synchronous>, transform_indices = @transform_7, window_bounds = array<i64: 1, 256>}, {pipeline_mode = #tpu.pipeline_mode<synchronous>, transform_indices = @transform_8, window_bounds = array<i64: 256, 512>}, {pipeline_mode = #tpu.pipeline_mode<synchronous>, transform_indices = @transform_9, window_bounds = array<i64: 1, 512>}, {pipeline_mode = #tpu.pipeline_mode<synchronous>, transform_indices = @transform_10, window_bounds = array<i64: 512, 1024>}, {pipeline_mode = #tpu.pipeline_mode<synchronous>, transform_indices = @transform_11, window_bounds = array<i64: 1, 1024>}, {transform_indices = @transform_12, window_bounds = array<i64: 1, 64, 1024>}]} {
    %iota3A = tpu.iota {dimensions = array<i32: 1>} : vector<1x256xi32>
    %get3A = arith.constant 0 : index
    %get3A_0 = arith.constant 0 : index
    %get3A_1 = arith.constant 0 : index
    %get3A_2 = vector.load %arg1[%get3A, %get3A_0, %get3A_1] : memref<1x64x1xi32, #tpu.memory_space<vmem>>, vector<1x64x1xi32>
    %get3A_3 = vector.shape_cast %get3A_2 : vector<1x64x1xi32> to vector<64x1xi32>
    %eq3A = vector.broadcast %iota3A : vector<1x256xi32> to vector<64x256xi32>
    %eq3A_4 = vector.broadcast %get3A_3 : vector<64x1xi32> to vector<64x256xi32>
    %eq3A_5 = arith.cmpi eq, %eq3A, %eq3A_4 : vector<64x256xi32>
    %convert_element_type3A = arith.extui %eq3A_5 : vector<64x256xi1> to vector<64x256xi32>
    %convert_element_type3A_6 = arith.sitofp %convert_element_type3A : vector<64x256xi32> to vector<64x256xf32>
    %get3A_7 = arith.constant 0 : index
    %get3A_8 = arith.constant 0 : index
    %get3A_9 = arith.constant 0 : index
    %get3A_10 = vector.load %arg2[%get3A_7, %get3A_8, %get3A_9] : memref<1x256x256xf32, #tpu.memory_space<vmem>>, vector<1x256x256xf32>
    %get3A_11 = vector.shape_cast %get3A_10 : vector<1x256x256xf32> to vector<256x256xf32>
    %dot_general3A = arith.constant dense<0.000000e+00> : vector<64x256xf32>
    %dot_general3A_12 = tpu.matmul %convert_element_type3A_6, %get3A_11, %dot_general3A {dimension_numbers = #tpu.dot_dimension_numbers<[1], [0], [0], [1], [0, 0, 1, 1], [], []>, precision = #tpu.contract_precision<fp32>, transpose_lhs_hint = false} : vector<64x256xf32>, vector<256x256xf32>, vector<64x256xf32> -> vector<64x256xf32>
    %get3A_13 = arith.constant 0 : index
    %get3A_14 = arith.constant 0 : index
    %get3A_15 = arith.constant 0 : index
    %get3A_16 = vector.load %arg3[%get3A_13, %get3A_14, %get3A_15] : memref<1x64x1xf32, #tpu.memory_space<vmem>>, vector<1x64x1xf32>
    %get3A_17 = vector.shape_cast %get3A_16 : vector<1x64x1xf32> to vector<64x1xf32>
    %get3A_18 = arith.constant 0 : index
    %get3A_19 = arith.constant 0 : index
    %get3A_20 = vector.load %arg7[%get3A_18, %get3A_19] : memref<3x256xf32, #tpu.memory_space<vmem>>, vector<1x256xf32>
    %mul3A = vector.broadcast %get3A_17 : vector<64x1xf32> to vector<64x256xf32>
    %mul3A_21 = vector.broadcast %get3A_20 : vector<1x256xf32> to vector<64x256xf32>
    %mul3A_22 = arith.mulf %mul3A, %mul3A_21 : vector<64x256xf32>
    %get3A_23 = arith.constant 0 : index
    %get3A_24 = arith.constant 0 : index
    %get3A_25 = arith.constant 0 : index
    %get3A_26 = vector.load %arg4[%get3A_23, %get3A_24, %get3A_25] : memref<1x64x1xf32, #tpu.memory_space<vmem>>, vector<1x64x1xf32>
    %get3A_27 = vector.shape_cast %get3A_26 : vector<1x64x1xf32> to vector<64x1xf32>
    %get3A_28 = arith.constant 1 : index
    %get3A_29 = arith.constant 0 : index
    %get3A_30 = vector.load %arg7[%get3A_28, %get3A_29] : memref<3x256xf32, #tpu.memory_space<vmem>>, vector<1x256xf32>
    %mul3A_31 = vector.broadcast %get3A_27 : vector<64x1xf32> to vector<64x256xf32>
    %mul3A_32 = vector.broadcast %get3A_30 : vector<1x256xf32> to vector<64x256xf32>
    %mul3A_33 = arith.mulf %mul3A_31, %mul3A_32 : vector<64x256xf32>
    %add3A = arith.addf %mul3A_22, %mul3A_33 : vector<64x256xf32>
    %get3A_34 = arith.constant 0 : index
    %get3A_35 = arith.constant 0 : index
    %get3A_36 = arith.constant 0 : index
    %get3A_37 = vector.load %arg5[%get3A_34, %get3A_35, %get3A_36] : memref<1x64x1xf32, #tpu.memory_space<vmem>>, vector<1x64x1xf32>
    %get3A_38 = vector.shape_cast %get3A_37 : vector<1x64x1xf32> to vector<64x1xf32>
    %get3A_39 = arith.constant 2 : index
    %get3A_40 = arith.constant 0 : index
    %get3A_41 = vector.load %arg7[%get3A_39, %get3A_40] : memref<3x256xf32, #tpu.memory_space<vmem>>, vector<1x256xf32>
    %mul3A_42 = vector.broadcast %get3A_38 : vector<64x1xf32> to vector<64x256xf32>
    %mul3A_43 = vector.broadcast %get3A_41 : vector<1x256xf32> to vector<64x256xf32>
    %mul3A_44 = arith.mulf %mul3A_42, %mul3A_43 : vector<64x256xf32>
    %add3A_45 = arith.addf %add3A, %mul3A_44 : vector<64x256xf32>
    %get3A_46 = arith.constant 0 : index
    %get3A_47 = arith.constant 0 : index
    %get3A_48 = vector.load %arg6[%get3A_46, %get3A_47] : memref<256x256xf32, #tpu.memory_space<vmem>>, vector<256x256xf32>
    %dot_general3A_49 = arith.constant dense<0.000000e+00> : vector<64x256xf32>
    %dot_general3A_50 = tpu.matmul %dot_general3A_12, %get3A_48, %dot_general3A_49 {dimension_numbers = #tpu.dot_dimension_numbers<[1], [0], [0], [1], [0, 0, 1, 1], [], []>, transpose_lhs_hint = false} : vector<64x256xf32>, vector<256x256xf32>, vector<64x256xf32> -> vector<64x256xf32>
    %add3A_51 = arith.addf %dot_general3A_50, %add3A_45 : vector<64x256xf32>
    %get3A_52 = arith.constant 0 : index
    %get3A_53 = arith.constant 0 : index
    %get3A_54 = vector.load %arg8[%get3A_52, %get3A_53] : memref<1x256xf32, #tpu.memory_space<vmem>>, vector<1x256xf32>
    %add3A_55 = vector.broadcast %get3A_54 : vector<1x256xf32> to vector<64x256xf32>
    %add3A_56 = arith.addf %add3A_51, %add3A_55 : vector<64x256xf32>
    %max3A = arith.constant 0.000000e+00 : f32
    %max3A_57 = vector.broadcast %max3A : f32 to vector<64x256xf32>
    %max3A_58 = arith.maximumf %add3A_56, %max3A_57 : vector<64x256xf32>
    %get3A_59 = arith.constant 0 : index
    %get3A_60 = arith.constant 0 : index
    %get3A_61 = vector.load %arg9[%get3A_59, %get3A_60] : memref<256x512xf32, #tpu.memory_space<vmem>>, vector<256x512xf32>
    %dot_general3A_62 = arith.constant dense<0.000000e+00> : vector<64x512xf32>
    %dot_general3A_63 = tpu.matmul %max3A_58, %get3A_61, %dot_general3A_62 {dimension_numbers = #tpu.dot_dimension_numbers<[1], [0], [0], [1], [0, 0, 1, 1], [], []>, transpose_lhs_hint = false} : vector<64x256xf32>, vector<256x512xf32>, vector<64x512xf32> -> vector<64x512xf32>
    %get3A_64 = arith.constant 0 : index
    %get3A_65 = arith.constant 0 : index
    %get3A_66 = vector.load %arg10[%get3A_64, %get3A_65] : memref<1x512xf32, #tpu.memory_space<vmem>>, vector<1x512xf32>
    %add3A_67 = vector.broadcast %get3A_66 : vector<1x512xf32> to vector<64x512xf32>
    %add3A_68 = arith.addf %dot_general3A_63, %add3A_67 : vector<64x512xf32>
    %max3A_69 = arith.constant 0.000000e+00 : f32
    %max3A_70 = vector.broadcast %max3A_69 : f32 to vector<64x512xf32>
    %max3A_71 = arith.maximumf %add3A_68, %max3A_70 : vector<64x512xf32>
    %get3A_72 = arith.constant 0 : index
    %get3A_73 = arith.constant 0 : index
    %get3A_74 = vector.load %arg11[%get3A_72, %get3A_73] : memref<512x1024xf32, #tpu.memory_space<vmem>>, vector<512x1024xf32>
    %dot_general3A_75 = arith.constant dense<0.000000e+00> : vector<64x1024xf32>
    %dot_general3A_76 = tpu.matmul %max3A_71, %get3A_74, %dot_general3A_75 {dimension_numbers = #tpu.dot_dimension_numbers<[1], [0], [0], [1], [0, 0, 1, 1], [], []>, transpose_lhs_hint = false} : vector<64x512xf32>, vector<512x1024xf32>, vector<64x1024xf32> -> vector<64x1024xf32>
    %get3A_77 = arith.constant 0 : index
    %get3A_78 = arith.constant 0 : index
    %get3A_79 = vector.load %arg12[%get3A_77, %get3A_78] : memref<1x1024xf32, #tpu.memory_space<vmem>>, vector<1x1024xf32>
    %add3A_80 = vector.broadcast %get3A_79 : vector<1x1024xf32> to vector<64x1024xf32>
    %add3A_81 = arith.addf %dot_general3A_76, %add3A_80 : vector<64x1024xf32>
    %max3A_82 = arith.constant 0.000000e+00 : f32
    %max3A_83 = vector.broadcast %max3A_82 : f32 to vector<64x1024xf32>
    %max3A_84 = arith.maximumf %add3A_81, %max3A_83 : vector<64x1024xf32>
    %swap3A = arith.constant 0 : index
    %swap3A_85 = arith.constant 0 : index
    %swap3A_86 = arith.constant 0 : index
    %swap3A_87 = vector.load %arg13[%swap3A, %swap3A_85, %swap3A_86] : memref<1x64x1024xf32, #tpu.memory_space<vmem>>, vector<1x64x1024xf32>
    %swap3A_88 = vector.shape_cast %swap3A_87 : vector<1x64x1024xf32> to vector<64x1024xf32>
    %swap3A_89 = vector.shape_cast %max3A_84 : vector<64x1024xf32> to vector<1x64x1024xf32>
    tpu.vector_store %arg13[%swap3A, %swap3A_85, %swap3A_86], %swap3A_89 {strides = array<i32>} : memref<1x64x1024xf32, #tpu.memory_space<vmem>>, vector<1x64x1024xf32>,
    return
  }
  func.func @transform_0(%arg0: i32) -> (i32, i32, i32) {
    %c0_i32 = arith.constant 0 : i32
    %c0_i32_0 = arith.constant 0 : i32
    %c0_i32_1 = arith.constant 0 : i32
    return %arg0, %c0_i32, %c0_i32_0 : i32, i32, i32
  }
  func.func @transform_1(%arg0: i32) -> (i32, i32, i32) {
    %c0_i32 = arith.constant 0 : i32
    %c0_i32_0 = arith.constant 0 : i32
    %c0_i32_1 = arith.constant 0 : i32
    return %arg0, %c0_i32, %c0_i32_0 : i32, i32, i32
  }
  func.func @transform_2(%arg0: i32) -> (i32, i32, i32) {
    %c0_i32 = arith.constant 0 : i32
    %c0_i32_0 = arith.constant 0 : i32
    %c0_i32_1 = arith.constant 0 : i32
    return %arg0, %c0_i32, %c0_i32_0 : i32, i32, i32
  }
  func.func @transform_3(%arg0: i32) -> (i32, i32, i32) {
    %c0_i32 = arith.constant 0 : i32
    %c0_i32_0 = arith.constant 0 : i32
    %c0_i32_1 = arith.constant 0 : i32
    return %arg0, %c0_i32, %c0_i32_0 : i32, i32, i32
  }
  func.func @transform_4(%arg0: i32) -> (i32, i32, i32) {
    %c0_i32 = arith.constant 0 : i32
    %c0_i32_0 = arith.constant 0 : i32
    %c0_i32_1 = arith.constant 0 : i32
    return %arg0, %c0_i32, %c0_i32_0 : i32, i32, i32
  }
  func.func @transform_5(%arg0: i32) -> (i32, i32) {
    %c0_i32 = arith.constant 0 : i32
    %c0_i32_0 = arith.constant 0 : i32
    %c0_i32_1 = arith.constant 0 : i32
    return %c0_i32, %c0_i32_0 : i32, i32
  }
  func.func @transform_6(%arg0: i32) -> (i32, i32) {
    %c0_i32 = arith.constant 0 : i32
    %c0_i32_0 = arith.constant 0 : i32
    %c0_i32_1 = arith.constant 0 : i32
    return %c0_i32, %c0_i32_0 : i32, i32
  }
  func.func @transform_7(%arg0: i32) -> (i32, i32) {
    %c0_i32 = arith.constant 0 : i32
    %c0_i32_0 = arith.constant 0 : i32
    %c0_i32_1 = arith.constant 0 : i32
    return %c0_i32, %c0_i32_0 : i32, i32
  }
  func.func @transform_8(%arg0: i32) -> (i32, i32) {
    %c0_i32 = arith.constant 0 : i32
    %c0_i32_0 = arith.constant 0 : i32
    %c0_i32_1 = arith.constant 0 : i32
    return %c0_i32, %c0_i32_0 : i32, i32
  }
  func.func @transform_9(%arg0: i32) -> (i32, i32) {
    %c0_i32 = arith.constant 0 : i32
    %c0_i32_0 = arith.constant 0 : i32
    %c0_i32_1 = arith.constant 0 : i32
    return %c0_i32, %c0_i32_0 : i32, i32
  }
  func.func @transform_10(%arg0: i32) -> (i32, i32) {
    %c0_i32 = arith.constant 0 : i32
    %c0_i32_0 = arith.constant 0 : i32
    %c0_i32_1 = arith.constant 0 : i32
    return %c0_i32, %c0_i32_0 : i32, i32
  }
  func.func @transform_11(%arg0: i32) -> (i32, i32) {
    %c0_i32 = arith.constant 0 : i32
    %c0_i32_0 = arith.constant 0 : i32
    %c0_i32_1 = arith.constant 0 : i32
    return %c0_i32, %c0_i32_0 : i32, i32
  }
  func.func @transform_12(%arg0: i32) -> (i32, i32, i32) {
    %c0_i32 = arith.constant 0 : i32
    %c0_i32_0 = arith.constant 0 : i32
    %c0_i32_1 = arith.constant 0 : i32
    return %arg0, %c0_i32, %c0_i32_0 : i32, i32, i32
  }
}

module attributes {stable_mosaic.version = 14 : i64} {
  func.func @_fp_body(%arg0: i32, %arg1: memref<1x256x1xf32, #tpu.memory_space<vmem>>, %arg2: memref<1x256x1xf32, #tpu.memory_space<vmem>>, %arg3: memref<1x256x1xf32, #tpu.memory_space<vmem>>, %arg4: memref<1x1x64xf32, #tpu.memory_space<vmem>>, %arg5: memref<1x1x64xf32, #tpu.memory_space<vmem>>, %arg6: memref<1x1x64xf32, #tpu.memory_space<vmem>>, %arg7: memref<1x64x1024xf32, #tpu.memory_space<vmem>>, %arg8: memref<1x256x256xf32, #tpu.memory_space<vmem>>, %arg9: memref<1024x256xf32, #tpu.memory_space<vmem>>, %arg10: memref<256x256xf32, #tpu.memory_space<vmem>>, %arg11: memref<1x256xf32, #tpu.memory_space<vmem>>, %arg12: memref<256x256xf32, #tpu.memory_space<vmem>>, %arg13: memref<1x256xf32, #tpu.memory_space<vmem>>, %arg14: memref<1x256x256xf32, #tpu.memory_space<vmem>>) attributes {dimension_semantics = [#tpu.dimension_semantics<arbitrary>], iteration_bounds = array<i64: 8>, scalar_prefetch = 0 : i64, scratch_operands = 0 : i64, tpu.core_type = #tpu.core_type<tc>, window_params = [{transform_indices = @transform_0, window_bounds = array<i64: 1, 256, 1>}, {transform_indices = @transform_1, window_bounds = array<i64: 1, 256, 1>}, {transform_indices = @transform_2, window_bounds = array<i64: 1, 256, 1>}, {transform_indices = @transform_3, window_bounds = array<i64: 1, 1, 64>}, {transform_indices = @transform_4, window_bounds = array<i64: 1, 1, 64>}, {transform_indices = @transform_5, window_bounds = array<i64: 1, 1, 64>}, {transform_indices = @transform_6, window_bounds = array<i64: 1, 64, 1024>}, {transform_indices = @transform_7, window_bounds = array<i64: 1, 256, 256>}, {pipeline_mode = #tpu.pipeline_mode<synchronous>, transform_indices = @transform_8, window_bounds = array<i64: 1024, 256>}, {pipeline_mode = #tpu.pipeline_mode<synchronous>, transform_indices = @transform_9, window_bounds = array<i64: 256, 256>}, {pipeline_mode = #tpu.pipeline_mode<synchronous>, transform_indices = @transform_10, window_bounds = array<i64: 1, 256>}, {pipeline_mode = #tpu.pipeline_mode<synchronous>, transform_indices = @transform_11, window_bounds = array<i64: 256, 256>}, {pipeline_mode = #tpu.pipeline_mode<synchronous>, transform_indices = @transform_12, window_bounds = array<i64: 1, 256>}, {transform_indices = @transform_13, window_bounds = array<i64: 1, 256, 256>}]} {
    %get3A = arith.constant 0 : index
    %get3A_0 = arith.constant 0 : index
    %get3A_1 = arith.constant 0 : index
    %get3A_2 = vector.load %arg1[%get3A, %get3A_0, %get3A_1] : memref<1x256x1xf32, #tpu.memory_space<vmem>>, vector<1x256x1xf32>
    %get3A_3 = vector.shape_cast %get3A_2 : vector<1x256x1xf32> to vector<256x1xf32>
    %get3A_4 = arith.constant 0 : index
    %get3A_5 = arith.constant 0 : index
    %get3A_6 = arith.constant 0 : index
    %get3A_7 = vector.load %arg2[%get3A_4, %get3A_5, %get3A_6] : memref<1x256x1xf32, #tpu.memory_space<vmem>>, vector<1x256x1xf32>
    %get3A_8 = vector.shape_cast %get3A_7 : vector<1x256x1xf32> to vector<256x1xf32>
    %get3A_9 = arith.constant 0 : index
    %get3A_10 = arith.constant 0 : index
    %get3A_11 = arith.constant 0 : index
    %get3A_12 = vector.load %arg3[%get3A_9, %get3A_10, %get3A_11] : memref<1x256x1xf32, #tpu.memory_space<vmem>>, vector<1x256x1xf32>
    %get3A_13 = vector.shape_cast %get3A_12 : vector<1x256x1xf32> to vector<256x1xf32>
    %get3A_14 = arith.constant 0 : index
    %get3A_15 = arith.constant 0 : index
    %get3A_16 = arith.constant 0 : index
    %get3A_17 = vector.load %arg4[%get3A_14, %get3A_15, %get3A_16] : memref<1x1x64xf32, #tpu.memory_space<vmem>>, vector<1x1x64xf32>
    %get3A_18 = vector.shape_cast %get3A_17 : vector<1x1x64xf32> to vector<1x64xf32>
    %get3A_19 = arith.constant 0 : index
    %get3A_20 = arith.constant 0 : index
    %get3A_21 = arith.constant 0 : index
    %get3A_22 = vector.load %arg5[%get3A_19, %get3A_20, %get3A_21] : memref<1x1x64xf32, #tpu.memory_space<vmem>>, vector<1x1x64xf32>
    %get3A_23 = vector.shape_cast %get3A_22 : vector<1x1x64xf32> to vector<1x64xf32>
    %get3A_24 = arith.constant 0 : index
    %get3A_25 = arith.constant 0 : index
    %get3A_26 = arith.constant 0 : index
    %get3A_27 = vector.load %arg6[%get3A_24, %get3A_25, %get3A_26] : memref<1x1x64xf32, #tpu.memory_space<vmem>>, vector<1x1x64xf32>
    %get3A_28 = vector.shape_cast %get3A_27 : vector<1x1x64xf32> to vector<1x64xf32>
    %sub3A = vector.broadcast %get3A_3 : vector<256x1xf32> to vector<256x64xf32>
    %sub3A_29 = vector.broadcast %get3A_18 : vector<1x64xf32> to vector<256x64xf32>
    %sub3A_30 = arith.subf %sub3A, %sub3A_29 : vector<256x64xf32>
    %sub3A_31 = vector.broadcast %get3A_8 : vector<256x1xf32> to vector<256x64xf32>
    %sub3A_32 = vector.broadcast %get3A_23 : vector<1x64xf32> to vector<256x64xf32>
    %sub3A_33 = arith.subf %sub3A_31, %sub3A_32 : vector<256x64xf32>
    %sub3A_34 = vector.broadcast %get3A_13 : vector<256x1xf32> to vector<256x64xf32>
    %sub3A_35 = vector.broadcast %get3A_28 : vector<1x64xf32> to vector<256x64xf32>
    %sub3A_36 = arith.subf %sub3A_34, %sub3A_35 : vector<256x64xf32>
    %mul3A = arith.mulf %sub3A_30, %sub3A_30 : vector<256x64xf32>
    %mul3A_37 = arith.mulf %sub3A_33, %sub3A_33 : vector<256x64xf32>
    %add3A = arith.addf %mul3A, %mul3A_37 : vector<256x64xf32>
    %mul3A_38 = arith.mulf %sub3A_36, %sub3A_36 : vector<256x64xf32>
    %add3A_39 = arith.addf %add3A, %mul3A_38 : vector<256x64xf32>
    %iota3A = tpu.iota {dimensions = array<i32: 1>} : vector<1x64xi32>
    %broadcast_in_dim3A = arith.constant 0.000000e+00 : f32
    %broadcast_in_dim3A_40 = vector.broadcast %broadcast_in_dim3A : f32 to vector<256x64xf32>
    %broadcast_in_dim3A_41 = arith.constant 0.000000e+00 : f32
    %broadcast_in_dim3A_42 = vector.broadcast %broadcast_in_dim3A_41 : f32 to vector<256x1xf32>
    %reduce_min3A = arith.constant dense<0x7F800000> : vector<256xf32>
    %reduce_min3A_43 = vector.multi_reduction <minimumf>, %add3A_39, %reduce_min3A [1] : vector<256x64xf32> to vector<256xf32>
    %broadcast_in_dim3A_44 = vector.shape_cast %reduce_min3A_43 : vector<256xf32> to vector<256x1xf32>
    %eq3A = vector.broadcast %broadcast_in_dim3A_44 : vector<256x1xf32> to vector<256x64xf32>
    %eq3A_45 = arith.cmpf oeq, %add3A_39, %eq3A : vector<256x64xf32>
    %jit3A = arith.constant 64 : i32
    %broadcast_in_dim3A_46 = vector.shape_cast %iota3A : vector<1x64xi32> to vector<1x64xi32>
    %broadcast_in_dim3A_47 = vector.broadcast %broadcast_in_dim3A_46 : vector<1x64xi32> to vector<256x64xi32>
    %broadcast_in_dim3A_48 = vector.broadcast %jit3A : i32 to vector<256x64xi32>
    %select_n3A = arith.select %eq3A_45, %broadcast_in_dim3A_47, %broadcast_in_dim3A_48 : vector<256x64xi1>, vector<256x64xi32>
    %reduce_min3A_49 = arith.constant dense<2147483647> : vector<256xi32>
    %reduce_min3A_50 = vector.multi_reduction <minsi>, %select_n3A, %reduce_min3A_49 [1] : vector<256x64xi32> to vector<256xi32>
    %broadcast_in_dim3A_51 = vector.shape_cast %reduce_min3A_50 : vector<256xi32> to vector<256x1xi32>
    %eq3A_52 = vector.broadcast %iota3A : vector<1x64xi32> to vector<256x64xi32>
    %eq3A_53 = vector.broadcast %broadcast_in_dim3A_51 : vector<256x1xi32> to vector<256x64xi32>
    %eq3A_54 = arith.cmpi eq, %eq3A_52, %eq3A_53 : vector<256x64xi32>
    %max3A = arith.constant 1.000000e-16 : f32
    %max3A_55 = vector.broadcast %max3A : f32 to vector<256x1xf32>
    %max3A_56 = arith.maximumf %broadcast_in_dim3A_44, %max3A_55 : vector<256x1xf32>
    %div3A = arith.constant 1.000000e+00 : f32
    %div3A_57 = vector.broadcast %div3A : f32 to vector<256x1xf32>
    %div3A_58 = arith.divf %div3A_57, %max3A_56 : vector<256x1xf32>
    %broadcast_in_dim3A_59 = vector.shape_cast %div3A_58 : vector<256x1xf32> to vector<256x1xf32>
    %broadcast_in_dim3A_60 = vector.broadcast %broadcast_in_dim3A_59 : vector<256x1xf32> to vector<256x64xf32>
    %select_n3A_61 = arith.select %eq3A_54, %broadcast_in_dim3A_60, %broadcast_in_dim3A_40 : vector<256x64xi1>, vector<256x64xf32>
    %add3A_62 = arith.addf %broadcast_in_dim3A_42, %div3A_58 : vector<256x1xf32>
    %jit3A_63 = arith.constant 0x7F800000 : f32
    %broadcast_in_dim3A_64 = vector.broadcast %jit3A_63 : f32 to vector<256x64xf32>
    %select_n3A_65 = arith.select %eq3A_54, %broadcast_in_dim3A_64, %add3A_39 : vector<256x64xi1>, vector<256x64xf32>
    %reduce_min3A_66 = arith.constant dense<0x7F800000> : vector<256xf32>
    %reduce_min3A_67 = vector.multi_reduction <minimumf>, %select_n3A_65, %reduce_min3A_66 [1] : vector<256x64xf32> to vector<256xf32>
    %broadcast_in_dim3A_68 = vector.shape_cast %reduce_min3A_67 : vector<256xf32> to vector<256x1xf32>
    %eq3A_69 = vector.broadcast %broadcast_in_dim3A_68 : vector<256x1xf32> to vector<256x64xf32>
    %eq3A_70 = arith.cmpf oeq, %select_n3A_65, %eq3A_69 : vector<256x64xf32>
    %jit3A_71 = arith.constant 64 : i32
    %broadcast_in_dim3A_72 = vector.shape_cast %iota3A : vector<1x64xi32> to vector<1x64xi32>
    %broadcast_in_dim3A_73 = vector.broadcast %broadcast_in_dim3A_72 : vector<1x64xi32> to vector<256x64xi32>
    %broadcast_in_dim3A_74 = vector.broadcast %jit3A_71 : i32 to vector<256x64xi32>
    %select_n3A_75 = arith.select %eq3A_70, %broadcast_in_dim3A_73, %broadcast_in_dim3A_74 : vector<256x64xi1>, vector<256x64xi32>
    %reduce_min3A_76 = arith.constant dense<2147483647> : vector<256xi32>
    %reduce_min3A_77 = vector.multi_reduction <minsi>, %select_n3A_75, %reduce_min3A_76 [1] : vector<256x64xi32> to vector<256xi32>
    %broadcast_in_dim3A_78 = vector.shape_cast %reduce_min3A_77 : vector<256xi32> to vector<256x1xi32>
    %eq3A_79 = vector.broadcast %iota3A : vector<1x64xi32> to vector<256x64xi32>
    %eq3A_80 = vector.broadcast %broadcast_in_dim3A_78 : vector<256x1xi32> to vector<256x64xi32>
    %eq3A_81 = arith.cmpi eq, %eq3A_79, %eq3A_80 : vector<256x64xi32>
    %max3A_82 = arith.constant 1.000000e-16 : f32
    %max3A_83 = vector.broadcast %max3A_82 : f32 to vector<256x1xf32>
    %max3A_84 = arith.maximumf %broadcast_in_dim3A_68, %max3A_83 : vector<256x1xf32>
    %div3A_85 = arith.constant 1.000000e+00 : f32
    %div3A_86 = vector.broadcast %div3A_85 : f32 to vector<256x1xf32>
    %div3A_87 = arith.divf %div3A_86, %max3A_84 : vector<256x1xf32>
    %broadcast_in_dim3A_88 = vector.shape_cast %div3A_87 : vector<256x1xf32> to vector<256x1xf32>
    %broadcast_in_dim3A_89 = vector.broadcast %broadcast_in_dim3A_88 : vector<256x1xf32> to vector<256x64xf32>
    %select_n3A_90 = arith.select %eq3A_81, %broadcast_in_dim3A_89, %select_n3A_61 : vector<256x64xi1>, vector<256x64xf32>
    %add3A_91 = arith.addf %add3A_62, %div3A_87 : vector<256x1xf32>
    %jit3A_92 = arith.constant 0x7F800000 : f32
    %broadcast_in_dim3A_93 = vector.broadcast %jit3A_92 : f32 to vector<256x64xf32>
    %select_n3A_94 = arith.select %eq3A_81, %broadcast_in_dim3A_93, %select_n3A_65 : vector<256x64xi1>, vector<256x64xf32>
    %reduce_min3A_95 = arith.constant dense<0x7F800000> : vector<256xf32>
    %reduce_min3A_96 = vector.multi_reduction <minimumf>, %select_n3A_94, %reduce_min3A_95 [1] : vector<256x64xf32> to vector<256xf32>
    %broadcast_in_dim3A_97 = vector.shape_cast %reduce_min3A_96 : vector<256xf32> to vector<256x1xf32>
    %eq3A_98 = vector.broadcast %broadcast_in_dim3A_97 : vector<256x1xf32> to vector<256x64xf32>
    %eq3A_99 = arith.cmpf oeq, %select_n3A_94, %eq3A_98 : vector<256x64xf32>
    %jit3A_100 = arith.constant 64 : i32
    %broadcast_in_dim3A_101 = vector.shape_cast %iota3A : vector<1x64xi32> to vector<1x64xi32>
    %broadcast_in_dim3A_102 = vector.broadcast %broadcast_in_dim3A_101 : vector<1x64xi32> to vector<256x64xi32>
    %broadcast_in_dim3A_103 = vector.broadcast %jit3A_100 : i32 to vector<256x64xi32>
    %select_n3A_104 = arith.select %eq3A_99, %broadcast_in_dim3A_102, %broadcast_in_dim3A_103 : vector<256x64xi1>, vector<256x64xi32>
    %reduce_min3A_105 = arith.constant dense<2147483647> : vector<256xi32>
    %reduce_min3A_106 = vector.multi_reduction <minsi>, %select_n3A_104, %reduce_min3A_105 [1] : vector<256x64xi32> to vector<256xi32>
    %broadcast_in_dim3A_107 = vector.shape_cast %reduce_min3A_106 : vector<256xi32> to vector<256x1xi32>
    %eq3A_108 = vector.broadcast %iota3A : vector<1x64xi32> to vector<256x64xi32>
    %eq3A_109 = vector.broadcast %broadcast_in_dim3A_107 : vector<256x1xi32> to vector<256x64xi32>
    %eq3A_110 = arith.cmpi eq, %eq3A_108, %eq3A_109 : vector<256x64xi32>
    %max3A_111 = arith.constant 1.000000e-16 : f32
    %max3A_112 = vector.broadcast %max3A_111 : f32 to vector<256x1xf32>
    %max3A_113 = arith.maximumf %broadcast_in_dim3A_97, %max3A_112 : vector<256x1xf32>
    %div3A_114 = arith.constant 1.000000e+00 : f32
    %div3A_115 = vector.broadcast %div3A_114 : f32 to vector<256x1xf32>
    %div3A_116 = arith.divf %div3A_115, %max3A_113 : vector<256x1xf32>
    %broadcast_in_dim3A_117 = vector.shape_cast %div3A_116 : vector<256x1xf32> to vector<256x1xf32>
    %broadcast_in_dim3A_118 = vector.broadcast %broadcast_in_dim3A_117 : vector<256x1xf32> to vector<256x64xf32>
    %select_n3A_119 = arith.select %eq3A_110, %broadcast_in_dim3A_118, %select_n3A_90 : vector<256x64xi1>, vector<256x64xf32>
    %add3A_120 = arith.addf %add3A_91, %div3A_116 : vector<256x1xf32>
    %get3A_121 = arith.constant 0 : index
    %get3A_122 = arith.constant 0 : index
    %get3A_123 = arith.constant 0 : index
    %get3A_124 = vector.load %arg7[%get3A_121, %get3A_122, %get3A_123] : memref<1x64x1024xf32, #tpu.memory_space<vmem>>, vector<1x64x1024xf32>
    %get3A_125 = vector.shape_cast %get3A_124 : vector<1x64x1024xf32> to vector<64x1024xf32>
    %dot_general3A = arith.constant dense<0.000000e+00> : vector<256x1024xf32>
    %dot_general3A_126 = tpu.matmul %select_n3A_119, %get3A_125, %dot_general3A {dimension_numbers = #tpu.dot_dimension_numbers<[1], [0], [0], [1], [0, 0, 1, 1], [], []>, transpose_lhs_hint = false} : vector<256x64xf32>, vector<64x1024xf32>, vector<256x1024xf32> -> vector<256x1024xf32>
    %div3A_127 = vector.broadcast %add3A_120 : vector<256x1xf32> to vector<256x1024xf32>
    %div3A_128 = arith.divf %dot_general3A_126, %div3A_127 : vector<256x1024xf32>
    %get3A_129 = arith.constant 0 : index
    %get3A_130 = arith.constant 0 : index
    %get3A_131 = vector.load %arg9[%get3A_129, %get3A_130] : memref<1024x256xf32, #tpu.memory_space<vmem>>, vector<1024x256xf32>
    %dot_general3A_132 = arith.constant dense<0.000000e+00> : vector<256x256xf32>
    %dot_general3A_133 = tpu.matmul %div3A_128, %get3A_131, %dot_general3A_132 {dimension_numbers = #tpu.dot_dimension_numbers<[1], [0], [0], [1], [0, 0, 1, 1], [], []>, transpose_lhs_hint = false} : vector<256x1024xf32>, vector<1024x256xf32>, vector<256x256xf32> -> vector<256x256xf32>
    %get3A_134 = arith.constant 0 : index
    %get3A_135 = arith.constant 0 : index
    %get3A_136 = arith.constant 0 : index
    %get3A_137 = vector.load %arg8[%get3A_134, %get3A_135, %get3A_136] : memref<1x256x256xf32, #tpu.memory_space<vmem>>, vector<1x256x256xf32>
    %get3A_138 = vector.shape_cast %get3A_137 : vector<1x256x256xf32> to vector<256x256xf32>
    %get3A_139 = arith.constant 0 : index
    %get3A_140 = arith.constant 0 : index
    %get3A_141 = vector.load %arg10[%get3A_139, %get3A_140] : memref<256x256xf32, #tpu.memory_space<vmem>>, vector<256x256xf32>
    %dot_general3A_142 = arith.constant dense<0.000000e+00> : vector<256x256xf32>
    %dot_general3A_143 = tpu.matmul %get3A_138, %get3A_141, %dot_general3A_142 {dimension_numbers = #tpu.dot_dimension_numbers<[1], [0], [0], [1], [0, 0, 1, 1], [], []>, transpose_lhs_hint = false} : vector<256x256xf32>, vector<256x256xf32>, vector<256x256xf32> -> vector<256x256xf32>
    %add3A_144 = arith.addf %dot_general3A_133, %dot_general3A_143 : vector<256x256xf32>
    %get3A_145 = arith.constant 0 : index
    %get3A_146 = arith.constant 0 : index
    %get3A_147 = vector.load %arg11[%get3A_145, %get3A_146] : memref<1x256xf32, #tpu.memory_space<vmem>>, vector<1x256xf32>
    %add3A_148 = vector.broadcast %get3A_147 : vector<1x256xf32> to vector<256x256xf32>
    %add3A_149 = arith.addf %add3A_144, %add3A_148 : vector<256x256xf32>
    %max3A_150 = arith.constant 0.000000e+00 : f32
    %max3A_151 = vector.broadcast %max3A_150 : f32 to vector<256x256xf32>
    %max3A_152 = arith.maximumf %add3A_149, %max3A_151 : vector<256x256xf32>
    %get3A_153 = arith.constant 0 : index
    %get3A_154 = arith.constant 0 : index
    %get3A_155 = vector.load %arg12[%get3A_153, %get3A_154] : memref<256x256xf32, #tpu.memory_space<vmem>>, vector<256x256xf32>
    %dot_general3A_156 = arith.constant dense<0.000000e+00> : vector<256x256xf32>
    %dot_general3A_157 = tpu.matmul %max3A_152, %get3A_155, %dot_general3A_156 {dimension_numbers = #tpu.dot_dimension_numbers<[1], [0], [0], [1], [0, 0, 1, 1], [], []>, transpose_lhs_hint = false} : vector<256x256xf32>, vector<256x256xf32>, vector<256x256xf32> -> vector<256x256xf32>
    %get3A_158 = arith.constant 0 : index
    %get3A_159 = arith.constant 0 : index
    %get3A_160 = vector.load %arg13[%get3A_158, %get3A_159] : memref<1x256xf32, #tpu.memory_space<vmem>>, vector<1x256xf32>
    %add3A_161 = vector.broadcast %get3A_160 : vector<1x256xf32> to vector<256x256xf32>
    %add3A_162 = arith.addf %dot_general3A_157, %add3A_161 : vector<256x256xf32>
    %max3A_163 = arith.constant 0.000000e+00 : f32
    %max3A_164 = vector.broadcast %max3A_163 : f32 to vector<256x256xf32>
    %max3A_165 = arith.maximumf %add3A_162, %max3A_164 : vector<256x256xf32>
    %swap3A = arith.constant 0 : index
    %swap3A_166 = arith.constant 0 : index
    %swap3A_167 = arith.constant 0 : index
    %swap3A_168 = vector.load %arg14[%swap3A, %swap3A_166, %swap3A_167] : memref<1x256x256xf32, #tpu.memory_space<vmem>>, vector<1x256x256xf32>
    %swap3A_169 = vector.shape_cast %swap3A_168 : vector<1x256x256xf32> to vector<256x256xf32>
    %swap3A_170 = vector.shape_cast %max3A_165 : vector<256x256xf32> to vector<1x256x256xf32>
    tpu.vector_store %arg14[%swap3A, %swap3A_166, %swap3A_167], %swap3A_170 {strides = array<i32>} : memref<1x256x256xf32, #tpu.memory_space<vmem>>, vector<1x256x256xf32>,
    return
  }
  func.func @transform_0(%arg0: i32) -> (i32, i32, i32) {
    %c0_i32 = arith.constant 0 : i32
    %c0_i32_0 = arith.constant 0 : i32
    %c0_i32_1 = arith.constant 0 : i32
    return %arg0, %c0_i32, %c0_i32_0 : i32, i32, i32
  }
  func.func @transform_1(%arg0: i32) -> (i32, i32, i32) {
    %c0_i32 = arith.constant 0 : i32
    %c0_i32_0 = arith.constant 0 : i32
    %c0_i32_1 = arith.constant 0 : i32
    return %arg0, %c0_i32, %c0_i32_0 : i32, i32, i32
  }
  func.func @transform_2(%arg0: i32) -> (i32, i32, i32) {
    %c0_i32 = arith.constant 0 : i32
    %c0_i32_0 = arith.constant 0 : i32
    %c0_i32_1 = arith.constant 0 : i32
    return %arg0, %c0_i32, %c0_i32_0 : i32, i32, i32
  }
  func.func @transform_3(%arg0: i32) -> (i32, i32, i32) {
    %c0_i32 = arith.constant 0 : i32
    %c0_i32_0 = arith.constant 0 : i32
    %c0_i32_1 = arith.constant 0 : i32
    return %arg0, %c0_i32, %c0_i32_0 : i32, i32, i32
  }
  func.func @transform_4(%arg0: i32) -> (i32, i32, i32) {
    %c0_i32 = arith.constant 0 : i32
    %c0_i32_0 = arith.constant 0 : i32
    %c0_i32_1 = arith.constant 0 : i32
    return %arg0, %c0_i32, %c0_i32_0 : i32, i32, i32
  }
  func.func @transform_5(%arg0: i32) -> (i32, i32, i32) {
    %c0_i32 = arith.constant 0 : i32
    %c0_i32_0 = arith.constant 0 : i32
    %c0_i32_1 = arith.constant 0 : i32
    return %arg0, %c0_i32, %c0_i32_0 : i32, i32, i32
  }
  func.func @transform_6(%arg0: i32) -> (i32, i32, i32) {
    %c0_i32 = arith.constant 0 : i32
    %c0_i32_0 = arith.constant 0 : i32
    %c0_i32_1 = arith.constant 0 : i32
    return %arg0, %c0_i32, %c0_i32_0 : i32, i32, i32
  }
  func.func @transform_7(%arg0: i32) -> (i32, i32, i32) {
    %c0_i32 = arith.constant 0 : i32
    %c0_i32_0 = arith.constant 0 : i32
    %c0_i32_1 = arith.constant 0 : i32
    return %arg0, %c0_i32, %c0_i32_0 : i32, i32, i32
  }
  func.func @transform_8(%arg0: i32) -> (i32, i32) {
    %c0_i32 = arith.constant 0 : i32
    %c0_i32_0 = arith.constant 0 : i32
    %c0_i32_1 = arith.constant 0 : i32
    return %c0_i32, %c0_i32_0 : i32, i32
  }
  func.func @transform_9(%arg0: i32) -> (i32, i32) {
    %c0_i32 = arith.constant 0 : i32
    %c0_i32_0 = arith.constant 0 : i32
    %c0_i32_1 = arith.constant 0 : i32
    return %c0_i32, %c0_i32_0 : i32, i32
  }
  func.func @transform_10(%arg0: i32) -> (i32, i32) {
    %c0_i32 = arith.constant 0 : i32
    %c0_i32_0 = arith.constant 0 : i32
    %c0_i32_1 = arith.constant 0 : i32
    return %c0_i32, %c0_i32_0 : i32, i32
  }
  func.func @transform_11(%arg0: i32) -> (i32, i32) {
    %c0_i32 = arith.constant 0 : i32
    %c0_i32_0 = arith.constant 0 : i32
    %c0_i32_1 = arith.constant 0 : i32
    return %c0_i32, %c0_i32_0 : i32, i32
  }
  func.func @transform_12(%arg0: i32) -> (i32, i32) {
    %c0_i32 = arith.constant 0 : i32
    %c0_i32_0 = arith.constant 0 : i32
    %c0_i32_1 = arith.constant 0 : i32
    return %c0_i32, %c0_i32_0 : i32, i32
  }
  func.func @transform_13(%arg0: i32) -> (i32, i32, i32) {
    %c0_i32 = arith.constant 0 : i32
    %c0_i32_0 = arith.constant 0 : i32
    %c0_i32_1 = arith.constant 0 : i32
    return %arg0, %c0_i32, %c0_i32_0 : i32, i32, i32
  }
}

module attributes {stable_mosaic.version = 14 : i64} {
  func.func @_fp_body(%arg0: i32, %arg1: memref<1x1024x1xf32, #tpu.memory_space<vmem>>, %arg2: memref<1x1024x1xf32, #tpu.memory_space<vmem>>, %arg3: memref<1x1024x1xf32, #tpu.memory_space<vmem>>, %arg4: memref<1x1x256xf32, #tpu.memory_space<vmem>>, %arg5: memref<1x1x256xf32, #tpu.memory_space<vmem>>, %arg6: memref<1x1x256xf32, #tpu.memory_space<vmem>>, %arg7: memref<1x256x256xf32, #tpu.memory_space<vmem>>, %arg8: memref<1x1024x128xf32, #tpu.memory_space<vmem>>, %arg9: memref<256x256xf32, #tpu.memory_space<vmem>>, %arg10: memref<128x256xf32, #tpu.memory_space<vmem>>, %arg11: memref<1x256xf32, #tpu.memory_space<vmem>>, %arg12: memref<256x128xf32, #tpu.memory_space<vmem>>, %arg13: memref<1x128xf32, #tpu.memory_space<vmem>>, %arg14: memref<1x1024x128xf32, #tpu.memory_space<vmem>>) attributes {dimension_semantics = [#tpu.dimension_semantics<arbitrary>], iteration_bounds = array<i64: 8>, scalar_prefetch = 0 : i64, scratch_operands = 0 : i64, tpu.core_type = #tpu.core_type<tc>, window_params = [{transform_indices = @transform_0, window_bounds = array<i64: 1, 1024, 1>}, {transform_indices = @transform_1, window_bounds = array<i64: 1, 1024, 1>}, {transform_indices = @transform_2, window_bounds = array<i64: 1, 1024, 1>}, {transform_indices = @transform_3, window_bounds = array<i64: 1, 1, 256>}, {transform_indices = @transform_4, window_bounds = array<i64: 1, 1, 256>}, {transform_indices = @transform_5, window_bounds = array<i64: 1, 1, 256>}, {transform_indices = @transform_6, window_bounds = array<i64: 1, 256, 256>}, {transform_indices = @transform_7, window_bounds = array<i64: 1, 1024, 128>}, {pipeline_mode = #tpu.pipeline_mode<synchronous>, transform_indices = @transform_8, window_bounds = array<i64: 256, 256>}, {pipeline_mode = #tpu.pipeline_mode<synchronous>, transform_indices = @transform_9, window_bounds = array<i64: 128, 256>}, {pipeline_mode = #tpu.pipeline_mode<synchronous>, transform_indices = @transform_10, window_bounds = array<i64: 1, 256>}, {pipeline_mode = #tpu.pipeline_mode<synchronous>, transform_indices = @transform_11, window_bounds = array<i64: 256, 128>}, {pipeline_mode = #tpu.pipeline_mode<synchronous>, transform_indices = @transform_12, window_bounds = array<i64: 1, 128>}, {transform_indices = @transform_13, window_bounds = array<i64: 1, 1024, 128>}]} {
    %get3A = arith.constant 0 : index
    %get3A_0 = arith.constant 0 : index
    %get3A_1 = arith.constant 0 : index
    %get3A_2 = vector.load %arg1[%get3A, %get3A_0, %get3A_1] : memref<1x1024x1xf32, #tpu.memory_space<vmem>>, vector<1x1024x1xf32>
    %get3A_3 = vector.shape_cast %get3A_2 : vector<1x1024x1xf32> to vector<1024x1xf32>
    %get3A_4 = arith.constant 0 : index
    %get3A_5 = arith.constant 0 : index
    %get3A_6 = arith.constant 0 : index
    %get3A_7 = vector.load %arg2[%get3A_4, %get3A_5, %get3A_6] : memref<1x1024x1xf32, #tpu.memory_space<vmem>>, vector<1x1024x1xf32>
    %get3A_8 = vector.shape_cast %get3A_7 : vector<1x1024x1xf32> to vector<1024x1xf32>
    %get3A_9 = arith.constant 0 : index
    %get3A_10 = arith.constant 0 : index
    %get3A_11 = arith.constant 0 : index
    %get3A_12 = vector.load %arg3[%get3A_9, %get3A_10, %get3A_11] : memref<1x1024x1xf32, #tpu.memory_space<vmem>>, vector<1x1024x1xf32>
    %get3A_13 = vector.shape_cast %get3A_12 : vector<1x1024x1xf32> to vector<1024x1xf32>
    %get3A_14 = arith.constant 0 : index
    %get3A_15 = arith.constant 0 : index
    %get3A_16 = arith.constant 0 : index
    %get3A_17 = vector.load %arg4[%get3A_14, %get3A_15, %get3A_16] : memref<1x1x256xf32, #tpu.memory_space<vmem>>, vector<1x1x256xf32>
    %get3A_18 = vector.shape_cast %get3A_17 : vector<1x1x256xf32> to vector<1x256xf32>
    %get3A_19 = arith.constant 0 : index
    %get3A_20 = arith.constant 0 : index
    %get3A_21 = arith.constant 0 : index
    %get3A_22 = vector.load %arg5[%get3A_19, %get3A_20, %get3A_21] : memref<1x1x256xf32, #tpu.memory_space<vmem>>, vector<1x1x256xf32>
    %get3A_23 = vector.shape_cast %get3A_22 : vector<1x1x256xf32> to vector<1x256xf32>
    %get3A_24 = arith.constant 0 : index
    %get3A_25 = arith.constant 0 : index
    %get3A_26 = arith.constant 0 : index
    %get3A_27 = vector.load %arg6[%get3A_24, %get3A_25, %get3A_26] : memref<1x1x256xf32, #tpu.memory_space<vmem>>, vector<1x1x256xf32>
    %get3A_28 = vector.shape_cast %get3A_27 : vector<1x1x256xf32> to vector<1x256xf32>
    %sub3A = vector.broadcast %get3A_3 : vector<1024x1xf32> to vector<1024x256xf32>
    %sub3A_29 = vector.broadcast %get3A_18 : vector<1x256xf32> to vector<1024x256xf32>
    %sub3A_30 = arith.subf %sub3A, %sub3A_29 : vector<1024x256xf32>
    %sub3A_31 = vector.broadcast %get3A_8 : vector<1024x1xf32> to vector<1024x256xf32>
    %sub3A_32 = vector.broadcast %get3A_23 : vector<1x256xf32> to vector<1024x256xf32>
    %sub3A_33 = arith.subf %sub3A_31, %sub3A_32 : vector<1024x256xf32>
    %sub3A_34 = vector.broadcast %get3A_13 : vector<1024x1xf32> to vector<1024x256xf32>
    %sub3A_35 = vector.broadcast %get3A_28 : vector<1x256xf32> to vector<1024x256xf32>
    %sub3A_36 = arith.subf %sub3A_34, %sub3A_35 : vector<1024x256xf32>
    %mul3A = arith.mulf %sub3A_30, %sub3A_30 : vector<1024x256xf32>
    %mul3A_37 = arith.mulf %sub3A_33, %sub3A_33 : vector<1024x256xf32>
    %add3A = arith.addf %mul3A, %mul3A_37 : vector<1024x256xf32>
    %mul3A_38 = arith.mulf %sub3A_36, %sub3A_36 : vector<1024x256xf32>
    %add3A_39 = arith.addf %add3A, %mul3A_38 : vector<1024x256xf32>
    %iota3A = tpu.iota {dimensions = array<i32: 1>} : vector<1x256xi32>
    %broadcast_in_dim3A = arith.constant 0.000000e+00 : f32
    %broadcast_in_dim3A_40 = vector.broadcast %broadcast_in_dim3A : f32 to vector<1024x256xf32>
    %broadcast_in_dim3A_41 = arith.constant 0.000000e+00 : f32
    %broadcast_in_dim3A_42 = vector.broadcast %broadcast_in_dim3A_41 : f32 to vector<1024x1xf32>
    %reduce_min3A = arith.constant dense<0x7F800000> : vector<1024xf32>
    %reduce_min3A_43 = vector.multi_reduction <minimumf>, %add3A_39, %reduce_min3A [1] : vector<1024x256xf32> to vector<1024xf32>
    %broadcast_in_dim3A_44 = vector.shape_cast %reduce_min3A_43 : vector<1024xf32> to vector<1024x1xf32>
    %eq3A = vector.broadcast %broadcast_in_dim3A_44 : vector<1024x1xf32> to vector<1024x256xf32>
    %eq3A_45 = arith.cmpf oeq, %add3A_39, %eq3A : vector<1024x256xf32>
    %jit3A = arith.constant 256 : i32
    %broadcast_in_dim3A_46 = vector.shape_cast %iota3A : vector<1x256xi32> to vector<1x256xi32>
    %broadcast_in_dim3A_47 = vector.broadcast %broadcast_in_dim3A_46 : vector<1x256xi32> to vector<1024x256xi32>
    %broadcast_in_dim3A_48 = vector.broadcast %jit3A : i32 to vector<1024x256xi32>
    %select_n3A = arith.select %eq3A_45, %broadcast_in_dim3A_47, %broadcast_in_dim3A_48 : vector<1024x256xi1>, vector<1024x256xi32>
    %reduce_min3A_49 = arith.constant dense<2147483647> : vector<1024xi32>
    %reduce_min3A_50 = vector.multi_reduction <minsi>, %select_n3A, %reduce_min3A_49 [1] : vector<1024x256xi32> to vector<1024xi32>
    %broadcast_in_dim3A_51 = vector.shape_cast %reduce_min3A_50 : vector<1024xi32> to vector<1024x1xi32>
    %eq3A_52 = vector.broadcast %iota3A : vector<1x256xi32> to vector<1024x256xi32>
    %eq3A_53 = vector.broadcast %broadcast_in_dim3A_51 : vector<1024x1xi32> to vector<1024x256xi32>
    %eq3A_54 = arith.cmpi eq, %eq3A_52, %eq3A_53 : vector<1024x256xi32>
    %max3A = arith.constant 1.000000e-16 : f32
    %max3A_55 = vector.broadcast %max3A : f32 to vector<1024x1xf32>
    %max3A_56 = arith.maximumf %broadcast_in_dim3A_44, %max3A_55 : vector<1024x1xf32>
    %div3A = arith.constant 1.000000e+00 : f32
    %div3A_57 = vector.broadcast %div3A : f32 to vector<1024x1xf32>
    %div3A_58 = arith.divf %div3A_57, %max3A_56 : vector<1024x1xf32>
    %broadcast_in_dim3A_59 = vector.shape_cast %div3A_58 : vector<1024x1xf32> to vector<1024x1xf32>
    %broadcast_in_dim3A_60 = vector.broadcast %broadcast_in_dim3A_59 : vector<1024x1xf32> to vector<1024x256xf32>
    %select_n3A_61 = arith.select %eq3A_54, %broadcast_in_dim3A_60, %broadcast_in_dim3A_40 : vector<1024x256xi1>, vector<1024x256xf32>
    %add3A_62 = arith.addf %broadcast_in_dim3A_42, %div3A_58 : vector<1024x1xf32>
    %jit3A_63 = arith.constant 0x7F800000 : f32
    %broadcast_in_dim3A_64 = vector.broadcast %jit3A_63 : f32 to vector<1024x256xf32>
    %select_n3A_65 = arith.select %eq3A_54, %broadcast_in_dim3A_64, %add3A_39 : vector<1024x256xi1>, vector<1024x256xf32>
    %reduce_min3A_66 = arith.constant dense<0x7F800000> : vector<1024xf32>
    %reduce_min3A_67 = vector.multi_reduction <minimumf>, %select_n3A_65, %reduce_min3A_66 [1] : vector<1024x256xf32> to vector<1024xf32>
    %broadcast_in_dim3A_68 = vector.shape_cast %reduce_min3A_67 : vector<1024xf32> to vector<1024x1xf32>
    %eq3A_69 = vector.broadcast %broadcast_in_dim3A_68 : vector<1024x1xf32> to vector<1024x256xf32>
    %eq3A_70 = arith.cmpf oeq, %select_n3A_65, %eq3A_69 : vector<1024x256xf32>
    %jit3A_71 = arith.constant 256 : i32
    %broadcast_in_dim3A_72 = vector.shape_cast %iota3A : vector<1x256xi32> to vector<1x256xi32>
    %broadcast_in_dim3A_73 = vector.broadcast %broadcast_in_dim3A_72 : vector<1x256xi32> to vector<1024x256xi32>
    %broadcast_in_dim3A_74 = vector.broadcast %jit3A_71 : i32 to vector<1024x256xi32>
    %select_n3A_75 = arith.select %eq3A_70, %broadcast_in_dim3A_73, %broadcast_in_dim3A_74 : vector<1024x256xi1>, vector<1024x256xi32>
    %reduce_min3A_76 = arith.constant dense<2147483647> : vector<1024xi32>
    %reduce_min3A_77 = vector.multi_reduction <minsi>, %select_n3A_75, %reduce_min3A_76 [1] : vector<1024x256xi32> to vector<1024xi32>
    %broadcast_in_dim3A_78 = vector.shape_cast %reduce_min3A_77 : vector<1024xi32> to vector<1024x1xi32>
    %eq3A_79 = vector.broadcast %iota3A : vector<1x256xi32> to vector<1024x256xi32>
    %eq3A_80 = vector.broadcast %broadcast_in_dim3A_78 : vector<1024x1xi32> to vector<1024x256xi32>
    %eq3A_81 = arith.cmpi eq, %eq3A_79, %eq3A_80 : vector<1024x256xi32>
    %max3A_82 = arith.constant 1.000000e-16 : f32
    %max3A_83 = vector.broadcast %max3A_82 : f32 to vector<1024x1xf32>
    %max3A_84 = arith.maximumf %broadcast_in_dim3A_68, %max3A_83 : vector<1024x1xf32>
    %div3A_85 = arith.constant 1.000000e+00 : f32
    %div3A_86 = vector.broadcast %div3A_85 : f32 to vector<1024x1xf32>
    %div3A_87 = arith.divf %div3A_86, %max3A_84 : vector<1024x1xf32>
    %broadcast_in_dim3A_88 = vector.shape_cast %div3A_87 : vector<1024x1xf32> to vector<1024x1xf32>
    %broadcast_in_dim3A_89 = vector.broadcast %broadcast_in_dim3A_88 : vector<1024x1xf32> to vector<1024x256xf32>
    %select_n3A_90 = arith.select %eq3A_81, %broadcast_in_dim3A_89, %select_n3A_61 : vector<1024x256xi1>, vector<1024x256xf32>
    %add3A_91 = arith.addf %add3A_62, %div3A_87 : vector<1024x1xf32>
    %jit3A_92 = arith.constant 0x7F800000 : f32
    %broadcast_in_dim3A_93 = vector.broadcast %jit3A_92 : f32 to vector<1024x256xf32>
    %select_n3A_94 = arith.select %eq3A_81, %broadcast_in_dim3A_93, %select_n3A_65 : vector<1024x256xi1>, vector<1024x256xf32>
    %reduce_min3A_95 = arith.constant dense<0x7F800000> : vector<1024xf32>
    %reduce_min3A_96 = vector.multi_reduction <minimumf>, %select_n3A_94, %reduce_min3A_95 [1] : vector<1024x256xf32> to vector<1024xf32>
    %broadcast_in_dim3A_97 = vector.shape_cast %reduce_min3A_96 : vector<1024xf32> to vector<1024x1xf32>
    %eq3A_98 = vector.broadcast %broadcast_in_dim3A_97 : vector<1024x1xf32> to vector<1024x256xf32>
    %eq3A_99 = arith.cmpf oeq, %select_n3A_94, %eq3A_98 : vector<1024x256xf32>
    %jit3A_100 = arith.constant 256 : i32
    %broadcast_in_dim3A_101 = vector.shape_cast %iota3A : vector<1x256xi32> to vector<1x256xi32>
    %broadcast_in_dim3A_102 = vector.broadcast %broadcast_in_dim3A_101 : vector<1x256xi32> to vector<1024x256xi32>
    %broadcast_in_dim3A_103 = vector.broadcast %jit3A_100 : i32 to vector<1024x256xi32>
    %select_n3A_104 = arith.select %eq3A_99, %broadcast_in_dim3A_102, %broadcast_in_dim3A_103 : vector<1024x256xi1>, vector<1024x256xi32>
    %reduce_min3A_105 = arith.constant dense<2147483647> : vector<1024xi32>
    %reduce_min3A_106 = vector.multi_reduction <minsi>, %select_n3A_104, %reduce_min3A_105 [1] : vector<1024x256xi32> to vector<1024xi32>
    %broadcast_in_dim3A_107 = vector.shape_cast %reduce_min3A_106 : vector<1024xi32> to vector<1024x1xi32>
    %eq3A_108 = vector.broadcast %iota3A : vector<1x256xi32> to vector<1024x256xi32>
    %eq3A_109 = vector.broadcast %broadcast_in_dim3A_107 : vector<1024x1xi32> to vector<1024x256xi32>
    %eq3A_110 = arith.cmpi eq, %eq3A_108, %eq3A_109 : vector<1024x256xi32>
    %max3A_111 = arith.constant 1.000000e-16 : f32
    %max3A_112 = vector.broadcast %max3A_111 : f32 to vector<1024x1xf32>
    %max3A_113 = arith.maximumf %broadcast_in_dim3A_97, %max3A_112 : vector<1024x1xf32>
    %div3A_114 = arith.constant 1.000000e+00 : f32
    %div3A_115 = vector.broadcast %div3A_114 : f32 to vector<1024x1xf32>
    %div3A_116 = arith.divf %div3A_115, %max3A_113 : vector<1024x1xf32>
    %broadcast_in_dim3A_117 = vector.shape_cast %div3A_116 : vector<1024x1xf32> to vector<1024x1xf32>
    %broadcast_in_dim3A_118 = vector.broadcast %broadcast_in_dim3A_117 : vector<1024x1xf32> to vector<1024x256xf32>
    %select_n3A_119 = arith.select %eq3A_110, %broadcast_in_dim3A_118, %select_n3A_90 : vector<1024x256xi1>, vector<1024x256xf32>
    %add3A_120 = arith.addf %add3A_91, %div3A_116 : vector<1024x1xf32>
    %get3A_121 = arith.constant 0 : index
    %get3A_122 = arith.constant 0 : index
    %get3A_123 = arith.constant 0 : index
    %get3A_124 = vector.load %arg7[%get3A_121, %get3A_122, %get3A_123] : memref<1x256x256xf32, #tpu.memory_space<vmem>>, vector<1x256x256xf32>
    %get3A_125 = vector.shape_cast %get3A_124 : vector<1x256x256xf32> to vector<256x256xf32>
    %dot_general3A = arith.constant dense<0.000000e+00> : vector<1024x256xf32>
    %dot_general3A_126 = tpu.matmul %select_n3A_119, %get3A_125, %dot_general3A {dimension_numbers = #tpu.dot_dimension_numbers<[1], [0], [0], [1], [0, 0, 1, 1], [], []>, transpose_lhs_hint = false} : vector<1024x256xf32>, vector<256x256xf32>, vector<1024x256xf32> -> vector<1024x256xf32>
    %div3A_127 = vector.broadcast %add3A_120 : vector<1024x1xf32> to vector<1024x256xf32>
    %div3A_128 = arith.divf %dot_general3A_126, %div3A_127 : vector<1024x256xf32>
    %get3A_129 = arith.constant 0 : index
    %get3A_130 = arith.constant 0 : index
    %get3A_131 = vector.load %arg9[%get3A_129, %get3A_130] : memref<256x256xf32, #tpu.memory_space<vmem>>, vector<256x256xf32>
    %dot_general3A_132 = arith.constant dense<0.000000e+00> : vector<1024x256xf32>
    %dot_general3A_133 = tpu.matmul %div3A_128, %get3A_131, %dot_general3A_132 {dimension_numbers = #tpu.dot_dimension_numbers<[1], [0], [0], [1], [0, 0, 1, 1], [], []>, transpose_lhs_hint = false} : vector<1024x256xf32>, vector<256x256xf32>, vector<1024x256xf32> -> vector<1024x256xf32>
    %get3A_134 = arith.constant 0 : index
    %get3A_135 = arith.constant 0 : index
    %get3A_136 = arith.constant 0 : index
    %get3A_137 = vector.load %arg8[%get3A_134, %get3A_135, %get3A_136] : memref<1x1024x128xf32, #tpu.memory_space<vmem>>, vector<1x1024x128xf32>
    %get3A_138 = vector.shape_cast %get3A_137 : vector<1x1024x128xf32> to vector<1024x128xf32>
    %get3A_139 = arith.constant 0 : index
    %get3A_140 = arith.constant 0 : index
    %get3A_141 = vector.load %arg10[%get3A_139, %get3A_140] : memref<128x256xf32, #tpu.memory_space<vmem>>, vector<128x256xf32>
    %dot_general3A_142 = arith.constant dense<0.000000e+00> : vector<1024x256xf32>
    %dot_general3A_143 = tpu.matmul %get3A_138, %get3A_141, %dot_general3A_142 {dimension_numbers = #tpu.dot_dimension_numbers<[1], [0], [0], [1], [0, 0, 1, 1], [], []>, transpose_lhs_hint = false} : vector<1024x128xf32>, vector<128x256xf32>, vector<1024x256xf32> -> vector<1024x256xf32>
    %add3A_144 = arith.addf %dot_general3A_133, %dot_general3A_143 : vector<1024x256xf32>
    %get3A_145 = arith.constant 0 : index
    %get3A_146 = arith.constant 0 : index
    %get3A_147 = vector.load %arg11[%get3A_145, %get3A_146] : memref<1x256xf32, #tpu.memory_space<vmem>>, vector<1x256xf32>
    %add3A_148 = vector.broadcast %get3A_147 : vector<1x256xf32> to vector<1024x256xf32>
    %add3A_149 = arith.addf %add3A_144, %add3A_148 : vector<1024x256xf32>
    %max3A_150 = arith.constant 0.000000e+00 : f32
    %max3A_151 = vector.broadcast %max3A_150 : f32 to vector<1024x256xf32>
    %max3A_152 = arith.maximumf %add3A_149, %max3A_151 : vector<1024x256xf32>
    %get3A_153 = arith.constant 0 : index
    %get3A_154 = arith.constant 0 : index
    %get3A_155 = vector.load %arg12[%get3A_153, %get3A_154] : memref<256x128xf32, #tpu.memory_space<vmem>>, vector<256x128xf32>
    %dot_general3A_156 = arith.constant dense<0.000000e+00> : vector<1024x128xf32>
    %dot_general3A_157 = tpu.matmul %max3A_152, %get3A_155, %dot_general3A_156 {dimension_numbers = #tpu.dot_dimension_numbers<[1], [0], [0], [1], [0, 0, 1, 1], [], []>, transpose_lhs_hint = false} : vector<1024x256xf32>, vector<256x128xf32>, vector<1024x128xf32> -> vector<1024x128xf32>
    %get3A_158 = arith.constant 0 : index
    %get3A_159 = arith.constant 0 : index
    %get3A_160 = vector.load %arg13[%get3A_158, %get3A_159] : memref<1x128xf32, #tpu.memory_space<vmem>>, vector<1x128xf32>
    %add3A_161 = vector.broadcast %get3A_160 : vector<1x128xf32> to vector<1024x128xf32>
    %add3A_162 = arith.addf %dot_general3A_157, %add3A_161 : vector<1024x128xf32>
    %max3A_163 = arith.constant 0.000000e+00 : f32
    %max3A_164 = vector.broadcast %max3A_163 : f32 to vector<1024x128xf32>
    %max3A_165 = arith.maximumf %add3A_162, %max3A_164 : vector<1024x128xf32>
    %swap3A = arith.constant 0 : index
    %swap3A_166 = arith.constant 0 : index
    %swap3A_167 = arith.constant 0 : index
    %swap3A_168 = vector.load %arg14[%swap3A, %swap3A_166, %swap3A_167] : memref<1x1024x128xf32, #tpu.memory_space<vmem>>, vector<1x1024x128xf32>
    %swap3A_169 = vector.shape_cast %swap3A_168 : vector<1x1024x128xf32> to vector<1024x128xf32>
    %swap3A_170 = vector.shape_cast %max3A_165 : vector<1024x128xf32> to vector<1x1024x128xf32>
    tpu.vector_store %arg14[%swap3A, %swap3A_166, %swap3A_167], %swap3A_170 {strides = array<i32>} : memref<1x1024x128xf32, #tpu.memory_space<vmem>>, vector<1x1024x128xf32>,
    return
  }
  func.func @transform_0(%arg0: i32) -> (i32, i32, i32) {
    %c0_i32 = arith.constant 0 : i32
    %c0_i32_0 = arith.constant 0 : i32
    %c0_i32_1 = arith.constant 0 : i32
    return %arg0, %c0_i32, %c0_i32_0 : i32, i32, i32
  }
  func.func @transform_1(%arg0: i32) -> (i32, i32, i32) {
    %c0_i32 = arith.constant 0 : i32
    %c0_i32_0 = arith.constant 0 : i32
    %c0_i32_1 = arith.constant 0 : i32
    return %arg0, %c0_i32, %c0_i32_0 : i32, i32, i32
  }
  func.func @transform_2(%arg0: i32) -> (i32, i32, i32) {
    %c0_i32 = arith.constant 0 : i32
    %c0_i32_0 = arith.constant 0 : i32
    %c0_i32_1 = arith.constant 0 : i32
    return %arg0, %c0_i32, %c0_i32_0 : i32, i32, i32
  }
  func.func @transform_3(%arg0: i32) -> (i32, i32, i32) {
    %c0_i32 = arith.constant 0 : i32
    %c0_i32_0 = arith.constant 0 : i32
    %c0_i32_1 = arith.constant 0 : i32
    return %arg0, %c0_i32, %c0_i32_0 : i32, i32, i32
  }
  func.func @transform_4(%arg0: i32) -> (i32, i32, i32) {
    %c0_i32 = arith.constant 0 : i32
    %c0_i32_0 = arith.constant 0 : i32
    %c0_i32_1 = arith.constant 0 : i32
    return %arg0, %c0_i32, %c0_i32_0 : i32, i32, i32
  }
  func.func @transform_5(%arg0: i32) -> (i32, i32, i32) {
    %c0_i32 = arith.constant 0 : i32
    %c0_i32_0 = arith.constant 0 : i32
    %c0_i32_1 = arith.constant 0 : i32
    return %arg0, %c0_i32, %c0_i32_0 : i32, i32, i32
  }
  func.func @transform_6(%arg0: i32) -> (i32, i32, i32) {
    %c0_i32 = arith.constant 0 : i32
    %c0_i32_0 = arith.constant 0 : i32
    %c0_i32_1 = arith.constant 0 : i32
    return %arg0, %c0_i32, %c0_i32_0 : i32, i32, i32
  }
  func.func @transform_7(%arg0: i32) -> (i32, i32, i32) {
    %c0_i32 = arith.constant 0 : i32
    %c0_i32_0 = arith.constant 0 : i32
    %c0_i32_1 = arith.constant 0 : i32
    return %arg0, %c0_i32, %c0_i32_0 : i32, i32, i32
  }
  func.func @transform_8(%arg0: i32) -> (i32, i32) {
    %c0_i32 = arith.constant 0 : i32
    %c0_i32_0 = arith.constant 0 : i32
    %c0_i32_1 = arith.constant 0 : i32
    return %c0_i32, %c0_i32_0 : i32, i32
  }
  func.func @transform_9(%arg0: i32) -> (i32, i32) {
    %c0_i32 = arith.constant 0 : i32
    %c0_i32_0 = arith.constant 0 : i32
    %c0_i32_1 = arith.constant 0 : i32
    return %c0_i32, %c0_i32_0 : i32, i32
  }
  func.func @transform_10(%arg0: i32) -> (i32, i32) {
    %c0_i32 = arith.constant 0 : i32
    %c0_i32_0 = arith.constant 0 : i32
    %c0_i32_1 = arith.constant 0 : i32
    return %c0_i32, %c0_i32_0 : i32, i32
  }
  func.func @transform_11(%arg0: i32) -> (i32, i32) {
    %c0_i32 = arith.constant 0 : i32
    %c0_i32_0 = arith.constant 0 : i32
    %c0_i32_1 = arith.constant 0 : i32
    return %c0_i32, %c0_i32_0 : i32, i32
  }
  func.func @transform_12(%arg0: i32) -> (i32, i32) {
    %c0_i32 = arith.constant 0 : i32
    %c0_i32_0 = arith.constant 0 : i32
    %c0_i32_1 = arith.constant 0 : i32
    return %c0_i32, %c0_i32_0 : i32, i32
  }
  func.func @transform_13(%arg0: i32) -> (i32, i32, i32) {
    %c0_i32 = arith.constant 0 : i32
    %c0_i32_0 = arith.constant 0 : i32
    %c0_i32_1 = arith.constant 0 : i32
    return %arg0, %c0_i32, %c0_i32_0 : i32, i32, i32
  }
}

module attributes {stable_mosaic.version = 14 : i64} {
  func.func @_fp1mlp_body(%arg0: i32, %arg1: i32, %arg2: memref<1x1024x128xf32, #tpu.memory_space<vmem>>, %arg3: memref<1x1024x1xf32, #tpu.memory_space<vmem>>, %arg4: memref<1x1024x1xf32, #tpu.memory_space<vmem>>, %arg5: memref<1x1024x1xf32, #tpu.memory_space<vmem>>, %arg6: memref<128x128xf32, #tpu.memory_space<vmem>>, %arg7: memref<3x128xf32, #tpu.memory_space<vmem>>, %arg8: memref<1x128xf32, #tpu.memory_space<vmem>>, %arg9: memref<128x128xf32, #tpu.memory_space<vmem>>, %arg10: memref<1x128xf32, #tpu.memory_space<vmem>>, %arg11: memref<128x128xf32, #tpu.memory_space<vmem>>, %arg12: memref<1x128xf32, #tpu.memory_space<vmem>>, %arg13: memref<128x64xf32, #tpu.memory_space<vmem>>, %arg14: memref<1x64xf32, #tpu.memory_space<vmem>>, %arg15: memref<64x1xf32, #tpu.memory_space<vmem>>, %arg16: memref<1x1xf32, #tpu.memory_space<vmem>>, %arg17: memref<1x1024x1xf32, #tpu.memory_space<vmem>>) attributes {dimension_semantics = [#tpu.dimension_semantics<arbitrary>, #tpu.dimension_semantics<arbitrary>], iteration_bounds = array<i64: 8, 4>, scalar_prefetch = 0 : i64, scratch_operands = 0 : i64, tpu.core_type = #tpu.core_type<tc>, window_params = [{transform_indices = @transform_0, window_bounds = array<i64: 1, 1024, 128>}, {transform_indices = @transform_1, window_bounds = array<i64: 1, 1024, 1>}, {transform_indices = @transform_2, window_bounds = array<i64: 1, 1024, 1>}, {transform_indices = @transform_3, window_bounds = array<i64: 1, 1024, 1>}, {pipeline_mode = #tpu.pipeline_mode<synchronous>, transform_indices = @transform_4, window_bounds = array<i64: 128, 128>}, {pipeline_mode = #tpu.pipeline_mode<synchronous>, transform_indices = @transform_5, window_bounds = array<i64: 3, 128>}, {pipeline_mode = #tpu.pipeline_mode<synchronous>, transform_indices = @transform_6, window_bounds = array<i64: 1, 128>}, {pipeline_mode = #tpu.pipeline_mode<synchronous>, transform_indices = @transform_7, window_bounds = array<i64: 128, 128>}, {pipeline_mode = #tpu.pipeline_mode<synchronous>, transform_indices = @transform_8, window_bounds = array<i64: 1, 128>}, {pipeline_mode = #tpu.pipeline_mode<synchronous>, transform_indices = @transform_9, window_bounds = array<i64: 128, 128>}, {pipeline_mode = #tpu.pipeline_mode<synchronous>, transform_indices = @transform_10, window_bounds = array<i64: 1, 128>}, {pipeline_mode = #tpu.pipeline_mode<synchronous>, transform_indices = @transform_11, window_bounds = array<i64: 128, 64>}, {pipeline_mode = #tpu.pipeline_mode<synchronous>, transform_indices = @transform_12, window_bounds = array<i64: 1, 64>}, {pipeline_mode = #tpu.pipeline_mode<synchronous>, transform_indices = @transform_13, window_bounds = array<i64: 64, 1>}, {pipeline_mode = #tpu.pipeline_mode<synchronous>, transform_indices = @transform_14, window_bounds = array<i64: 1, 1>}, {transform_indices = @transform_15, window_bounds = array<i64: 1, 1024, 1>}]} {
    %get3A = arith.constant 0 : index
    %get3A_0 = arith.constant 0 : index
    %get3A_1 = arith.constant 0 : index
    %get3A_2 = vector.load %arg3[%get3A, %get3A_0, %get3A_1] : memref<1x1024x1xf32, #tpu.memory_space<vmem>>, vector<1x1024x1xf32>
    %get3A_3 = vector.shape_cast %get3A_2 : vector<1x1024x1xf32> to vector<1024x1xf32>
    %get3A_4 = arith.constant 0 : index
    %get3A_5 = arith.constant 0 : index
    %get3A_6 = vector.load %arg7[%get3A_4, %get3A_5] : memref<3x128xf32, #tpu.memory_space<vmem>>, vector<1x128xf32>
    %mul3A = vector.broadcast %get3A_3 : vector<1024x1xf32> to vector<1024x128xf32>
    %mul3A_7 = vector.broadcast %get3A_6 : vector<1x128xf32> to vector<1024x128xf32>
    %mul3A_8 = arith.mulf %mul3A, %mul3A_7 : vector<1024x128xf32>
    %get3A_9 = arith.constant 0 : index
    %get3A_10 = arith.constant 0 : index
    %get3A_11 = arith.constant 0 : index
    %get3A_12 = vector.load %arg4[%get3A_9, %get3A_10, %get3A_11] : memref<1x1024x1xf32, #tpu.memory_space<vmem>>, vector<1x1024x1xf32>
    %get3A_13 = vector.shape_cast %get3A_12 : vector<1x1024x1xf32> to vector<1024x1xf32>
    %get3A_14 = arith.constant 1 : index
    %get3A_15 = arith.constant 0 : index
    %get3A_16 = vector.load %arg7[%get3A_14, %get3A_15] : memref<3x128xf32, #tpu.memory_space<vmem>>, vector<1x128xf32>
    %mul3A_17 = vector.broadcast %get3A_13 : vector<1024x1xf32> to vector<1024x128xf32>
    %mul3A_18 = vector.broadcast %get3A_16 : vector<1x128xf32> to vector<1024x128xf32>
    %mul3A_19 = arith.mulf %mul3A_17, %mul3A_18 : vector<1024x128xf32>
    %add3A = arith.addf %mul3A_8, %mul3A_19 : vector<1024x128xf32>
    %get3A_20 = arith.constant 0 : index
    %get3A_21 = arith.constant 0 : index
    %get3A_22 = arith.constant 0 : index
    %get3A_23 = vector.load %arg5[%get3A_20, %get3A_21, %get3A_22] : memref<1x1024x1xf32, #tpu.memory_space<vmem>>, vector<1x1024x1xf32>
    %get3A_24 = vector.shape_cast %get3A_23 : vector<1x1024x1xf32> to vector<1024x1xf32>
    %get3A_25 = arith.constant 2 : index
    %get3A_26 = arith.constant 0 : index
    %get3A_27 = vector.load %arg7[%get3A_25, %get3A_26] : memref<3x128xf32, #tpu.memory_space<vmem>>, vector<1x128xf32>
    %mul3A_28 = vector.broadcast %get3A_24 : vector<1024x1xf32> to vector<1024x128xf32>
    %mul3A_29 = vector.broadcast %get3A_27 : vector<1x128xf32> to vector<1024x128xf32>
    %mul3A_30 = arith.mulf %mul3A_28, %mul3A_29 : vector<1024x128xf32>
    %add3A_31 = arith.addf %add3A, %mul3A_30 : vector<1024x128xf32>
    %get3A_32 = arith.constant 0 : index
    %get3A_33 = arith.constant 0 : index
    %get3A_34 = arith.constant 0 : index
    %get3A_35 = vector.load %arg2[%get3A_32, %get3A_33, %get3A_34] : memref<1x1024x128xf32, #tpu.memory_space<vmem>>, vector<1x1024x128xf32>
    %get3A_36 = vector.shape_cast %get3A_35 : vector<1x1024x128xf32> to vector<1024x128xf32>
    %get3A_37 = arith.constant 0 : index
    %get3A_38 = arith.constant 0 : index
    %get3A_39 = vector.load %arg6[%get3A_37, %get3A_38] : memref<128x128xf32, #tpu.memory_space<vmem>>, vector<128x128xf32>
    %dot_general3A = arith.constant dense<0.000000e+00> : vector<1024x128xf32>
    %dot_general3A_40 = tpu.matmul %get3A_36, %get3A_39, %dot_general3A {dimension_numbers = #tpu.dot_dimension_numbers<[1], [0], [0], [1], [0, 0, 1, 1], [], []>, transpose_lhs_hint = false} : vector<1024x128xf32>, vector<128x128xf32>, vector<1024x128xf32> -> vector<1024x128xf32>
    %add3A_41 = arith.addf %dot_general3A_40, %add3A_31 : vector<1024x128xf32>
    %get3A_42 = arith.constant 0 : index
    %get3A_43 = arith.constant 0 : index
    %get3A_44 = vector.load %arg8[%get3A_42, %get3A_43] : memref<1x128xf32, #tpu.memory_space<vmem>>, vector<1x128xf32>
    %add3A_45 = vector.broadcast %get3A_44 : vector<1x128xf32> to vector<1024x128xf32>
    %add3A_46 = arith.addf %add3A_41, %add3A_45 : vector<1024x128xf32>
    %max3A = arith.constant 0.000000e+00 : f32
    %max3A_47 = vector.broadcast %max3A : f32 to vector<1024x128xf32>
    %max3A_48 = arith.maximumf %add3A_46, %max3A_47 : vector<1024x128xf32>
    %get3A_49 = arith.constant 0 : index
    %get3A_50 = arith.constant 0 : index
    %get3A_51 = vector.load %arg9[%get3A_49, %get3A_50] : memref<128x128xf32, #tpu.memory_space<vmem>>, vector<128x128xf32>
    %dot_general3A_52 = arith.constant dense<0.000000e+00> : vector<1024x128xf32>
    %dot_general3A_53 = tpu.matmul %max3A_48, %get3A_51, %dot_general3A_52 {dimension_numbers = #tpu.dot_dimension_numbers<[1], [0], [0], [1], [0, 0, 1, 1], [], []>, transpose_lhs_hint = false} : vector<1024x128xf32>, vector<128x128xf32>, vector<1024x128xf32> -> vector<1024x128xf32>
    %get3A_54 = arith.constant 0 : index
    %get3A_55 = arith.constant 0 : index
    %get3A_56 = vector.load %arg10[%get3A_54, %get3A_55] : memref<1x128xf32, #tpu.memory_space<vmem>>, vector<1x128xf32>
    %add3A_57 = vector.broadcast %get3A_56 : vector<1x128xf32> to vector<1024x128xf32>
    %add3A_58 = arith.addf %dot_general3A_53, %add3A_57 : vector<1024x128xf32>
    %max3A_59 = arith.constant 0.000000e+00 : f32
    %max3A_60 = vector.broadcast %max3A_59 : f32 to vector<1024x128xf32>
    %max3A_61 = arith.maximumf %add3A_58, %max3A_60 : vector<1024x128xf32>
    %get3A_62 = arith.constant 0 : index
    %get3A_63 = arith.constant 0 : index
    %get3A_64 = vector.load %arg11[%get3A_62, %get3A_63] : memref<128x128xf32, #tpu.memory_space<vmem>>, vector<128x128xf32>
    %dot_general3A_65 = arith.constant dense<0.000000e+00> : vector<1024x128xf32>
    %dot_general3A_66 = tpu.matmul %max3A_61, %get3A_64, %dot_general3A_65 {dimension_numbers = #tpu.dot_dimension_numbers<[1], [0], [0], [1], [0, 0, 1, 1], [], []>, transpose_lhs_hint = false} : vector<1024x128xf32>, vector<128x128xf32>, vector<1024x128xf32> -> vector<1024x128xf32>
    %get3A_67 = arith.constant 0 : index
    %get3A_68 = arith.constant 0 : index
    %get3A_69 = vector.load %arg12[%get3A_67, %get3A_68] : memref<1x128xf32, #tpu.memory_space<vmem>>, vector<1x128xf32>
    %add3A_70 = vector.broadcast %get3A_69 : vector<1x128xf32> to vector<1024x128xf32>
    %add3A_71 = arith.addf %dot_general3A_66, %add3A_70 : vector<1024x128xf32>
    %max3A_72 = arith.constant 0.000000e+00 : f32
    %max3A_73 = vector.broadcast %max3A_72 : f32 to vector<1024x128xf32>
    %max3A_74 = arith.maximumf %add3A_71, %max3A_73 : vector<1024x128xf32>
    %get3A_75 = arith.constant 0 : index
    %get3A_76 = arith.constant 0 : index
    %get3A_77 = vector.load %arg13[%get3A_75, %get3A_76] : memref<128x64xf32, #tpu.memory_space<vmem>>, vector<128x64xf32>
    %dot_general3A_78 = arith.constant dense<0.000000e+00> : vector<1024x64xf32>
    %dot_general3A_79 = tpu.matmul %max3A_74, %get3A_77, %dot_general3A_78 {dimension_numbers = #tpu.dot_dimension_numbers<[1], [0], [0], [1], [0, 0, 1, 1], [], []>, transpose_lhs_hint = false} : vector<1024x128xf32>, vector<128x64xf32>, vector<1024x64xf32> -> vector<1024x64xf32>
    %get3A_80 = arith.constant 0 : index
    %get3A_81 = arith.constant 0 : index
    %get3A_82 = vector.load %arg14[%get3A_80, %get3A_81] : memref<1x64xf32, #tpu.memory_space<vmem>>, vector<1x64xf32>
    %add3A_83 = vector.broadcast %get3A_82 : vector<1x64xf32> to vector<1024x64xf32>
    %add3A_84 = arith.addf %dot_general3A_79, %add3A_83 : vector<1024x64xf32>
    %max3A_85 = arith.constant 0.000000e+00 : f32
    %max3A_86 = vector.broadcast %max3A_85 : f32 to vector<1024x64xf32>
    %max3A_87 = arith.maximumf %add3A_84, %max3A_86 : vector<1024x64xf32>
    %get3A_88 = arith.constant 0 : index
    %get3A_89 = arith.constant 0 : index
    %get3A_90 = vector.load %arg15[%get3A_88, %get3A_89] : memref<64x1xf32, #tpu.memory_space<vmem>>, vector<64x1xf32>
    %dot_general3A_91 = arith.constant dense<0.000000e+00> : vector<1024x1xf32>
    %dot_general3A_92 = tpu.matmul %max3A_87, %get3A_90, %dot_general3A_91 {dimension_numbers = #tpu.dot_dimension_numbers<[1], [0], [0], [1], [0, 0, 1, 1], [], []>, transpose_lhs_hint = false} : vector<1024x64xf32>, vector<64x1xf32>, vector<1024x1xf32> -> vector<1024x1xf32>
    %get3A_93 = arith.constant 0 : index
    %get3A_94 = arith.constant 0 : index
    %get3A_95 = vector.load %arg16[%get3A_93, %get3A_94] : memref<1x1xf32, #tpu.memory_space<vmem>>, vector<1x1xf32>
    %add3A_96 = vector.broadcast %get3A_95 : vector<1x1xf32> to vector<1024x1xf32>
    %add3A_97 = arith.addf %dot_general3A_92, %add3A_96 : vector<1024x1xf32>
    %max3A_98 = arith.constant 0.000000e+00 : f32
    %max3A_99 = vector.broadcast %max3A_98 : f32 to vector<1024x1xf32>
    %max3A_100 = arith.maximumf %add3A_97, %max3A_99 : vector<1024x1xf32>
    %abs3A = math.absf %add3A_97 : vector<1024x1xf32>
    %neg3A = arith.constant 0.000000e+00 : f32
    %neg3A_101 = vector.broadcast %neg3A : f32 to vector<1024x1xf32>
    %neg3A_102 = arith.subf %neg3A_101, %abs3A : vector<1024x1xf32>
    %exp3A = math.exp %neg3A_102 : vector<1024x1xf32>
    %add3A_103 = arith.constant 1.000000e+00 : f32
    %add3A_104 = vector.broadcast %add3A_103 : f32 to vector<1024x1xf32>
    %add3A_105 = arith.addf %add3A_104, %exp3A : vector<1024x1xf32>
    %log3A = math.log %add3A_105 : vector<1024x1xf32>
    %add3A_106 = arith.addf %max3A_100, %log3A : vector<1024x1xf32>
    %add3A_107 = arith.constant 0.00999999977 : f32
    %add3A_108 = vector.broadcast %add3A_107 : f32 to vector<1024x1xf32>
    %add3A_109 = arith.addf %add3A_106, %add3A_108 : vector<1024x1xf32>
    %swap3A = arith.constant 0 : index
    %swap3A_110 = arith.constant 0 : index
    %swap3A_111 = arith.constant 0 : index
    %swap3A_112 = vector.load %arg17[%swap3A, %swap3A_110, %swap3A_111] : memref<1x1024x1xf32, #tpu.memory_space<vmem>>, vector<1x1024x1xf32>
    %swap3A_113 = vector.shape_cast %swap3A_112 : vector<1x1024x1xf32> to vector<1024x1xf32>
    %swap3A_114 = vector.shape_cast %add3A_109 : vector<1024x1xf32> to vector<1x1024x1xf32>
    tpu.vector_store %arg17[%swap3A, %swap3A_110, %swap3A_111], %swap3A_114 {strides = array<i32>} : memref<1x1024x1xf32, #tpu.memory_space<vmem>>, vector<1x1024x1xf32>,
    return
  }
  func.func @transform_0(%arg0: i32, %arg1: i32) -> (i32, i32, i32) {
    %c0_i32 = arith.constant 0 : i32
    %c0_i32_0 = arith.constant 0 : i32
    return %arg0, %arg1, %c0_i32 : i32, i32, i32
  }
  func.func @transform_1(%arg0: i32, %arg1: i32) -> (i32, i32, i32) {
    %c0_i32 = arith.constant 0 : i32
    %c0_i32_0 = arith.constant 0 : i32
    return %arg0, %arg1, %c0_i32 : i32, i32, i32
  }
  func.func @transform_2(%arg0: i32, %arg1: i32) -> (i32, i32, i32) {
    %c0_i32 = arith.constant 0 : i32
    %c0_i32_0 = arith.constant 0 : i32
    return %arg0, %arg1, %c0_i32 : i32, i32, i32
  }
  func.func @transform_3(%arg0: i32, %arg1: i32) -> (i32, i32, i32) {
    %c0_i32 = arith.constant 0 : i32
    %c0_i32_0 = arith.constant 0 : i32
    return %arg0, %arg1, %c0_i32 : i32, i32, i32
  }
  func.func @transform_4(%arg0: i32, %arg1: i32) -> (i32, i32) {
    %c0_i32 = arith.constant 0 : i32
    %c0_i32_0 = arith.constant 0 : i32
    %c0_i32_1 = arith.constant 0 : i32
    return %c0_i32, %c0_i32_0 : i32, i32
  }
  func.func @transform_5(%arg0: i32, %arg1: i32) -> (i32, i32) {
    %c0_i32 = arith.constant 0 : i32
    %c0_i32_0 = arith.constant 0 : i32
    %c0_i32_1 = arith.constant 0 : i32
    return %c0_i32, %c0_i32_0 : i32, i32
  }
  func.func @transform_6(%arg0: i32, %arg1: i32) -> (i32, i32) {
    %c0_i32 = arith.constant 0 : i32
    %c0_i32_0 = arith.constant 0 : i32
    %c0_i32_1 = arith.constant 0 : i32
    return %c0_i32, %c0_i32_0 : i32, i32
  }
  func.func @transform_7(%arg0: i32, %arg1: i32) -> (i32, i32) {
    %c0_i32 = arith.constant 0 : i32
    %c0_i32_0 = arith.constant 0 : i32
    %c0_i32_1 = arith.constant 0 : i32
    return %c0_i32, %c0_i32_0 : i32, i32
  }
  func.func @transform_8(%arg0: i32, %arg1: i32) -> (i32, i32) {
    %c0_i32 = arith.constant 0 : i32
    %c0_i32_0 = arith.constant 0 : i32
    %c0_i32_1 = arith.constant 0 : i32
    return %c0_i32, %c0_i32_0 : i32, i32
  }
  func.func @transform_9(%arg0: i32, %arg1: i32) -> (i32, i32) {
    %c0_i32 = arith.constant 0 : i32
    %c0_i32_0 = arith.constant 0 : i32
    %c0_i32_1 = arith.constant 0 : i32
    return %c0_i32, %c0_i32_0 : i32, i32
  }
  func.func @transform_10(%arg0: i32, %arg1: i32) -> (i32, i32) {
    %c0_i32 = arith.constant 0 : i32
    %c0_i32_0 = arith.constant 0 : i32
    %c0_i32_1 = arith.constant 0 : i32
    return %c0_i32, %c0_i32_0 : i32, i32
  }
  func.func @transform_11(%arg0: i32, %arg1: i32) -> (i32, i32) {
    %c0_i32 = arith.constant 0 : i32
    %c0_i32_0 = arith.constant 0 : i32
    %c0_i32_1 = arith.constant 0 : i32
    return %c0_i32, %c0_i32_0 : i32, i32
  }
  func.func @transform_12(%arg0: i32, %arg1: i32) -> (i32, i32) {
    %c0_i32 = arith.constant 0 : i32
    %c0_i32_0 = arith.constant 0 : i32
    %c0_i32_1 = arith.constant 0 : i32
    return %c0_i32, %c0_i32_0 : i32, i32
  }
  func.func @transform_13(%arg0: i32, %arg1: i32) -> (i32, i32) {
    %c0_i32 = arith.constant 0 : i32
    %c0_i32_0 = arith.constant 0 : i32
    %c0_i32_1 = arith.constant 0 : i32
    return %c0_i32, %c0_i32_0 : i32, i32
  }
  func.func @transform_14(%arg0: i32, %arg1: i32) -> (i32, i32) {
    %c0_i32 = arith.constant 0 : i32
    %c0_i32_0 = arith.constant 0 : i32
    %c0_i32_1 = arith.constant 0 : i32
    return %c0_i32, %c0_i32_0 : i32, i32
  }
  func.func @transform_15(%arg0: i32, %arg1: i32) -> (i32, i32, i32) {
    %c0_i32 = arith.constant 0 : i32
    %c0_i32_0 = arith.constant 0 : i32
    return %arg0, %arg1, %c0_i32 : i32, i32, i32
  }
}

</mosaic_0001>

<sc_bundles>
// kernel: kernel.11.cloned.1.call-start
scs
__scs_entry_jumppad:
0x0: {  	(pc) =	sbr.rel $0x88, $3  }
0x1: {  	(tag) =	ssettag $0x0;
	lr =	simm.s32 $0x1  }
0x2: {  	[smem:$0x3F7C] =	sst lr;
	_ =	strace $0xD0000000  }
0x3: {  	_ = 	snop  }
0x4: {  	_ = 	snop  }
0x5: {  	_ = 	snop  }
0x6: {  	_ = 	snop  }
0x7: {  	_ = 	snop  }
__scs_overlays_trampoline_lowered:
0x8: {  	[smem:$0x3F8B] =	sst s0  }
0x9: {  	[smem:$0x3F8C] =	sst s1  }
0xa: {  	[smem:$0x3F8D] =	sst s2  }
0xb: {  	[smem:$0x3F8E] =	sst s3  }
0xc: {  	[smem:$0x3F8F] =	sst s4  }
0xd: {  	[smem:$0x3F90] =	sst s5  }
0xe: {  	[smem:$0x3F91] =	sst s6  }
0xf: {  	[smem:$0x3F92] =	sst s7  }
0x10: {  	[smem:$0x3F93] =	sst s8  }
0x11: {  	[smem:$0x3F94] =	sst s9;
	s0 =	simm.s32 @!p0 $0x0  }
0x12: {  	s1 =	sld [smem:$0x3F7A];
	s0 =	simm.s32 @p0 $0x1  }
0x13: {  	[smem:$0x3F95] =	sst s0;
	s0 =	simm.s32 @!p1 $0x0  }
0x14: {  	s2 =	sld [smem:$0x3F79];
	s0 =	simm.s32 @p1 $0x1  }
0x15: {  	[smem:$0x3F96] =	sst s0;
	s0 =	simm.s32 @!p2 $0x0  }
0x16: {  	s3 =	sld [smem:$0x3FDB];
	s0 =	simm.s32 @p2 $0x1  }
0x17: {  	s4 =	simm.s32 $0x1BF5;
	[smem:$0x3F98] =	sst s0  }
0x18: {  	s0 =	sld [smem:$0x3F7B];
	_ =	swait.ge [sflag:s4], $0x0  }
0x19: {  	s7 =	sld [smem:$0x3F7C]  }
0x1a: {  	s8 =	sadd.s32 $0xFFFFE003, lr  }
0x1b: {  	s9 =	sadd.s32 $0xFFFFFEF7, lr;
	s5 =	simm.s32 $0xFFFFFFFF;
	p2 =	slt.u32 s8, $0xFFFFF086  }
0x1c: {  	p1 =	slt.u32 s9, $0xF7A;
	s5 =	simm.s32 @!p2 $0x0  }
0x1d: {  	s5 =	simm.s32 @p1 $0x1;
	p0 =	seq.s32 s7, s2  }
0x1e: {  	s7 =	smul.u32 @!p0 $0xF7A, s2;
	p2 =	seq.s32 @!p0 s5, $0x0  }
0x1f: {  	s9 =	smul.u32 $0xF7A, s1;
	s8 =	simm.s32 @!p0 $0x1BF5;
	p2 =	por !p2, p0  }
0x20: {  	[sflag:s8] =	ssyncset.s32 @!p0 $0xFFFFF086;
	s6 =	sadd.s32 @!p0 s3, s7;
	s7 =	simm.s32 @!p0 $0x108  }
0x21: {  	s3 =	sadd.s32 s3, s9;
	s6 =	sadd.s32 @!p0 $0x88, s6;
	s7 =	simm.s32 @p2 $0x1082  }
0x22: {  	[simem:s7], [sflag:s8] =	dma.local @!p0 [hbm:s6], $0xF7A  }
0x23: {  	s9 =	sor.u32 $0xD0000000, s2;
	s6 =	simm.s32 $0x108;
	_ =	swait.ge @!p0 [sflag:s8], $0x0  }
0x24: {  	s3 =	sadd.s32 $0x88, s3;
	s6 =	simm.s32 @!p1 $0x1082;
	[sflag:s4] =	ssyncset.s32 $0xFFFFF086  }
0x25: {  	[simem:s6], [sflag:s4] =	dma.local [hbm:s3], $0xF7A  }
0x26: {  	[smem:$0x3F7C] =	sst s1;
	(tag) =	ssettag s2;
	_ =	strace s9  }
0x27: {  	s1 =	sld [smem:$0x3F8C]  }
0x28: {  	s2 =	sld [smem:$0x3F8D]  }
0x29: {  	s4 =	sld [smem:$0x3F8F]  }
0x2a: {  	p0 =	seq.s32 s5, $0x0;
	s5 =	sld [smem:$0x3F90]  }
0x2b: {  	s6 =	sld [smem:$0x3F91]  }
0x2c: {  	s7 =	sld [smem:$0x3F92]  }
0x2d: {  	s3 =	simm.s32 $0x108;
	s8 =	sld [smem:$0x3F93]  }
0x2e: {  	s3 =	simm.s32 @!p0 $0x1082;
	s9 =	sld [smem:$0x3F94]  }
0x2f: {  	lr =	sadd.s32 s0, s3;
	s0 =	sld [smem:$0x3F8B]  }
0x30: {  	s3 =	sld [smem:$0x3F8E]  }
0x31: {  	[smem:$0x3F97] =	sst s10  }
0x32: {  	s10 =	sld [smem:$0x3F95];
	_ =	sdelay $0x3  }
0x33: {  	p0 =	seq.s32 s10, $0x1;
	s10 =	sld [smem:$0x3F97];
	_ =	sdelay $0x3  }
0x34: {  	[smem:$0x3F97] =	sst s10  }
0x35: {  	s10 =	sld [smem:$0x3F96];
	_ =	sdelay $0x3  }
0x36: {  	p1 =	seq.s32 s10, $0x1;
	s10 =	sld [smem:$0x3F97];
	_ =	sdelay $0x3  }
0x37: {  	[smem:$0x3F97] =	sst s10  }
0x38: {  	s10 =	sld [smem:$0x3F98]  }
0x39: {  	_ = 	snop;
	(pc) =	sbr.ind lr, $3  }
0x3a: {  	_ = 	snop  }
0x3b: {  	_ = 	snop  }
0x3c: {  	p2 =	seq.s32 s10, $0x1;
	s10 =	sld [smem:$0x3F97]  }
0x3d: {  	_ =	shalt  }
0x3e: {  	_ =	shalt  }
0x3f: {  	_ =	shalt  }
0x40: {  	_ =	shalt  }
0x41: {  	_ =	shalt  }
0x42: {  	_ =	shalt  }
0x43: {  	_ =	shalt  }
0x44: {  	_ =	shalt  }
0x45: {  	_ =	shalt  }
0x46: {  	_ =	shalt  }
0x47: {  	_ =	shalt  }
0x48: {  	_ =	shalt  }
0x49: {  	_ =	shalt  }
0x4a: {  	_ =	shalt  }
0x4b: {  	_ =	shalt  }
0x4c: {  	_ =	shalt  }
0x4d: {  	_ =	shalt  }
0x4e: {  	_ =	shalt  }
0x4f: {  	_ =	shalt  }
0x50: {  	_ =	shalt  }
0x51: {  	_ =	shalt  }
0x52: {  	_ =	shalt  }
0x53: {  	_ =	shalt  }
0x54: {  	_ =	shalt  }
0x55: {  	_ =	shalt  }
0x56: {  	_ =	shalt  }
0x57: {  	_ =	shalt  }
0x58: {  	_ =	shalt  }
0x59: {  	_ =	shalt  }
0x5a: {  	_ =	shalt  }
0x5b: {  	_ =	shalt  }
0x5c: {  	_ =	shalt  }
0x5d: {  	_ =	shalt  }
0x5e: {  	_ =	shalt  }
0x5f: {  	_ =	shalt  }
0x60: {  	_ =	shalt  }
0x61: {  	_ =	shalt  }
0x62: {  	_ =	shalt  }
0x63: {  	_ =	shalt  }
0x64: {  	_ =	shalt  }
0x65: {  	_ =	shalt  }
0x66: {  	_ =	shalt  }
0x67: {  	_ =	shalt  }
0x68: {  	_ =	shalt  }
0x69: {  	_ =	shalt  }
0x6a: {  	_ =	shalt  }
0x6b: {  	_ =	shalt  }
0x6c: {  	_ =	shalt  }
0x6d: {  	_ =	shalt  }
0x6e: {  	_ =	shalt  }
0x6f: {  	_ =	shalt  }
0x70: {  	_ =	shalt  }
0x71: {  	_ =	shalt  }
0x72: {  	_ =	shalt  }
0x73: {  	_ =	shalt  }
0x74: {  	_ =	shalt  }
0x75: {  	_ =	shalt  }
0x76: {  	_ =	shalt  }
0x77: {  	_ =	shalt  }
0x78: {  	_ =	shalt  }
0x79: {  	_ =	shalt  }
0x7a: {  	_ =	shalt  }
0x7b: {  	_ =	shalt  }
0x7c: {  	_ =	shalt  }
0x7d: {  	_ =	shalt  }
0x7e: {  	_ =	shalt  }
0x7f: {  	_ =	shalt  }
0x80: {  	_ =	shalt  }
0x81: {  	_ =	shalt  }
0x82: {  	_ =	shalt  }
0x83: {  	_ =	shalt  }
0x84: {  	_ =	shalt  }
0x85: {  	_ =	shalt  }
0x86: {  	_ =	shalt  }
0x87: {  	_ =	shalt  }
.Lfunc_end0:
.L_simem_size_0:
called_computation_lowered:
.L_overlay_start_0:
0x88: {  	s2 =	sld [smem:$0x3FD9]  }
0x89: {  	s3 =	sld [smem:$0x3FFE];
	_ =	sdelay $0x1  }
0x8a: {  	s1 =	srdreg.scid  }
0x8b: {  	s0 =	sand.u32 $0x1, s1  }
0x8c: {  	s16 =	sshll.u32 s0, $0xA;
	s2 =	sadd.s32 s3, s2  }
0x8d: {  	s2 =	sadd.s32 s2, s16  }
0x8e: {  	[smem:$0x3FA3] =	sst s2  }
0x8f: {  	_ = 	snop  }
0x90: {  	(tm) =	ssettm $0x1  }
0x91: {  	s17 =	sld [smem:$0x3FFB];
	_ =	sdelay $0x3  }
0x92: {  	_ =	strace s17  }
0x93: {  	s2 =	sld [smem:$0x3FFC];
	_ =	sdelay $0x3  }
0x94: {  	_ =	strace s2  }
0x95: {  	s2 =	sld [smem:$0x3FFD];
	_ =	sdelay $0x3  }
0x96: {  	_ =	strace s2  }
0x97: {  	_ =	strace $0x8FFFFFFF  }
0x98: {  	s18 =	sld [smem:$0x3FDB];
	_ =	sdelay $0x1  }
0x99: {  	s19 =	simm.s32 $_scs_section_size  }
0x9a: {  	s4 =	simm.s32 $_size__tile_overlayer_lowered;
	s5 =	simm.s32 $_tile_overlayer_lowered  }
0x9b: {  	s22 =	simm.s32 $0x1BFF;
	s21 =	sshll.u32 s5, $0x1;
	s2 =	sadd.s32 s19, s18  }
0x9c: {  	s6 =	simm.s32 $0x0;
	s20 =	sshll.u32 s4, $0x1;
	s4 =	sadd.s32 s21, s2  }
0x9d: {  	[timem:s6], [sflag:s22] =	dma.local [hbm:s4], s20  }
0x9e: {  	_ =	swait.ge [sflag:s22], s20  }
0x9f: {  	s3 =	ssub.s32 $0x0, s20;
	[sflag:s22] =	ssyncset.done $0x0  }
0xa0: {  	[sflag:s22] =	ssyncadd.s32 s3;
	_ =	sdelay $0x1  }
0xa1: {  	s23 =	simm.s32 $0x1B8B  }
0xa2: {  	_ =	swait.ge [sflag:s23], $0x1  }
0xa3: {  	[sflag:s23] =	ssyncset.done $0x0  }
0xa4: {  	s25 =	simm.s32 $0x1B8E;
	s24 =	sld [smem:$0x3FFE];
	[sflag:s23] =	ssyncadd.s32 $0xFFFFFFFF  }
0xa5: {  	s26 =	simm.s32 $execute0_lowered;
	[smem:$0x3FD2] =	sst s25  }
0xa6: {  	s4 =	sshll.u32 s26, $0x1;
	_ =	strace $0x80000046;
	[dreg:$0x1] =	wrdreg $0xFFFFFFFF  }
0xa7: {  	s28 =	simm.s32 $_size_execute0_lowered;
	s2 =	sadd.s32 s2, s4;
	[dreg:$0x0] =	wrdreg $0x0  }
0xa8: {  	s4 =	sshll.u32 s28, $0x1;
	[dreg:$0x2] =	wrdreg s2  }
0xa9: {  	[dreg:$0x3] =	wrdreg s4  }
0xaa: {  	[dreg:$0x4] =	wrdreg $0xC0  }
0xab: {  	_ =	task [dreg:s6], $0x5FFFF  }
0xac: {  	[dreg:$0x1] =	wrdreg $0xFFFFFFFF  }
0xad: {  	[dreg:$0x0] =	wrdreg $0x60  }
0xae: {  	[dreg:$0x2] =	wrdreg s24  }
0xaf: {  	[dreg:$0x3] =	wrdreg $0x9  }
0xb0: {  	_ =	task.clear_ibuf [dreg:s6], $0x4FFFF;
	_ =	strace $0x90000046  }
0xb1: {  	s29 =	simm.s32 $0x9;
	_ =	strace $0x80000048  }
0xb2: {  	_ =	swait.ge [sflag:s29], $0x1  }
0xb3: {  	[sflag:s29] =	ssyncadd.s32 $0xFFFFFFFF  }
0xb4: {  	_ =	strace $0x90000048  }
0xb5: {  	_ =	sfence  }
0xb6: {  	s30 =	sld [smem:$0x0];
	_ =	sdelay $0x2  }
0xb7: {  	s31 =	sshll.u32 s1, $0xD;
	s1 =	sshrl.u32 s1, $0x2  }
0xb8: {  	s3 =	sand.u32 $0x4000, s31;
	s1 =	sadd.s32 s1, s30  }
0xb9: {  	s0 =	sor.u32 s3, s0;
	s1 =	sshll.u32 s1, $0x11  }
0xba: {  	s0 =	sor.u32 s1, s0  }
0xbb: {  	s0 =	sadd.s32 $0x8F2B, s0  }
0xbc: {  	[sflag:s0] =	ssyncadd.remote.s32 $0x1  }
0xbd: {  	_ =	sfence.sel $0xFFFF  }
0xbe: {  	[dreg:$0x0] =	wrdreg $0xFFFFFFFF;
	(pc) =	sbr.abs _section_cstart, $3  }
0xbf: {  	[dreg:$0x1] =	wrdreg $0xFFFFFFFF  }
0xc0: {  	_ =	task.clear_ibuf [dreg:s6], $0x2FFFF;
	_ =	strace $0x9FFFFFFF  }
0xc1: {  	(tm) =	ssettm $0x7FFFFFFF  }
tec
execute0_lowered:
.L_overlay_start_1:
0x0: {  	(tag) =	ssettag $0x1  }
0x1: {  	s6 =	rddreg [dreg:$0x0]  }
0x2: {  	s0 =	rddreg [dreg:$0x1];
	s1 =	simm.s32 $0x0;
	s2 =	srdreg.scid  }
0x3: {  	s10 =	simm.s32 $0x180;
	s11 =	simm.s32 $0x380;
	s12 =	simm.s32 $0x1  }
0x4: {  	s13 =	simm.s32 $0xC380;
	s14 =	simm.s32 $0x0;
	[smem:$0x7FF] =	sst s1  }
0x5: {  	s7 =	sand.u32 $0x1, s2;
	s3 =	sadd.s32 $0x18F800, s6;
	s4 =	sadd.s32 $0x29F800, s6  }
0x6: {  	s5 =	sadd.s32 $0x2A2800, s6;
	s2 =	stileid.u32;
	s8 =	ssub.s32 $0x2, s7  }
0x7: {  	s6 =	sadd.s32 $0x1AF800, s6;
	_ =	strace $0x80000047;
	s9 =	sshrl.u32 s8, $0x1  }
0x8: {  	s31 =	sshll.u32 s2, $0xB;
	s7 =	sshll.u32 s7, $0xA;
	s8 =	ssub.s32 s8, s9  }
0x9: {  	s7 =	sor.u32 s7, s31;
	s9 =	simm.s32 $0x2;
	s8 =	smax.u32 s8, $0x1  }
.LBB2_1:
0xa: {  	s15 =	simm.s32 $0x0  }
.LBB2_2:
0xb: {  	s16 =	sshll.u32 s15, $0x7  }
0xc: {  	s16 =	sadd.s32 s7, s16  }
0xd: {  	s17 =	smul.u32 $0x3, s16;
	_ =	sdelay $0x1  }
0xe: {  	s17 =	sshrl.u32 s17, $0x3  }
0xf: {  	s19 =	simm.s32 $0x0;
	s18 =	sadd.s32 s4, s17  }
0x10: {  	[tilespmem:s19], [sflag:$0x2] =	stream.linear.gather [hbm4b:s18+s19], $0x180, $0x38;
	[tilespmem:$0x10380] =	vst v63  }
0x11: {  	_ =	swait.ge [sflag:s9], $0x180  }
0x12: {  	[sflag:s9] =	ssyncset.done $0x0  }
0x13: {  	s17 =	sadd.s32 s5, s17;
	[sflag:s9] =	ssyncadd.s32 $0xFFFFFE80  }
0x14: {  	[tilespmem:s10], [sflag:$0x2] =	stream.linear.gather [hbm4b:s17+s19], $0x180, $0x38;
	[tilespmem:$0x10380] =	vst v63  }
0x15: {  	_ =	swait.ge [sflag:s9], $0x180  }
0x16: {  	[sflag:s9] =	ssyncset.done $0x0  }
0x17: {  	[sflag:s9] =	ssyncadd.s32 $0xFFFFFE80  }
0x18: {  	[tilespmem:s11], [sflag:$0x1] =	stream.indirect.gather [hbm4b:s3+s10], $0x80, s19, s10, $0xb8;
	[tilespmem:$0x10380] =	vst v63  }
0x19: {  	_ =	swait.ge [sflag:s12], $0xC000  }
0x1a: {  	[sflag:s12] =	ssyncset.done $0x0  }
0x1b: {  	s31 =	simm.s32 $0x0;
	[sflag:s12] =	ssyncadd.s32 $0xFFFF4000  }
0x1c: {  	s17 =	simm.s32 $0x440;
	v1 =	vld [tilespmem:s31+$0x180]  }
0x1d: {  	v3 =	vld [tilespmem:s17+$0xFFFFFF40]  }
0x1e: {  	v4 =	vld [tilespmem:s17+$0xFFFFFFC0];
	_ =	sdelay $0x1  }
0x1f: {  	v5 =	vld [tilespmem:s17+$0x40]  }
0x20: {  	v0 =	vbroadcast v1, $0x0;
	v2 =	vbroadcast v1, $0x1  }
0x21: {  	v1 =	vbroadcast v1, $0x2  }
0x22: {  	v3 =	vmul.f32 v0, v3;
	v4 =	vmul.f32 v4, v2;
	_ =	sdelay $0x1  }
0x23: {  	v49 =	vmul.f32 v5, v1;
	v3 =	vadd.f32 v4, v3;
	_ =	sdelay $0x1  }
0x24: {  	v3 =	vadd.f32 v49, v3  }
0x25: {  	s18 =	simm.s32 $0xC3C0  }
0x26: {  	[tilespmem:s18+$0xFFFFFFC0] =	vst v3  }
0x27: {  	v3 =	vld [tilespmem:s17+$0xFFFFFF50]  }
0x28: {  	v50 =	vld [tilespmem:s17+$0xFFFFFFD0];
	_ =	sdelay $0x1  }
0x29: {  	v51 =	vld [tilespmem:s17+$0x50];
	_ =	sdelay $0x2  }
0x2a: {  	v3 =	vmul.f32 v3, v0;
	v4 =	vmul.f32 v50, v2;
	_ =	sdelay $0x1  }
0x2b: {  	v5 =	vmul.f32 v51, v1;
	v3 =	vadd.f32 v4, v3;
	_ =	sdelay $0x1  }
0x2c: {  	v3 =	vadd.f32 v5, v3;
	_ =	sdelay $0x1  }
0x2d: {  	[tilespmem:s18+$0xFFFFFFD0] =	vst v3  }
0x2e: {  	v3 =	vld [tilespmem:s17+$0xFFFFFF60]  }
0x2f: {  	v52 =	vld [tilespmem:s17+$0xFFFFFFE0];
	_ =	sdelay $0x1  }
0x30: {  	v53 =	vld [tilespmem:s17+$0x60];
	_ =	sdelay $0x2  }
0x31: {  	v3 =	vmul.f32 v3, v0;
	v4 =	vmul.f32 v52, v2;
	_ =	sdelay $0x1  }
0x32: {  	v54 =	vmul.f32 v53, v1;
	v3 =	vadd.f32 v4, v3;
	_ =	sdelay $0x1  }
0x33: {  	v3 =	vadd.f32 v54, v3;
	_ =	sdelay $0x1  }
0x34: {  	[tilespmem:s18+$0xFFFFFFE0] =	vst v3  }
0x35: {  	v3 =	vld [tilespmem:s17+$0xFFFFFF70]  }
0x36: {  	v55 =	vld [tilespmem:s17+$0xFFFFFFF0];
	_ =	sdelay $0x1  }
0x37: {  	v56 =	vld [tilespmem:s17+$0x70];
	_ =	sdelay $0x2  }
0x38: {  	v3 =	vmul.f32 v3, v0;
	v4 =	vmul.f32 v55, v2;
	_ =	sdelay $0x1  }
0x39: {  	v5 =	vmul.f32 v56, v1;
	v3 =	vadd.f32 v4, v3;
	_ =	sdelay $0x1  }
0x3a: {  	v3 =	vadd.f32 v5, v3;
	_ =	sdelay $0x1  }
0x3b: {  	[tilespmem:s18+$0xFFFFFFF0] =	vst v3  }
0x3c: {  	v3 =	vld [tilespmem:s17+$0xFFFFFF80]  }
0x3d: {  	v57 =	vld [tilespmem:s17+$0x0];
	_ =	sdelay $0x1  }
0x3e: {  	v58 =	vld [tilespmem:s17+$0x80];
	_ =	sdelay $0x2  }
0x3f: {  	v3 =	vmul.f32 v3, v0;
	v4 =	vmul.f32 v57, v2;
	_ =	sdelay $0x1  }
0x40: {  	v59 =	vmul.f32 v58, v1;
	v3 =	vadd.f32 v4, v3;
	_ =	sdelay $0x1  }
0x41: {  	v3 =	vadd.f32 v59, v3;
	_ =	sdelay $0x1  }
0x42: {  	[tilespmem:s18+$0x0] =	vst v3  }
0x43: {  	v3 =	vld [tilespmem:s17+$0xFFFFFF90]  }
0x44: {  	v60 =	vld [tilespmem:s17+$0x10];
	_ =	sdelay $0x1  }
0x45: {  	v61 =	vld [tilespmem:s17+$0x90];
	_ =	sdelay $0x2  }
0x46: {  	v3 =	vmul.f32 v3, v0;
	v4 =	vmul.f32 v60, v2;
	_ =	sdelay $0x1  }
0x47: {  	v5 =	vmul.f32 v61, v1;
	v3 =	vadd.f32 v4, v3;
	_ =	sdelay $0x1  }
0x48: {  	v3 =	vadd.f32 v5, v3;
	_ =	sdelay $0x1  }
0x49: {  	[tilespmem:s18+$0x10] =	vst v3  }
0x4a: {  	v3 =	vld [tilespmem:s17+$0xFFFFFFA0]  }
0x4b: {  	v62 =	vld [tilespmem:s17+$0x20];
	_ =	sdelay $0x1  }
0x4c: {  	v63 =	vld [tilespmem:s17+$0xA0];
	_ =	sdelay $0x2  }
0x4d: {  	v3 =	vmul.f32 v3, v0;
	v4 =	vmul.f32 v62, v2;
	_ =	sdelay $0x1  }
0x4e: {  	v5 =	vmul.f32 v63, v1;
	v3 =	vadd.f32 v4, v3;
	_ =	sdelay $0x1  }
0x4f: {  	v3 =	vadd.f32 v5, v3;
	_ =	sdelay $0x1  }
0x50: {  	s20 =	simm.s32 $0xC;
	s21 =	simm.s32 $0x440;
	s19 =	simm.s32 $0xC3C0;
	[tilespmem:s18+$0x20] =	vst v3  }
.LBB2_3:
0x51: {  	p0 =	sne.s32 s20, $0x5F4;
	v3 =	vld [tilespmem:s17+$0x30];
	s18 =	sadd.s32 $0x80, s18;
	s21 =	sadd.s32 $0x180, s21  }
0x52: {  	s22 =	smov.u32 s20;
	s20 =	sadd.s32 $0xC, s20;
	v4 =	vld [tilespmem:s17+$0xFFFFFFB0]  }
0x53: {  	v5 =	vld [tilespmem:s17+$0xB0];
	s17 =	smov.u32 s21;
	_ =	sdelay $0x2  }
0x54: {  	v2 =	vmul.f32 v3, v2  }
0x55: {  	v0 =	vmul.f32 v4, v0  }
0x56: {  	s22 =	sshra.s32 s22, $0x2;
	v1 =	vmul.f32 v5, v1  }
0x57: {  	v0 =	vadd.f32 v2, v0;
	_ =	sdelay $0x1  }
0x58: {  	v0 =	vadd.f32 v1, v0;
	_ =	sdelay $0x1  }
0x59: {  	[tilespmem:s19+$0x30] =	vst v0;
	s19 =	smov.u32 s18  }
0x5a: {  	v1 =	vld [tilespmem:s22+$0x180]  }
0x5b: {  	v3 =	vld [tilespmem:s21+$0xFFFFFF40]  }
0x5c: {  	v4 =	vld [tilespmem:s21+$0xFFFFFFC0];
	_ =	sdelay $0x1  }
0x5d: {  	v5 =	vld [tilespmem:s21+$0x40]  }
0x5e: {  	v0 =	vbroadcast v1, $0x0;
	v2 =	vbroadcast v1, $0x1  }
0x5f: {  	v1 =	vbroadcast v1, $0x2  }
0x60: {  	v3 =	vmul.f32 v0, v3;
	v4 =	vmul.f32 v4, v2;
	_ =	sdelay $0x1  }
0x61: {  	v3 =	vadd.f32 v4, v3;
	v4 =	vmul.f32 v5, v1;
	_ =	sdelay $0x1  }
0x62: {  	v3 =	vadd.f32 v4, v3;
	_ =	sdelay $0x1  }
0x63: {  	[tilespmem:s18+$0xFFFFFFC0] =	vst v3  }
0x64: {  	v3 =	vld [tilespmem:s21+$0xFFFFFF50]  }
0x65: {  	v4 =	vld [tilespmem:s21+$0xFFFFFFD0]  }
0x66: {  	v5 =	vld [tilespmem:s21+$0x50];
	_ =	sdelay $0x2  }
0x67: {  	v3 =	vmul.f32 v3, v0  }
0x68: {  	v4 =	vmul.f32 v4, v2  }
0x69: {  	v5 =	vmul.f32 v5, v1  }
0x6a: {  	v3 =	vadd.f32 v4, v3;
	_ =	sdelay $0x1  }
0x6b: {  	v3 =	vadd.f32 v5, v3;
	_ =	sdelay $0x1  }
0x6c: {  	[tilespmem:s18+$0xFFFFFFD0] =	vst v3  }
0x6d: {  	v3 =	vld [tilespmem:s21+$0xFFFFFF60]  }
0x6e: {  	v4 =	vld [tilespmem:s21+$0xFFFFFFE0];
	_ =	sdelay $0x1  }
0x6f: {  	v5 =	vld [tilespmem:s21+$0x60];
	_ =	sdelay $0x1  }
0x70: {  	v3 =	vmul.f32 v3, v0  }
0x71: {  	v4 =	vmul.f32 v4, v2;
	_ =	sdelay $0x1  }
0x72: {  	v3 =	vadd.f32 v4, v3;
	v4 =	vmul.f32 v5, v1;
	_ =	sdelay $0x1  }
0x73: {  	v3 =	vadd.f32 v4, v3;
	_ =	sdelay $0x1  }
0x74: {  	[tilespmem:s18+$0xFFFFFFE0] =	vst v3  }
0x75: {  	v3 =	vld [tilespmem:s21+$0xFFFFFF70]  }
0x76: {  	v4 =	vld [tilespmem:s21+$0xFFFFFFF0]  }
0x77: {  	v5 =	vld [tilespmem:s21+$0x70];
	_ =	sdelay $0x2  }
0x78: {  	v3 =	vmul.f32 v3, v0  }
0x79: {  	v4 =	vmul.f32 v4, v2  }
0x7a: {  	v5 =	vmul.f32 v5, v1  }
0x7b: {  	v3 =	vadd.f32 v4, v3;
	_ =	sdelay $0x1  }
0x7c: {  	v3 =	vadd.f32 v5, v3;
	_ =	sdelay $0x1  }
0x7d: {  	[tilespmem:s18+$0xFFFFFFF0] =	vst v3  }
0x7e: {  	v3 =	vld [tilespmem:s21+$0xFFFFFF80]  }
0x7f: {  	v4 =	vld [tilespmem:s21+$0x0];
	_ =	sdelay $0x1  }
0x80: {  	v5 =	vld [tilespmem:s21+$0x80];
	_ =	sdelay $0x1  }
0x81: {  	v3 =	vmul.f32 v3, v0  }
0x82: {  	v4 =	vmul.f32 v4, v2;
	_ =	sdelay $0x1  }
0x83: {  	v3 =	vadd.f32 v4, v3;
	v4 =	vmul.f32 v5, v1;
	_ =	sdelay $0x1  }
0x84: {  	v3 =	vadd.f32 v4, v3;
	_ =	sdelay $0x1  }
0x85: {  	[tilespmem:s18+$0x0] =	vst v3  }
0x86: {  	v3 =	vld [tilespmem:s21+$0xFFFFFF90]  }
0x87: {  	v4 =	vld [tilespmem:s21+$0x10]  }
0x88: {  	v5 =	vld [tilespmem:s21+$0x90];
	_ =	sdelay $0x2  }
0x89: {  	v3 =	vmul.f32 v3, v0  }
0x8a: {  	v4 =	vmul.f32 v4, v2  }
0x8b: {  	v5 =	vmul.f32 v5, v1  }
0x8c: {  	v3 =	vadd.f32 v4, v3;
	_ =	sdelay $0x1  }
0x8d: {  	v3 =	vadd.f32 v5, v3;
	_ =	sdelay $0x1  }
0x8e: {  	[tilespmem:s18+$0x10] =	vst v3  }
0x8f: {  	v3 =	vld [tilespmem:s21+$0xFFFFFFA0]  }
0x90: {  	v4 =	vld [tilespmem:s21+$0x20]  }
0x91: {  	v5 =	vld [tilespmem:s21+$0xA0];
	_ =	sdelay $0x2  }
0x92: {  	v3 =	vmul.f32 v3, v0  }
0x93: {  	v4 =	vmul.f32 v4, v2  }
0x94: {  	v5 =	vmul.f32 v5, v1  }
.Ltmp0:
0x95: {  	v3 =	vadd.f32 v4, v3;
	(pc) =	sbr.rel @p0 .LBB2_3-.Ltmp0, $3  }
0x96: {  	_ = 	snop  }
0x97: {  	v3 =	vadd.f32 v5, v3;
	_ =	sdelay $0x1  }
0x98: {  	[tilespmem:s18+$0x20] =	vst v3  }
0x99: {  	v3 =	vld [tilespmem:s17+$0x30]  }
0x9a: {  	v4 =	vld [tilespmem:s17+$0xFFFFFFB0];
	_ =	sdelay $0x1  }
0x9b: {  	v5 =	vld [tilespmem:s17+$0xB0];
	_ =	sdelay $0x2  }
0x9c: {  	v2 =	vmul.f32 v3, v2;
	v0 =	vmul.f32 v4, v0;
	_ =	sdelay $0x1  }
0x9d: {  	v1 =	vmul.f32 v5, v1;
	v0 =	vadd.f32 v2, v0;
	_ =	sdelay $0x1  }
0x9e: {  	s15 =	sadd.s32 $0x1, s15;
	v0 =	vadd.f32 v1, v0  }
0x9f: {  	s16 =	sshll.u32 s16, $0x4;
	p0 =	sne.s32 s15, $0x8  }
.Ltmp1:
0xa0: {  	s16 =	sadd.s32 s6, s16;
	[tilespmem:s19+$0x30] =	vst v0;
	(pc) =	sbr.rel @p0 .LBB2_2-.Ltmp1, $4  }
0xa1: {  	[hbm4b:s16+s1] =	stream.linear.scatter [tilespmem:s13], [sflag:$0x2], $0x4000, $0x38;
	[tilespmem:$0x10380] =	vst v63  }
0xa2: {  	_ =	swait.ge [sflag:s9], $0x4000  }
0xa3: {  	[sflag:s9] =	ssyncset.done $0x0  }
0xa4: {  	[sflag:s9] =	ssyncadd.s32 $0xFFFFC000  }
0xa5: {  	s14 =	sadd.s32 $0x1, s14  }
0xa6: {  	p0 =	sne.s32 s14, s8  }
.Ltmp2:
0xa7: {  	_ = 	snop;
	(pc) =	sbr.rel @p0 .LBB2_1-.Ltmp2, $1  }
0xa8: {  	_ =	sdelay $0x3  }
0xa9: {  	_ =	sfence.sel $0x180000  }
0xaa: {  	[bflag:$0x0] =	sbarrier.arrive $0xFFFF  }
0xab: {  	p0 =	sne.s32 s2, $0x0;
	_ =	strace $0x90000047  }
0xac: {  	s0 =	sadd.s32 @!p0 $0x100000, s0;
	[bflag:$0x2] =	sbarrier.arrive $0xFFFF  }
0xad: {  	[sflag:s0] =	ssyncadd.tile.s32 @!p0 $0x1;
	_ =	shalt  }
.Lfunc_end2:
_tile_overlayer_lowered:
.L_overlay_start_2:
0xae: {  	(tag) =	ssettag $0x2  }
0xaf: {  	s0 =	rddreg [dreg:$0x0];
	s2 =	stileid.u32  }
0xb0: {  	s1 =	rddreg [dreg:$0x1];
	p0 =	sne.s32 s2, $0x0  }
0xb1: {  	s3 =	rddreg [dreg:$0x2];
	[bflag:$0x3] =	sbarrier.arrive $0xFFFF;
	s2 =	simm.s32 @!p0 $0x1C02  }
0xb2: {  	[timem:s3], [sflag:s2] =	dma.local @!p0 [hbm:s0], s1  }
0xb3: {  	s0 =	simm.s32 @!p0 $0x2  }
0xb4: {  	_ =	swait.ge @!p0 [sflag:s0], s1  }
0xb5: {  	s1 =	ssub.s32 @!p0 $0x0, s1;
	[sflag:s0] =	ssyncset.done @!p0 $0x0  }
0xb6: {  	[sflag:s0] =	ssyncadd.s32 @!p0 s1  }
0xb7: {  	[bflag:$0x3] =	sbarrier.arrive $0xFFFF  }
0xb8: {  	_ =	shalt  }

</sc_bundles>
